<compile_context>
chip_gen: v7x
topology: tpu7x:2x2x1
jax: 0.10.2.dev20260603
libtpu: 0.0.44.dev20260713+nightly
codegen_flags: <defaults>
</compile_context>

<pallas_src>
import functools

import jax
import jax.numpy as jnp
from jax import lax
from jax.experimental import pallas as pl
from jax.experimental.pallas import tpu as pltpu
from jax.experimental.pallas import tpu_sc as plsc

_NUM_CORES = 2
_NUM_SUBCORES = 16
_NUM_WORKERS = _NUM_CORES * _NUM_SUBCORES
_CHUNK = 128
_NBUF = 4
_GLAG = 2
_LANES = 16


@functools.partial(jax.jit, static_argnums=(1,))
def _sc_transpose(table_t, d):
    v = table_t.shape[1]
    per_sr = 128 // d
    cw = 512
    n_full = v // cw
    tail = v - n_full * cw
    sr_per_chunk = cw // per_sr
    mesh = plsc.VectorSubcoreMesh(core_axis_name="c", subcore_axis_name="s")

    @functools.partial(
        pl.kernel,
        mesh=mesh,
        out_type=jax.ShapeDtypeStruct((v * d // 128, 128), jnp.float32),
        scratch_types=[pltpu.VMEM((d, cw), jnp.float32)] * 2
        + [pltpu.VMEM((sr_per_chunk, 128), jnp.float32)] * 2
        + [pltpu.VMEM((d, max(tail, per_sr)), jnp.float32),
           pltpu.VMEM((max(tail // per_sr, 1), 128), jnp.float32)]
        + [pltpu.SemaphoreType.DMA] * 6,
        compiler_params=pltpu.CompilerParams(needs_layout_passes=False),
    )
    def kt(in_hbm, out_hbm, *refs):
        bin_ = refs[0:2]
        bout = refs[2:4]
        tin, tout = refs[4], refs[5]
        sem_i = refs[6:8]
        sem_o = refs[8:10]
        sem_t = refs[10:12]
        wid = lax.axis_index("s") * _NUM_CORES + lax.axis_index("c")
        lanes = lax.iota(jnp.int32, _LANES)
        dims = [(lanes + a) & (d - 1) for a in range(d)]

        def in_copy(c, slot):
            off = pl.multiple_of(c * cw, cw)
            return pltpu.make_async_copy(
                in_hbm.at[:, pl.ds(off, cw)], bin_[slot], sem_i[slot])

        def out_copy(c, slot):
            off = pl.multiple_of(c * sr_per_chunk, sr_per_chunk)
            return pltpu.make_async_copy(
                bout[slot], out_hbm.at[pl.ds(off, sr_per_chunk)],
                sem_o[slot])

        def transpose(src, dst, n_cols):
            def cg_body(cg, carry):
                colv = lanes + cg * _LANES
                srv = lax.shift_right_logical(colv, sr_shift_l)
                cb = (colv & (per_sr - 1)) * d
                for a in range(d):
                    vals = plsc.load_gather(src, [dims[a], colv])
                    plsc.store_scatter(dst, [srv, cb + dims[a]], vals)
                return carry

            lax.fori_loop(0, n_cols // _LANES, cg_body, 0)

        sr_shift_l = per_sr.bit_length() - 1

        n_iter = (n_full + _NUM_WORKERS - 1) // _NUM_WORKERS
        n_pairs = (n_iter + 1) // 2

        def chunk_at(i, k):
            return (2 * i + k) * _NUM_WORKERS + wid

        @pl.when(chunk_at(0, 0) < n_full)
        def _():
            in_copy(chunk_at(0, 0), 0).start()

        @pl.when(chunk_at(0, 1) < n_full)
        def _():
            in_copy(chunk_at(0, 1), 1).start()

        def pair_body(i, carry):
            for k in range(2):
                c = chunk_at(i, k)

                @pl.when(c < n_full)
                def _():
                    in_copy(c, k).wait()

                    @pl.when(i > 0)
                    def _():
                        out_copy(0, k).wait()

                    transpose(bin_[k], bout[k], cw)
                    out_copy(c, k).start()
                    nc = chunk_at(i + 1, k)

                    @pl.when(nc < n_full)
                    def _():
                        in_copy(nc, k).start()

            return carry

        lax.fori_loop(0, n_pairs, pair_body, 0)
        for k in range(2):
            @pl.when(chunk_at(0, k) < n_full)
            def _():
                out_copy(0, k).wait()

        if tail:
            @pl.when(wid == _NUM_WORKERS - 1)
            def _():
                tc_in = pltpu.make_async_copy(
                    in_hbm.at[:, pl.ds(n_full * cw, tail)], tin, sem_t[0])
                tc_in.start()
                tc_in.wait()
                transpose(tin, tout, tail)
                tc_out = pltpu.make_async_copy(
                    tout,
                    out_hbm.at[pl.ds(n_full * sr_per_chunk,
                                     tail // per_sr)], sem_t[1])
                tc_out.start()
                tc_out.wait()

    return kt(table_t)


@functools.partial(jax.jit, static_argnums=(2, 3, 4))
def _sc_gather(flat_ids, table_sr, n_s, n_b, d):
    per_sr = 128 // d
    sr_shift = per_sr.bit_length() - 1
    b_per_w = n_b // _NUM_WORKERS
    chunks_per_row = b_per_w // _CHUNK
    n_chunks = n_s * chunks_per_row
    mesh = plsc.VectorSubcoreMesh(core_axis_name="c", subcore_axis_name="s")

    @functools.partial(
        pl.kernel,
        mesh=mesh,
        out_type=jax.ShapeDtypeStruct((n_s, d, n_b), jnp.float32),
        scratch_types=[pltpu.VMEM((_CHUNK,), jnp.int32)] * _NBUF
        + [pltpu.VMEM((_CHUNK,), jnp.int32)] * _NBUF
        + [pltpu.VMEM((_CHUNK, 128), jnp.float32)] * _NBUF
        + [pltpu.VMEM((d, _CHUNK), jnp.float32)] * _NBUF
        + [pltpu.SemaphoreType.DMA] * (3 * _NBUF),
        compiler_params=pltpu.CompilerParams(needs_layout_passes=False),
    )
    def k(ids_hbm, table_hbm, out_hbm, *refs):
        ids_v = refs[0:_NBUF]
        sup_v = refs[_NBUF:2 * _NBUF]
        rows_v = refs[2 * _NBUF:3 * _NBUF]
        slab_v = refs[3 * _NBUF:4 * _NBUF]
        sems = refs[4 * _NBUF:]
        sem_i = sems[0:_NBUF]
        sem_g = sems[_NBUF:2 * _NBUF]
        sem_s = sems[2 * _NBUF:]
        wid = lax.axis_index("s") * _NUM_CORES + lax.axis_index("c")
        bw0 = wid * b_per_w

        def flat_off(c):
            s = c // chunks_per_row
            h = c % chunks_per_row
            boff = bw0 + h * _CHUNK
            return s, boff, s * n_b + boff

        def ids_copy(c, slot):
            _, _, p0 = flat_off(c)
            return pltpu.make_async_copy(
                ids_hbm.at[pl.ds(p0, _CHUNK)], ids_v[slot], sem_i[slot])

        def sup_compute(slot):
            ids = ids_v[slot]
            sup = sup_v[slot]
            for jb in range(_CHUNK // _LANES):
                j0 = jb * _LANES
                sup[pl.ds(j0, _LANES)] = lax.shift_right_logical(
                    ids[pl.ds(j0, _LANES)], sr_shift)

        def gather(slot):
            return pltpu.make_async_copy(
                table_hbm.at[sup_v[slot]], rows_v[slot], sem_g[slot])

        def store(c, slot):
            s, boff, _ = flat_off(c)
            if not isinstance(boff, int):
                boff = pl.multiple_of(boff, _CHUNK)
            return pltpu.make_async_copy(
                slab_v[slot],
                out_hbm.at[s, :, pl.ds(boff, _CHUNK)], sem_s[slot])

        def extract(slot):
            rows = rows_v[slot]
            ids = ids_v[slot]
            slab = slab_v[slot]
            lanes = lax.iota(jnp.int32, _LANES)

            def jb_body(jb, carry):
                j0 = jb * _LANES
                jv = lanes + j0
                cv = (ids[pl.ds(j0, _LANES)] & (per_sr - 1)) * d
                for a in range(d):
                    dv = (lanes + a) & (d - 1)
                    vals = plsc.load_gather(rows, [jv, cv + dv])
                    plsc.store_scatter(slab, [dv, jv], vals)
                return carry

            lax.fori_loop(0, _CHUNK // _LANES, jb_body, 0)

        for c in range(_NBUF):
            ids_copy(c, c).start()
        for c in range(_GLAG):
            ids_copy(c, c).wait()
            sup_compute(c)
            gather(c).start()

        def chunk_step(g, slot):
            gather(slot).wait()

            @pl.when(g + _GLAG < n_chunks)
            def _():
                nxt = (slot + _GLAG) % _NBUF
                ids_copy(0, nxt).wait()
                sup_compute(nxt)
                gather(nxt).start()

            @pl.when(g >= _NBUF)
            def _():
                store(0, slot).wait()

            extract(slot)
            store(g, slot).start()
            @pl.when(g + _NBUF < n_chunks)
            def _():
                ids_copy(g + _NBUF, slot).start()

        def quad_body(i, carry):
            for k in range(_NBUF):
                chunk_step(i * _NBUF + k, k)
            return carry

        lax.fori_loop(0, n_chunks // _NBUF, quad_body, 0)
        for c in range(n_chunks - _NBUF, n_chunks):
            store(0, c % _NBUF).wait()

    return k(flat_ids, table_sr)


def kernel(token_ids, embed_matrix):
    n_rows, n_cols = token_ids.shape
    d = embed_matrix.shape[1]
    flat = jnp.swapaxes(token_ids, 0, 1).reshape(-1).astype(jnp.int32)
    table_sr = _sc_transpose(jnp.swapaxes(embed_matrix, 0, 1), d)
    out = _sc_gather(flat, table_sr, n_cols, n_rows, d)
    return jnp.transpose(out, (2, 0, 1))

# --- scband reference (transcript-rebuilt; emitter-appended) ---
"""Pipeline reference for scband-eebedding-16277926052580 (READ-ONLY COPY).

The authoritative reference and input builder live on the scoring server;
editing this copy changes nothing except your own understanding.
"""

import jax, jax.numpy as jnp
import numpy as np

NUM_EMBEDDINGS = 1000000
EMBEDDING_DIM = 32

def setup_inputs(seed: int = 0) -> dict:
    key = jax.random.key(seed)
    k1, k2 = jax.random.split(key)
    token_ids = jax.random.randint(k1, (16384, 50), 0, NUM_EMBEDDINGS, dtype=jnp.int64 if jax.config.jax_enable_x64 else jnp.int32)
    std = float(np.sqrt(2.0 / (NUM_EMBEDDINGS + EMBEDDING_DIM)))
    trunc = 3.0 * std
    embed_matrix = jax.random.truncated_normal(k2, -3.0, 3.0, (NUM_EMBEDDINGS, EMBEDDING_DIM), dtype=jnp.float32) * std
    embed_matrix = jnp.clip(embed_matrix, -trunc, trunc)
    return {"token_ids": token_ids, "embed_matrix": embed_matrix}

def reference(token_ids, embed_matrix):
    # Equivalent of self.embed_matrix[token_ids]
    return jnp.take(embed_matrix, token_ids, axis=0)

if __name__ == "__main__":
    import jax
    _d = setup_inputs()
    print(jax.jit(kernel)(*tuple(_d.values())))

</pallas_src>

<mosaic_0001>
#map = affine_map<(d0, d1) -> (0, 0)>
module attributes {stable_mosaic.version = 14 : i64} {
  func.func @kt(%arg0: i32, %arg1: i32, %arg2: memref<32x1000000xf32, #tpu.memory_space<hbm>>, %arg3: memref<250000x128xf32, #tpu.memory_space<hbm>>, %arg4: memref<32x512xf32, #tpu.memory_space<vmem>>, %arg5: memref<32x512xf32, #tpu.memory_space<vmem>>, %arg6: memref<128x128xf32, #tpu.memory_space<vmem>>, %arg7: memref<128x128xf32, #tpu.memory_space<vmem>>, %arg8: memref<32x64xf32, #tpu.memory_space<vmem>>, %arg9: memref<16x128xf32, #tpu.memory_space<vmem>>, %arg10: memref<!tpu.dma_semaphore, #tpu.memory_space<semaphore_mem>>, %arg11: memref<!tpu.dma_semaphore, #tpu.memory_space<semaphore_mem>>, %arg12: memref<!tpu.dma_semaphore, #tpu.memory_space<semaphore_mem>>, %arg13: memref<!tpu.dma_semaphore, #tpu.memory_space<semaphore_mem>>, %arg14: memref<!tpu.dma_semaphore, #tpu.memory_space<semaphore_mem>>, %arg15: memref<!tpu.dma_semaphore, #tpu.memory_space<semaphore_mem>>) attributes {dimension_semantics = [#tpu.dimension_semantics<core_parallel>, #tpu.dimension_semantics<subcore_parallel>], iteration_bounds = array<i64: 2, 16>, scalar_prefetch = 0 : i64, scratch_operands = 12 : i64, tpu.core_type = #tpu.core_type<sc_vector_subcore>, window_params = [{transform_indices = #map}, {transform_indices = #map}]} {
    %mul3A = arith.constant 2 : i32
    %mul3A_0 = arith.muli %arg1, %mul3A : i32
    %add3A = arith.addi %mul3A_0, %arg0 : i32
    %iota3A = tpu.iota {dimensions = array<i32: 0>} : vector<16xi32>
    %add3A_1 = arith.constant 0 : i32
    %add3A_2 = vector.broadcast %add3A_1 : i32 to vector<16xi32>
    %add3A_3 = arith.addi %iota3A, %add3A_2 : vector<16xi32>
    %and3A = arith.constant 31 : i32
    %and3A_4 = vector.broadcast %and3A : i32 to vector<16xi32>
    %and3A_5 = arith.andi %add3A_3, %and3A_4 : vector<16xi32>
    %add3A_6 = arith.constant 1 : i32
    %add3A_7 = vector.broadcast %add3A_6 : i32 to vector<16xi32>
    %add3A_8 = arith.addi %iota3A, %add3A_7 : vector<16xi32>
    %and3A_9 = arith.constant 31 : i32
    %and3A_10 = vector.broadcast %and3A_9 : i32 to vector<16xi32>
    %and3A_11 = arith.andi %add3A_8, %and3A_10 : vector<16xi32>
    %add3A_12 = arith.constant 2 : i32
    %add3A_13 = vector.broadcast %add3A_12 : i32 to vector<16xi32>
    %add3A_14 = arith.addi %iota3A, %add3A_13 : vector<16xi32>
    %and3A_15 = arith.constant 31 : i32
    %and3A_16 = vector.broadcast %and3A_15 : i32 to vector<16xi32>
    %and3A_17 = arith.andi %add3A_14, %and3A_16 : vector<16xi32>
    %add3A_18 = arith.constant 3 : i32
    %add3A_19 = vector.broadcast %add3A_18 : i32 to vector<16xi32>
    %add3A_20 = arith.addi %iota3A, %add3A_19 : vector<16xi32>
    %and3A_21 = arith.constant 31 : i32
    %and3A_22 = vector.broadcast %and3A_21 : i32 to vector<16xi32>
    %and3A_23 = arith.andi %add3A_20, %and3A_22 : vector<16xi32>
    %add3A_24 = arith.constant 4 : i32
    %add3A_25 = vector.broadcast %add3A_24 : i32 to vector<16xi32>
    %add3A_26 = arith.addi %iota3A, %add3A_25 : vector<16xi32>
    %and3A_27 = arith.constant 31 : i32
    %and3A_28 = vector.broadcast %and3A_27 : i32 to vector<16xi32>
    %and3A_29 = arith.andi %add3A_26, %and3A_28 : vector<16xi32>
    %add3A_30 = arith.constant 5 : i32
    %add3A_31 = vector.broadcast %add3A_30 : i32 to vector<16xi32>
    %add3A_32 = arith.addi %iota3A, %add3A_31 : vector<16xi32>
    %and3A_33 = arith.constant 31 : i32
    %and3A_34 = vector.broadcast %and3A_33 : i32 to vector<16xi32>
    %and3A_35 = arith.andi %add3A_32, %and3A_34 : vector<16xi32>
    %add3A_36 = arith.constant 6 : i32
    %add3A_37 = vector.broadcast %add3A_36 : i32 to vector<16xi32>
    %add3A_38 = arith.addi %iota3A, %add3A_37 : vector<16xi32>
    %and3A_39 = arith.constant 31 : i32
    %and3A_40 = vector.broadcast %and3A_39 : i32 to vector<16xi32>
    %and3A_41 = arith.andi %add3A_38, %and3A_40 : vector<16xi32>
    %add3A_42 = arith.constant 7 : i32
    %add3A_43 = vector.broadcast %add3A_42 : i32 to vector<16xi32>
    %add3A_44 = arith.addi %iota3A, %add3A_43 : vector<16xi32>
    %and3A_45 = arith.constant 31 : i32
    %and3A_46 = vector.broadcast %and3A_45 : i32 to vector<16xi32>
    %and3A_47 = arith.andi %add3A_44, %and3A_46 : vector<16xi32>
    %add3A_48 = arith.constant 8 : i32
    %add3A_49 = vector.broadcast %add3A_48 : i32 to vector<16xi32>
    %add3A_50 = arith.addi %iota3A, %add3A_49 : vector<16xi32>
    %and3A_51 = arith.constant 31 : i32
    %and3A_52 = vector.broadcast %and3A_51 : i32 to vector<16xi32>
    %and3A_53 = arith.andi %add3A_50, %and3A_52 : vector<16xi32>
    %add3A_54 = arith.constant 9 : i32
    %add3A_55 = vector.broadcast %add3A_54 : i32 to vector<16xi32>
    %add3A_56 = arith.addi %iota3A, %add3A_55 : vector<16xi32>
    %and3A_57 = arith.constant 31 : i32
    %and3A_58 = vector.broadcast %and3A_57 : i32 to vector<16xi32>
    %and3A_59 = arith.andi %add3A_56, %and3A_58 : vector<16xi32>
    %add3A_60 = arith.constant 10 : i32
    %add3A_61 = vector.broadcast %add3A_60 : i32 to vector<16xi32>
    %add3A_62 = arith.addi %iota3A, %add3A_61 : vector<16xi32>
    %and3A_63 = arith.constant 31 : i32
    %and3A_64 = vector.broadcast %and3A_63 : i32 to vector<16xi32>
    %and3A_65 = arith.andi %add3A_62, %and3A_64 : vector<16xi32>
    %add3A_66 = arith.constant 11 : i32
    %add3A_67 = vector.broadcast %add3A_66 : i32 to vector<16xi32>
    %add3A_68 = arith.addi %iota3A, %add3A_67 : vector<16xi32>
    %and3A_69 = arith.constant 31 : i32
    %and3A_70 = vector.broadcast %and3A_69 : i32 to vector<16xi32>
    %and3A_71 = arith.andi %add3A_68, %and3A_70 : vector<16xi32>
    %add3A_72 = arith.constant 12 : i32
    %add3A_73 = vector.broadcast %add3A_72 : i32 to vector<16xi32>
    %add3A_74 = arith.addi %iota3A, %add3A_73 : vector<16xi32>
    %and3A_75 = arith.constant 31 : i32
    %and3A_76 = vector.broadcast %and3A_75 : i32 to vector<16xi32>
    %and3A_77 = arith.andi %add3A_74, %and3A_76 : vector<16xi32>
    %add3A_78 = arith.constant 13 : i32
    %add3A_79 = vector.broadcast %add3A_78 : i32 to vector<16xi32>
    %add3A_80 = arith.addi %iota3A, %add3A_79 : vector<16xi32>
    %and3A_81 = arith.constant 31 : i32
    %and3A_82 = vector.broadcast %and3A_81 : i32 to vector<16xi32>
    %and3A_83 = arith.andi %add3A_80, %and3A_82 : vector<16xi32>
    %add3A_84 = arith.constant 14 : i32
    %add3A_85 = vector.broadcast %add3A_84 : i32 to vector<16xi32>
    %add3A_86 = arith.addi %iota3A, %add3A_85 : vector<16xi32>
    %and3A_87 = arith.constant 31 : i32
    %and3A_88 = vector.broadcast %and3A_87 : i32 to vector<16xi32>
    %and3A_89 = arith.andi %add3A_86, %and3A_88 : vector<16xi32>
    %add3A_90 = arith.constant 15 : i32
    %add3A_91 = vector.broadcast %add3A_90 : i32 to vector<16xi32>
    %add3A_92 = arith.addi %iota3A, %add3A_91 : vector<16xi32>
    %and3A_93 = arith.constant 31 : i32
    %and3A_94 = vector.broadcast %and3A_93 : i32 to vector<16xi32>
    %and3A_95 = arith.andi %add3A_92, %and3A_94 : vector<16xi32>
    %add3A_96 = arith.constant 16 : i32
    %add3A_97 = vector.broadcast %add3A_96 : i32 to vector<16xi32>
    %add3A_98 = arith.addi %iota3A, %add3A_97 : vector<16xi32>
    %and3A_99 = arith.constant 31 : i32
    %and3A_100 = vector.broadcast %and3A_99 : i32 to vector<16xi32>
    %and3A_101 = arith.andi %add3A_98, %and3A_100 : vector<16xi32>
    %add3A_102 = arith.constant 17 : i32
    %add3A_103 = vector.broadcast %add3A_102 : i32 to vector<16xi32>
    %add3A_104 = arith.addi %iota3A, %add3A_103 : vector<16xi32>
    %and3A_105 = arith.constant 31 : i32
    %and3A_106 = vector.broadcast %and3A_105 : i32 to vector<16xi32>
    %and3A_107 = arith.andi %add3A_104, %and3A_106 : vector<16xi32>
    %add3A_108 = arith.constant 18 : i32
    %add3A_109 = vector.broadcast %add3A_108 : i32 to vector<16xi32>
    %add3A_110 = arith.addi %iota3A, %add3A_109 : vector<16xi32>
    %and3A_111 = arith.constant 31 : i32
    %and3A_112 = vector.broadcast %and3A_111 : i32 to vector<16xi32>
    %and3A_113 = arith.andi %add3A_110, %and3A_112 : vector<16xi32>
    %add3A_114 = arith.constant 19 : i32
    %add3A_115 = vector.broadcast %add3A_114 : i32 to vector<16xi32>
    %add3A_116 = arith.addi %iota3A, %add3A_115 : vector<16xi32>
    %and3A_117 = arith.constant 31 : i32
    %and3A_118 = vector.broadcast %and3A_117 : i32 to vector<16xi32>
    %and3A_119 = arith.andi %add3A_116, %and3A_118 : vector<16xi32>
    %add3A_120 = arith.constant 20 : i32
    %add3A_121 = vector.broadcast %add3A_120 : i32 to vector<16xi32>
    %add3A_122 = arith.addi %iota3A, %add3A_121 : vector<16xi32>
    %and3A_123 = arith.constant 31 : i32
    %and3A_124 = vector.broadcast %and3A_123 : i32 to vector<16xi32>
    %and3A_125 = arith.andi %add3A_122, %and3A_124 : vector<16xi32>
    %add3A_126 = arith.constant 21 : i32
    %add3A_127 = vector.broadcast %add3A_126 : i32 to vector<16xi32>
    %add3A_128 = arith.addi %iota3A, %add3A_127 : vector<16xi32>
    %and3A_129 = arith.constant 31 : i32
    %and3A_130 = vector.broadcast %and3A_129 : i32 to vector<16xi32>
    %and3A_131 = arith.andi %add3A_128, %and3A_130 : vector<16xi32>
    %add3A_132 = arith.constant 22 : i32
    %add3A_133 = vector.broadcast %add3A_132 : i32 to vector<16xi32>
    %add3A_134 = arith.addi %iota3A, %add3A_133 : vector<16xi32>
    %and3A_135 = arith.constant 31 : i32
    %and3A_136 = vector.broadcast %and3A_135 : i32 to vector<16xi32>
    %and3A_137 = arith.andi %add3A_134, %and3A_136 : vector<16xi32>
    %add3A_138 = arith.constant 23 : i32
    %add3A_139 = vector.broadcast %add3A_138 : i32 to vector<16xi32>
    %add3A_140 = arith.addi %iota3A, %add3A_139 : vector<16xi32>
    %and3A_141 = arith.constant 31 : i32
    %and3A_142 = vector.broadcast %and3A_141 : i32 to vector<16xi32>
    %and3A_143 = arith.andi %add3A_140, %and3A_142 : vector<16xi32>
    %add3A_144 = arith.constant 24 : i32
    %add3A_145 = vector.broadcast %add3A_144 : i32 to vector<16xi32>
    %add3A_146 = arith.addi %iota3A, %add3A_145 : vector<16xi32>
    %and3A_147 = arith.constant 31 : i32
    %and3A_148 = vector.broadcast %and3A_147 : i32 to vector<16xi32>
    %and3A_149 = arith.andi %add3A_146, %and3A_148 : vector<16xi32>
    %add3A_150 = arith.constant 25 : i32
    %add3A_151 = vector.broadcast %add3A_150 : i32 to vector<16xi32>
    %add3A_152 = arith.addi %iota3A, %add3A_151 : vector<16xi32>
    %and3A_153 = arith.constant 31 : i32
    %and3A_154 = vector.broadcast %and3A_153 : i32 to vector<16xi32>
    %and3A_155 = arith.andi %add3A_152, %and3A_154 : vector<16xi32>
    %add3A_156 = arith.constant 26 : i32
    %add3A_157 = vector.broadcast %add3A_156 : i32 to vector<16xi32>
    %add3A_158 = arith.addi %iota3A, %add3A_157 : vector<16xi32>
    %and3A_159 = arith.constant 31 : i32
    %and3A_160 = vector.broadcast %and3A_159 : i32 to vector<16xi32>
    %and3A_161 = arith.andi %add3A_158, %and3A_160 : vector<16xi32>
    %add3A_162 = arith.constant 27 : i32
    %add3A_163 = vector.broadcast %add3A_162 : i32 to vector<16xi32>
    %add3A_164 = arith.addi %iota3A, %add3A_163 : vector<16xi32>
    %and3A_165 = arith.constant 31 : i32
    %and3A_166 = vector.broadcast %and3A_165 : i32 to vector<16xi32>
    %and3A_167 = arith.andi %add3A_164, %and3A_166 : vector<16xi32>
    %add3A_168 = arith.constant 28 : i32
    %add3A_169 = vector.broadcast %add3A_168 : i32 to vector<16xi32>
    %add3A_170 = arith.addi %iota3A, %add3A_169 : vector<16xi32>
    %and3A_171 = arith.constant 31 : i32
    %and3A_172 = vector.broadcast %and3A_171 : i32 to vector<16xi32>
    %and3A_173 = arith.andi %add3A_170, %and3A_172 : vector<16xi32>
    %add3A_174 = arith.constant 29 : i32
    %add3A_175 = vector.broadcast %add3A_174 : i32 to vector<16xi32>
    %add3A_176 = arith.addi %iota3A, %add3A_175 : vector<16xi32>
    %and3A_177 = arith.constant 31 : i32
    %and3A_178 = vector.broadcast %and3A_177 : i32 to vector<16xi32>
    %and3A_179 = arith.andi %add3A_176, %and3A_178 : vector<16xi32>
    %add3A_180 = arith.constant 30 : i32
    %add3A_181 = vector.broadcast %add3A_180 : i32 to vector<16xi32>
    %add3A_182 = arith.addi %iota3A, %add3A_181 : vector<16xi32>
    %and3A_183 = arith.constant 31 : i32
    %and3A_184 = vector.broadcast %and3A_183 : i32 to vector<16xi32>
    %and3A_185 = arith.andi %add3A_182, %and3A_184 : vector<16xi32>
    %add3A_186 = arith.constant 31 : i32
    %add3A_187 = vector.broadcast %add3A_186 : i32 to vector<16xi32>
    %add3A_188 = arith.addi %iota3A, %add3A_187 : vector<16xi32>
    %and3A_189 = arith.constant 31 : i32
    %and3A_190 = vector.broadcast %and3A_189 : i32 to vector<16xi32>
    %and3A_191 = arith.andi %add3A_188, %and3A_190 : vector<16xi32>
    %add3A_192 = arith.constant 0 : i32
    %add3A_193 = arith.addi %add3A_192, %add3A : i32
    %lt3A = arith.constant 1953 : i32
    %lt3A_194 = arith.cmpi slt, %add3A_193, %lt3A : i32
    %convert_element_type3A = arith.extui %lt3A_194 : i1 to i32
    %cond3A = arith.constant 0 : i32
    %cond3A_195 = arith.cmpi ne, %convert_element_type3A, %cond3A : i32
    scf.if %cond3A_195 {
      %add3A_226 = arith.constant 0 : i32
      %add3A_227 = arith.addi %add3A_226, %add3A : i32
      %mul3A_228 = arith.constant 512 : i32
      %mul3A_229 = arith.muli %add3A_227, %mul3A_228 : i32
      %multiple_of3A = tpu.assume_multiple %mul3A_229, 512 : i32
      %dma_start3A = arith.constant 0 : i32
      %dma_start3A_230 = tpu.memref_slice %arg2[%dma_start3A, %multiple_of3A] : memref<32x1000000xf32, #tpu.memory_space<hbm>> -> memref<32x512xf32, #tpu.memory_space<hbm>>
      %dma_start3A_231 = arith.constant 0 : i32
      %dma_start3A_232 = tpu.memref_slice %arg2[%dma_start3A_231, %multiple_of3A] : memref<32x1000000xf32, #tpu.memory_space<hbm>> -> memref<32x512xf32, #tpu.memory_space<hbm>>
      tpu.enqueue_dma source(%dma_start3A_232 : memref<32x512xf32, #tpu.memory_space<hbm>>) target(%arg4 : memref<32x512xf32, #tpu.memory_space<vmem>>) target_semaphore(%arg10 : memref<!tpu.dma_semaphore, #tpu.memory_space<semaphore_mem>>)
    } else {
    }
    %add3A_196 = arith.constant 32 : i32
    %add3A_197 = arith.addi %add3A_196, %add3A : i32
    %lt3A_198 = arith.constant 1953 : i32
    %lt3A_199 = arith.cmpi slt, %add3A_197, %lt3A_198 : i32
    %convert_element_type3A_200 = arith.extui %lt3A_199 : i1 to i32
    %cond3A_201 = arith.constant 0 : i32
    %cond3A_202 = arith.cmpi ne, %convert_element_type3A_200, %cond3A_201 : i32
    scf.if %cond3A_202 {
      %add3A_226 = arith.constant 32 : i32
      %add3A_227 = arith.addi %add3A_226, %add3A : i32
      %mul3A_228 = arith.constant 512 : i32
      %mul3A_229 = arith.muli %add3A_227, %mul3A_228 : i32
      %multiple_of3A = tpu.assume_multiple %mul3A_229, 512 : i32
      %dma_start3A = arith.constant 0 : i32
      %dma_start3A_230 = tpu.memref_slice %arg2[%dma_start3A, %multiple_of3A] : memref<32x1000000xf32, #tpu.memory_space<hbm>> -> memref<32x512xf32, #tpu.memory_space<hbm>>
      %dma_start3A_231 = arith.constant 0 : i32
      %dma_start3A_232 = tpu.memref_slice %arg2[%dma_start3A_231, %multiple_of3A] : memref<32x1000000xf32, #tpu.memory_space<hbm>> -> memref<32x512xf32, #tpu.memory_space<hbm>>
      tpu.enqueue_dma source(%dma_start3A_232 : memref<32x512xf32, #tpu.memory_space<hbm>>) target(%arg5 : memref<32x512xf32, #tpu.memory_space<vmem>>) target_semaphore(%arg11 : memref<!tpu.dma_semaphore, #tpu.memory_space<semaphore_mem>>)
    } else {
    }
    %scan3A = arith.constant 0 : i32
    %scan3A_203 = arith.constant 0 : i32
    %scan3A_204 = arith.constant 31 : i32
    %scan3A_205 = arith.addi %scan3A_203, %scan3A_204 : i32
    %scan3A_206 = arith.constant 1 : i32
    scf.for %scan3A_226 = %scan3A_203 to %scan3A_205 step %scan3A_206  : i32 {
      %mul3A_227 = arith.constant 2 : i32
      %mul3A_228 = arith.muli %mul3A_227, %scan3A_226 : i32
      %add3A_229 = arith.constant 0 : i32
      %add3A_230 = arith.addi %mul3A_228, %add3A_229 : i32
      %mul3A_231 = arith.constant 32 : i32
      %mul3A_232 = arith.muli %add3A_230, %mul3A_231 : i32
      %add3A_233 = arith.addi %mul3A_232, %add3A : i32
      %lt3A_234 = arith.constant 1953 : i32
      %lt3A_235 = arith.cmpi slt, %add3A_233, %lt3A_234 : i32
      %convert_element_type3A_236 = arith.extui %lt3A_235 : i1 to i32
      %cond3A_237 = arith.constant 0 : i32
      %cond3A_238 = arith.cmpi ne, %convert_element_type3A_236, %cond3A_237 : i32
      scf.if %cond3A_238 {
        %mul3A_251 = arith.constant 512 : i32
        %mul3A_252 = arith.muli %add3A_233, %mul3A_251 : i32
        %multiple_of3A = tpu.assume_multiple %mul3A_252, 512 : i32
        %dma_wait3A = arith.constant 0 : i32
        %dma_wait3A_253 = tpu.memref_slice %arg2[%dma_wait3A, %multiple_of3A] : memref<32x1000000xf32, #tpu.memory_space<hbm>> -> memref<32x512xf32, #tpu.memory_space<hbm>>
        %dma_wait3A_254 = arith.constant 0 : i32
        %dma_wait3A_255 = tpu.memref_slice %arg2[%dma_wait3A_254, %multiple_of3A] : memref<32x1000000xf32, #tpu.memory_space<hbm>> -> memref<32x512xf32, #tpu.memory_space<hbm>>
        tpu.wait_dma2 semaphore(%arg10 : memref<!tpu.dma_semaphore, #tpu.memory_space<semaphore_mem>>) src(%dma_wait3A_255 : memref<32x512xf32, #tpu.memory_space<hbm>>) dst(%arg4 : memref<32x512xf32, #tpu.memory_space<vmem>>)
        %gt3A = arith.constant 0 : i32
        %gt3A_256 = arith.cmpi sgt, %scan3A_226, %gt3A : i32
        %convert_element_type3A_257 = arith.extui %gt3A_256 : i1 to i32
        %cond3A_258 = arith.constant 0 : i32
        %cond3A_259 = arith.cmpi ne, %convert_element_type3A_257, %cond3A_258 : i32
        scf.if %cond3A_259 {
          %multiple_of3A_286 = arith.constant 0 : i32
          %multiple_of3A_287 = tpu.assume_multiple %multiple_of3A_286, 128 : i32
          %dma_wait3A_288 = arith.constant 0 : i32
          %dma_wait3A_289 = tpu.memref_slice %arg3[%multiple_of3A_287, %dma_wait3A_288] : memref<250000x128xf32, #tpu.memory_space<hbm>> -> memref<128x128xf32, #tpu.memory_space<hbm>>
          %dma_wait3A_290 = arith.constant 0 : i32
          %dma_wait3A_291 = tpu.memref_slice %arg3[%multiple_of3A_287, %dma_wait3A_290] : memref<250000x128xf32, #tpu.memory_space<hbm>> -> memref<128x128xf32, #tpu.memory_space<hbm>>
          tpu.wait_dma2 semaphore(%arg12 : memref<!tpu.dma_semaphore, #tpu.memory_space<semaphore_mem>>) src(%arg6 : memref<128x128xf32, #tpu.memory_space<vmem>>) dst(%dma_wait3A_291 : memref<128x128xf32, #tpu.memory_space<hbm>>)
        } else {
        }
        %scan3A_260 = arith.constant 0 : i32
        %scan3A_261 = arith.constant 0 : i32
        %scan3A_262 = arith.constant 32 : i32
        %scan3A_263 = arith.addi %scan3A_261, %scan3A_262 : i32
        %scan3A_264 = arith.constant 1 : i32
        scf.for %scan3A_286 = %scan3A_261 to %scan3A_263 step %scan3A_264  : i32 {
          %mul3A_287 = arith.constant 16 : i32
          %mul3A_288 = arith.muli %scan3A_286, %mul3A_287 : i32
          %add3A_289 = vector.broadcast %mul3A_288 : i32 to vector<16xi32>
          %add3A_290 = arith.addi %iota3A, %add3A_289 : vector<16xi32>
          %shift_right_logical3A = arith.constant 2 : i32
          %shift_right_logical3A_291 = vector.broadcast %shift_right_logical3A : i32 to vector<16xi32>
          %shift_right_logical3A_292 = arith.shrui %add3A_290, %shift_right_logical3A_291 : vector<16xi32>
          %and3A_293 = arith.constant 3 : i32
          %and3A_294 = vector.broadcast %and3A_293 : i32 to vector<16xi32>
          %and3A_295 = arith.andi %add3A_290, %and3A_294 : vector<16xi32>
          %mul3A_296 = arith.constant 32 : i32
          %mul3A_297 = vector.broadcast %mul3A_296 : i32 to vector<16xi32>
          %mul3A_298 = arith.muli %and3A_295, %mul3A_297 : vector<16xi32>
          %gather3A = tpu.vector_load_idx %arg4[%and3A_5, %add3A_290] : memref<32x512xf32, #tpu.memory_space<vmem>>[vector<16xi32>, vector<16xi32>], vector<16xf32>,
          %add3A_299 = arith.addi %mul3A_298, %and3A_5 : vector<16xi32>
          tpu.vector_store_idx %arg6[%shift_right_logical3A_292, %add3A_299], %gather3A : memref<128x128xf32, #tpu.memory_space<vmem>>[vector<16xi32>, vector<16xi32>], vector<16xf32>,
          %gather3A_300 = tpu.vector_load_idx %arg4[%and3A_11, %add3A_290] : memref<32x512xf32, #tpu.memory_space<vmem>>[vector<16xi32>, vector<16xi32>], vector<16xf32>,
          %add3A_301 = arith.addi %mul3A_298, %and3A_11 : vector<16xi32>
          tpu.vector_store_idx %arg6[%shift_right_logical3A_292, %add3A_301], %gather3A_300 : memref<128x128xf32, #tpu.memory_space<vmem>>[vector<16xi32>, vector<16xi32>], vector<16xf32>,
          %gather3A_302 = tpu.vector_load_idx %arg4[%and3A_17, %add3A_290] : memref<32x512xf32, #tpu.memory_space<vmem>>[vector<16xi32>, vector<16xi32>], vector<16xf32>,
          %add3A_303 = arith.addi %mul3A_298, %and3A_17 : vector<16xi32>
          tpu.vector_store_idx %arg6[%shift_right_logical3A_292, %add3A_303], %gather3A_302 : memref<128x128xf32, #tpu.memory_space<vmem>>[vector<16xi32>, vector<16xi32>], vector<16xf32>,
          %gather3A_304 = tpu.vector_load_idx %arg4[%and3A_23, %add3A_290] : memref<32x512xf32, #tpu.memory_space<vmem>>[vector<16xi32>, vector<16xi32>], vector<16xf32>,
          %add3A_305 = arith.addi %mul3A_298, %and3A_23 : vector<16xi32>
          tpu.vector_store_idx %arg6[%shift_right_logical3A_292, %add3A_305], %gather3A_304 : memref<128x128xf32, #tpu.memory_space<vmem>>[vector<16xi32>, vector<16xi32>], vector<16xf32>,
          %gather3A_306 = tpu.vector_load_idx %arg4[%and3A_29, %add3A_290] : memref<32x512xf32, #tpu.memory_space<vmem>>[vector<16xi32>, vector<16xi32>], vector<16xf32>,
          %add3A_307 = arith.addi %mul3A_298, %and3A_29 : vector<16xi32>
          tpu.vector_store_idx %arg6[%shift_right_logical3A_292, %add3A_307], %gather3A_306 : memref<128x128xf32, #tpu.memory_space<vmem>>[vector<16xi32>, vector<16xi32>], vector<16xf32>,
          %gather3A_308 = tpu.vector_load_idx %arg4[%and3A_35, %add3A_290] : memref<32x512xf32, #tpu.memory_space<vmem>>[vector<16xi32>, vector<16xi32>], vector<16xf32>,
          %add3A_309 = arith.addi %mul3A_298, %and3A_35 : vector<16xi32>
          tpu.vector_store_idx %arg6[%shift_right_logical3A_292, %add3A_309], %gather3A_308 : memref<128x128xf32, #tpu.memory_space<vmem>>[vector<16xi32>, vector<16xi32>], vector<16xf32>,
          %gather3A_310 = tpu.vector_load_idx %arg4[%and3A_41, %add3A_290] : memref<32x512xf32, #tpu.memory_space<vmem>>[vector<16xi32>, vector<16xi32>], vector<16xf32>,
          %add3A_311 = arith.addi %mul3A_298, %and3A_41 : vector<16xi32>
          tpu.vector_store_idx %arg6[%shift_right_logical3A_292, %add3A_311], %gather3A_310 : memref<128x128xf32, #tpu.memory_space<vmem>>[vector<16xi32>, vector<16xi32>], vector<16xf32>,
          %gather3A_312 = tpu.vector_load_idx %arg4[%and3A_47, %add3A_290] : memref<32x512xf32, #tpu.memory_space<vmem>>[vector<16xi32>, vector<16xi32>], vector<16xf32>,
          %add3A_313 = arith.addi %mul3A_298, %and3A_47 : vector<16xi32>
          tpu.vector_store_idx %arg6[%shift_right_logical3A_292, %add3A_313], %gather3A_312 : memref<128x128xf32, #tpu.memory_space<vmem>>[vector<16xi32>, vector<16xi32>], vector<16xf32>,
          %gather3A_314 = tpu.vector_load_idx %arg4[%and3A_53, %add3A_290] : memref<32x512xf32, #tpu.memory_space<vmem>>[vector<16xi32>, vector<16xi32>], vector<16xf32>,
          %add3A_315 = arith.addi %mul3A_298, %and3A_53 : vector<16xi32>
          tpu.vector_store_idx %arg6[%shift_right_logical3A_292, %add3A_315], %gather3A_314 : memref<128x128xf32, #tpu.memory_space<vmem>>[vector<16xi32>, vector<16xi32>], vector<16xf32>,
          %gather3A_316 = tpu.vector_load_idx %arg4[%and3A_59, %add3A_290] : memref<32x512xf32, #tpu.memory_space<vmem>>[vector<16xi32>, vector<16xi32>], vector<16xf32>,
          %add3A_317 = arith.addi %mul3A_298, %and3A_59 : vector<16xi32>
          tpu.vector_store_idx %arg6[%shift_right_logical3A_292, %add3A_317], %gather3A_316 : memref<128x128xf32, #tpu.memory_space<vmem>>[vector<16xi32>, vector<16xi32>], vector<16xf32>,
          %gather3A_318 = tpu.vector_load_idx %arg4[%and3A_65, %add3A_290] : memref<32x512xf32, #tpu.memory_space<vmem>>[vector<16xi32>, vector<16xi32>], vector<16xf32>,
          %add3A_319 = arith.addi %mul3A_298, %and3A_65 : vector<16xi32>
          tpu.vector_store_idx %arg6[%shift_right_logical3A_292, %add3A_319], %gather3A_318 : memref<128x128xf32, #tpu.memory_space<vmem>>[vector<16xi32>, vector<16xi32>], vector<16xf32>,
          %gather3A_320 = tpu.vector_load_idx %arg4[%and3A_71, %add3A_290] : memref<32x512xf32, #tpu.memory_space<vmem>>[vector<16xi32>, vector<16xi32>], vector<16xf32>,
          %add3A_321 = arith.addi %mul3A_298, %and3A_71 : vector<16xi32>
          tpu.vector_store_idx %arg6[%shift_right_logical3A_292, %add3A_321], %gather3A_320 : memref<128x128xf32, #tpu.memory_space<vmem>>[vector<16xi32>, vector<16xi32>], vector<16xf32>,
          %gather3A_322 = tpu.vector_load_idx %arg4[%and3A_77, %add3A_290] : memref<32x512xf32, #tpu.memory_space<vmem>>[vector<16xi32>, vector<16xi32>], vector<16xf32>,
          %add3A_323 = arith.addi %mul3A_298, %and3A_77 : vector<16xi32>
          tpu.vector_store_idx %arg6[%shift_right_logical3A_292, %add3A_323], %gather3A_322 : memref<128x128xf32, #tpu.memory_space<vmem>>[vector<16xi32>, vector<16xi32>], vector<16xf32>,
          %gather3A_324 = tpu.vector_load_idx %arg4[%and3A_83, %add3A_290] : memref<32x512xf32, #tpu.memory_space<vmem>>[vector<16xi32>, vector<16xi32>], vector<16xf32>,
          %add3A_325 = arith.addi %mul3A_298, %and3A_83 : vector<16xi32>
          tpu.vector_store_idx %arg6[%shift_right_logical3A_292, %add3A_325], %gather3A_324 : memref<128x128xf32, #tpu.memory_space<vmem>>[vector<16xi32>, vector<16xi32>], vector<16xf32>,
          %gather3A_326 = tpu.vector_load_idx %arg4[%and3A_89, %add3A_290] : memref<32x512xf32, #tpu.memory_space<vmem>>[vector<16xi32>, vector<16xi32>], vector<16xf32>,
          %add3A_327 = arith.addi %mul3A_298, %and3A_89 : vector<16xi32>
          tpu.vector_store_idx %arg6[%shift_right_logical3A_292, %add3A_327], %gather3A_326 : memref<128x128xf32, #tpu.memory_space<vmem>>[vector<16xi32>, vector<16xi32>], vector<16xf32>,
          %gather3A_328 = tpu.vector_load_idx %arg4[%and3A_95, %add3A_290] : memref<32x512xf32, #tpu.memory_space<vmem>>[vector<16xi32>, vector<16xi32>], vector<16xf32>,
          %add3A_329 = arith.addi %mul3A_298, %and3A_95 : vector<16xi32>
          tpu.vector_store_idx %arg6[%shift_right_logical3A_292, %add3A_329], %gather3A_328 : memref<128x128xf32, #tpu.memory_space<vmem>>[vector<16xi32>, vector<16xi32>], vector<16xf32>,
          %gather3A_330 = tpu.vector_load_idx %arg4[%and3A_101, %add3A_290] : memref<32x512xf32, #tpu.memory_space<vmem>>[vector<16xi32>, vector<16xi32>], vector<16xf32>,
          %add3A_331 = arith.addi %mul3A_298, %and3A_101 : vector<16xi32>
          tpu.vector_store_idx %arg6[%shift_right_logical3A_292, %add3A_331], %gather3A_330 : memref<128x128xf32, #tpu.memory_space<vmem>>[vector<16xi32>, vector<16xi32>], vector<16xf32>,
          %gather3A_332 = tpu.vector_load_idx %arg4[%and3A_107, %add3A_290] : memref<32x512xf32, #tpu.memory_space<vmem>>[vector<16xi32>, vector<16xi32>], vector<16xf32>,
          %add3A_333 = arith.addi %mul3A_298, %and3A_107 : vector<16xi32>
          tpu.vector_store_idx %arg6[%shift_right_logical3A_292, %add3A_333], %gather3A_332 : memref<128x128xf32, #tpu.memory_space<vmem>>[vector<16xi32>, vector<16xi32>], vector<16xf32>,
          %gather3A_334 = tpu.vector_load_idx %arg4[%and3A_113, %add3A_290] : memref<32x512xf32, #tpu.memory_space<vmem>>[vector<16xi32>, vector<16xi32>], vector<16xf32>,
          %add3A_335 = arith.addi %mul3A_298, %and3A_113 : vector<16xi32>
          tpu.vector_store_idx %arg6[%shift_right_logical3A_292, %add3A_335], %gather3A_334 : memref<128x128xf32, #tpu.memory_space<vmem>>[vector<16xi32>, vector<16xi32>], vector<16xf32>,
          %gather3A_336 = tpu.vector_load_idx %arg4[%and3A_119, %add3A_290] : memref<32x512xf32, #tpu.memory_space<vmem>>[vector<16xi32>, vector<16xi32>], vector<16xf32>,
          %add3A_337 = arith.addi %mul3A_298, %and3A_119 : vector<16xi32>
          tpu.vector_store_idx %arg6[%shift_right_logical3A_292, %add3A_337], %gather3A_336 : memref<128x128xf32, #tpu.memory_space<vmem>>[vector<16xi32>, vector<16xi32>], vector<16xf32>,
          %gather3A_338 = tpu.vector_load_idx %arg4[%and3A_125, %add3A_290] : memref<32x512xf32, #tpu.memory_space<vmem>>[vector<16xi32>, vector<16xi32>], vector<16xf32>,
          %add3A_339 = arith.addi %mul3A_298, %and3A_125 : vector<16xi32>
          tpu.vector_store_idx %arg6[%shift_right_logical3A_292, %add3A_339], %gather3A_338 : memref<128x128xf32, #tpu.memory_space<vmem>>[vector<16xi32>, vector<16xi32>], vector<16xf32>,
          %gather3A_340 = tpu.vector_load_idx %arg4[%and3A_131, %add3A_290] : memref<32x512xf32, #tpu.memory_space<vmem>>[vector<16xi32>, vector<16xi32>], vector<16xf32>,
          %add3A_341 = arith.addi %mul3A_298, %and3A_131 : vector<16xi32>
          tpu.vector_store_idx %arg6[%shift_right_logical3A_292, %add3A_341], %gather3A_340 : memref<128x128xf32, #tpu.memory_space<vmem>>[vector<16xi32>, vector<16xi32>], vector<16xf32>,
          %gather3A_342 = tpu.vector_load_idx %arg4[%and3A_137, %add3A_290] : memref<32x512xf32, #tpu.memory_space<vmem>>[vector<16xi32>, vector<16xi32>], vector<16xf32>,
          %add3A_343 = arith.addi %mul3A_298, %and3A_137 : vector<16xi32>
          tpu.vector_store_idx %arg6[%shift_right_logical3A_292, %add3A_343], %gather3A_342 : memref<128x128xf32, #tpu.memory_space<vmem>>[vector<16xi32>, vector<16xi32>], vector<16xf32>,
          %gather3A_344 = tpu.vector_load_idx %arg4[%and3A_143, %add3A_290] : memref<32x512xf32, #tpu.memory_space<vmem>>[vector<16xi32>, vector<16xi32>], vector<16xf32>,
          %add3A_345 = arith.addi %mul3A_298, %and3A_143 : vector<16xi32>
          tpu.vector_store_idx %arg6[%shift_right_logical3A_292, %add3A_345], %gather3A_344 : memref<128x128xf32, #tpu.memory_space<vmem>>[vector<16xi32>, vector<16xi32>], vector<16xf32>,
          %gather3A_346 = tpu.vector_load_idx %arg4[%and3A_149, %add3A_290] : memref<32x512xf32, #tpu.memory_space<vmem>>[vector<16xi32>, vector<16xi32>], vector<16xf32>,
          %add3A_347 = arith.addi %mul3A_298, %and3A_149 : vector<16xi32>
          tpu.vector_store_idx %arg6[%shift_right_logical3A_292, %add3A_347], %gather3A_346 : memref<128x128xf32, #tpu.memory_space<vmem>>[vector<16xi32>, vector<16xi32>], vector<16xf32>,
          %gather3A_348 = tpu.vector_load_idx %arg4[%and3A_155, %add3A_290] : memref<32x512xf32, #tpu.memory_space<vmem>>[vector<16xi32>, vector<16xi32>], vector<16xf32>,
          %add3A_349 = arith.addi %mul3A_298, %and3A_155 : vector<16xi32>
          tpu.vector_store_idx %arg6[%shift_right_logical3A_292, %add3A_349], %gather3A_348 : memref<128x128xf32, #tpu.memory_space<vmem>>[vector<16xi32>, vector<16xi32>], vector<16xf32>,
          %gather3A_350 = tpu.vector_load_idx %arg4[%and3A_161, %add3A_290] : memref<32x512xf32, #tpu.memory_space<vmem>>[vector<16xi32>, vector<16xi32>], vector<16xf32>,
          %add3A_351 = arith.addi %mul3A_298, %and3A_161 : vector<16xi32>
          tpu.vector_store_idx %arg6[%shift_right_logical3A_292, %add3A_351], %gather3A_350 : memref<128x128xf32, #tpu.memory_space<vmem>>[vector<16xi32>, vector<16xi32>], vector<16xf32>,
          %gather3A_352 = tpu.vector_load_idx %arg4[%and3A_167, %add3A_290] : memref<32x512xf32, #tpu.memory_space<vmem>>[vector<16xi32>, vector<16xi32>], vector<16xf32>,
          %add3A_353 = arith.addi %mul3A_298, %and3A_167 : vector<16xi32>
          tpu.vector_store_idx %arg6[%shift_right_logical3A_292, %add3A_353], %gather3A_352 : memref<128x128xf32, #tpu.memory_space<vmem>>[vector<16xi32>, vector<16xi32>], vector<16xf32>,
          %gather3A_354 = tpu.vector_load_idx %arg4[%and3A_173, %add3A_290] : memref<32x512xf32, #tpu.memory_space<vmem>>[vector<16xi32>, vector<16xi32>], vector<16xf32>,
          %add3A_355 = arith.addi %mul3A_298, %and3A_173 : vector<16xi32>
          tpu.vector_store_idx %arg6[%shift_right_logical3A_292, %add3A_355], %gather3A_354 : memref<128x128xf32, #tpu.memory_space<vmem>>[vector<16xi32>, vector<16xi32>], vector<16xf32>,
          %gather3A_356 = tpu.vector_load_idx %arg4[%and3A_179, %add3A_290] : memref<32x512xf32, #tpu.memory_space<vmem>>[vector<16xi32>, vector<16xi32>], vector<16xf32>,
          %add3A_357 = arith.addi %mul3A_298, %and3A_179 : vector<16xi32>
          tpu.vector_store_idx %arg6[%shift_right_logical3A_292, %add3A_357], %gather3A_356 : memref<128x128xf32, #tpu.memory_space<vmem>>[vector<16xi32>, vector<16xi32>], vector<16xf32>,
          %gather3A_358 = tpu.vector_load_idx %arg4[%and3A_185, %add3A_290] : memref<32x512xf32, #tpu.memory_space<vmem>>[vector<16xi32>, vector<16xi32>], vector<16xf32>,
          %add3A_359 = arith.addi %mul3A_298, %and3A_185 : vector<16xi32>
          tpu.vector_store_idx %arg6[%shift_right_logical3A_292, %add3A_359], %gather3A_358 : memref<128x128xf32, #tpu.memory_space<vmem>>[vector<16xi32>, vector<16xi32>], vector<16xf32>,
          %gather3A_360 = tpu.vector_load_idx %arg4[%and3A_191, %add3A_290] : memref<32x512xf32, #tpu.memory_space<vmem>>[vector<16xi32>, vector<16xi32>], vector<16xf32>,
          %add3A_361 = arith.addi %mul3A_298, %and3A_191 : vector<16xi32>
          tpu.vector_store_idx %arg6[%shift_right_logical3A_292, %add3A_361], %gather3A_360 : memref<128x128xf32, #tpu.memory_space<vmem>>[vector<16xi32>, vector<16xi32>], vector<16xf32>,
        }
        %scan3A_265 = arith.constant 32 : i32
        %mul3A_266 = arith.constant 128 : i32
        %mul3A_267 = arith.muli %add3A_233, %mul3A_266 : i32
        %multiple_of3A_268 = tpu.assume_multiple %mul3A_267, 128 : i32
        %dma_start3A = arith.constant 0 : i32
        %dma_start3A_269 = tpu.memref_slice %arg3[%multiple_of3A_268, %dma_start3A] : memref<250000x128xf32, #tpu.memory_space<hbm>> -> memref<128x128xf32, #tpu.memory_space<hbm>>
        %dma_start3A_270 = arith.constant 0 : i32
        %dma_start3A_271 = tpu.memref_slice %arg3[%multiple_of3A_268, %dma_start3A_270] : memref<250000x128xf32, #tpu.memory_space<hbm>> -> memref<128x128xf32, #tpu.memory_space<hbm>>
        tpu.enqueue_dma source(%arg6 : memref<128x128xf32, #tpu.memory_space<vmem>>) target(%dma_start3A_271 : memref<128x128xf32, #tpu.memory_space<hbm>>) target_semaphore(%arg12 : memref<!tpu.dma_semaphore, #tpu.memory_space<semaphore_mem>>)
        %add3A_272 = arith.constant 1 : i32
        %add3A_273 = arith.addi %scan3A_226, %add3A_272 : i32
        %mul3A_274 = arith.constant 2 : i32
        %mul3A_275 = arith.muli %mul3A_274, %add3A_273 : i32
        %add3A_276 = arith.constant 0 : i32
        %add3A_277 = arith.addi %mul3A_275, %add3A_276 : i32
        %mul3A_278 = arith.constant 32 : i32
        %mul3A_279 = arith.muli %add3A_277, %mul3A_278 : i32
        %add3A_280 = arith.addi %mul3A_279, %add3A : i32
        %lt3A_281 = arith.constant 1953 : i32
        %lt3A_282 = arith.cmpi slt, %add3A_280, %lt3A_281 : i32
        %convert_element_type3A_283 = arith.extui %lt3A_282 : i1 to i32
        %cond3A_284 = arith.constant 0 : i32
        %cond3A_285 = arith.cmpi ne, %convert_element_type3A_283, %cond3A_284 : i32
        scf.if %cond3A_285 {
          %mul3A_286 = arith.constant 512 : i32
          %mul3A_287 = arith.muli %add3A_280, %mul3A_286 : i32
          %multiple_of3A_288 = tpu.assume_multiple %mul3A_287, 512 : i32
          %dma_start3A_289 = arith.constant 0 : i32
          %dma_start3A_290 = tpu.memref_slice %arg2[%dma_start3A_289, %multiple_of3A_288] : memref<32x1000000xf32, #tpu.memory_space<hbm>> -> memref<32x512xf32, #tpu.memory_space<hbm>>
          %dma_start3A_291 = arith.constant 0 : i32
          %dma_start3A_292 = tpu.memref_slice %arg2[%dma_start3A_291, %multiple_of3A_288] : memref<32x1000000xf32, #tpu.memory_space<hbm>> -> memref<32x512xf32, #tpu.memory_space<hbm>>
          tpu.enqueue_dma source(%dma_start3A_292 : memref<32x512xf32, #tpu.memory_space<hbm>>) target(%arg4 : memref<32x512xf32, #tpu.memory_space<vmem>>) target_semaphore(%arg10 : memref<!tpu.dma_semaphore, #tpu.memory_space<semaphore_mem>>)
        } else {
        }
      } else {
      }
      %mul3A_239 = arith.constant 2 : i32
      %mul3A_240 = arith.muli %mul3A_239, %scan3A_226 : i32
      %add3A_241 = arith.constant 1 : i32
      %add3A_242 = arith.addi %mul3A_240, %add3A_241 : i32
      %mul3A_243 = arith.constant 32 : i32
      %mul3A_244 = arith.muli %add3A_242, %mul3A_243 : i32
      %add3A_245 = arith.addi %mul3A_244, %add3A : i32
      %lt3A_246 = arith.constant 1953 : i32
      %lt3A_247 = arith.cmpi slt, %add3A_245, %lt3A_246 : i32
      %convert_element_type3A_248 = arith.extui %lt3A_247 : i1 to i32
      %cond3A_249 = arith.constant 0 : i32
      %cond3A_250 = arith.cmpi ne, %convert_element_type3A_248, %cond3A_249 : i32
      scf.if %cond3A_250 {
        %mul3A_251 = arith.constant 512 : i32
        %mul3A_252 = arith.muli %add3A_245, %mul3A_251 : i32
        %multiple_of3A = tpu.assume_multiple %mul3A_252, 512 : i32
        %dma_wait3A = arith.constant 0 : i32
        %dma_wait3A_253 = tpu.memref_slice %arg2[%dma_wait3A, %multiple_of3A] : memref<32x1000000xf32, #tpu.memory_space<hbm>> -> memref<32x512xf32, #tpu.memory_space<hbm>>
        %dma_wait3A_254 = arith.constant 0 : i32
        %dma_wait3A_255 = tpu.memref_slice %arg2[%dma_wait3A_254, %multiple_of3A] : memref<32x1000000xf32, #tpu.memory_space<hbm>> -> memref<32x512xf32, #tpu.memory_space<hbm>>
        tpu.wait_dma2 semaphore(%arg11 : memref<!tpu.dma_semaphore, #tpu.memory_space<semaphore_mem>>) src(%dma_wait3A_255 : memref<32x512xf32, #tpu.memory_space<hbm>>) dst(%arg5 : memref<32x512xf32, #tpu.memory_space<vmem>>)
        %gt3A = arith.constant 0 : i32
        %gt3A_256 = arith.cmpi sgt, %scan3A_226, %gt3A : i32
        %convert_element_type3A_257 = arith.extui %gt3A_256 : i1 to i32
        %cond3A_258 = arith.constant 0 : i32
        %cond3A_259 = arith.cmpi ne, %convert_element_type3A_257, %cond3A_258 : i32
        scf.if %cond3A_259 {
          %multiple_of3A_286 = arith.constant 0 : i32
          %multiple_of3A_287 = tpu.assume_multiple %multiple_of3A_286, 128 : i32
          %dma_wait3A_288 = arith.constant 0 : i32
          %dma_wait3A_289 = tpu.memref_slice %arg3[%multiple_of3A_287, %dma_wait3A_288] : memref<250000x128xf32, #tpu.memory_space<hbm>> -> memref<128x128xf32, #tpu.memory_space<hbm>>
          %dma_wait3A_290 = arith.constant 0 : i32
          %dma_wait3A_291 = tpu.memref_slice %arg3[%multiple_of3A_287, %dma_wait3A_290] : memref<250000x128xf32, #tpu.memory_space<hbm>> -> memref<128x128xf32, #tpu.memory_space<hbm>>
          tpu.wait_dma2 semaphore(%arg13 : memref<!tpu.dma_semaphore, #tpu.memory_space<semaphore_mem>>) src(%arg7 : memref<128x128xf32, #tpu.memory_space<vmem>>) dst(%dma_wait3A_291 : memref<128x128xf32, #tpu.memory_space<hbm>>)
        } else {
        }
        %scan3A_260 = arith.constant 0 : i32
        %scan3A_261 = arith.constant 0 : i32
        %scan3A_262 = arith.constant 32 : i32
        %scan3A_263 = arith.addi %scan3A_261, %scan3A_262 : i32
        %scan3A_264 = arith.constant 1 : i32
        scf.for %scan3A_286 = %scan3A_261 to %scan3A_263 step %scan3A_264  : i32 {
          %mul3A_287 = arith.constant 16 : i32
          %mul3A_288 = arith.muli %scan3A_286, %mul3A_287 : i32
          %add3A_289 = vector.broadcast %mul3A_288 : i32 to vector<16xi32>
          %add3A_290 = arith.addi %iota3A, %add3A_289 : vector<16xi32>
          %shift_right_logical3A = arith.constant 2 : i32
          %shift_right_logical3A_291 = vector.broadcast %shift_right_logical3A : i32 to vector<16xi32>
          %shift_right_logical3A_292 = arith.shrui %add3A_290, %shift_right_logical3A_291 : vector<16xi32>
          %and3A_293 = arith.constant 3 : i32
          %and3A_294 = vector.broadcast %and3A_293 : i32 to vector<16xi32>
          %and3A_295 = arith.andi %add3A_290, %and3A_294 : vector<16xi32>
          %mul3A_296 = arith.constant 32 : i32
          %mul3A_297 = vector.broadcast %mul3A_296 : i32 to vector<16xi32>
          %mul3A_298 = arith.muli %and3A_295, %mul3A_297 : vector<16xi32>
          %gather3A = tpu.vector_load_idx %arg5[%and3A_5, %add3A_290] : memref<32x512xf32, #tpu.memory_space<vmem>>[vector<16xi32>, vector<16xi32>], vector<16xf32>,
          %add3A_299 = arith.addi %mul3A_298, %and3A_5 : vector<16xi32>
          tpu.vector_store_idx %arg7[%shift_right_logical3A_292, %add3A_299], %gather3A : memref<128x128xf32, #tpu.memory_space<vmem>>[vector<16xi32>, vector<16xi32>], vector<16xf32>,
          %gather3A_300 = tpu.vector_load_idx %arg5[%and3A_11, %add3A_290] : memref<32x512xf32, #tpu.memory_space<vmem>>[vector<16xi32>, vector<16xi32>], vector<16xf32>,
          %add3A_301 = arith.addi %mul3A_298, %and3A_11 : vector<16xi32>
          tpu.vector_store_idx %arg7[%shift_right_logical3A_292, %add3A_301], %gather3A_300 : memref<128x128xf32, #tpu.memory_space<vmem>>[vector<16xi32>, vector<16xi32>], vector<16xf32>,
          %gather3A_302 = tpu.vector_load_idx %arg5[%and3A_17, %add3A_290] : memref<32x512xf32, #tpu.memory_space<vmem>>[vector<16xi32>, vector<16xi32>], vector<16xf32>,
          %add3A_303 = arith.addi %mul3A_298, %and3A_17 : vector<16xi32>
          tpu.vector_store_idx %arg7[%shift_right_logical3A_292, %add3A_303], %gather3A_302 : memref<128x128xf32, #tpu.memory_space<vmem>>[vector<16xi32>, vector<16xi32>], vector<16xf32>,
          %gather3A_304 = tpu.vector_load_idx %arg5[%and3A_23, %add3A_290] : memref<32x512xf32, #tpu.memory_space<vmem>>[vector<16xi32>, vector<16xi32>], vector<16xf32>,
          %add3A_305 = arith.addi %mul3A_298, %and3A_23 : vector<16xi32>
          tpu.vector_store_idx %arg7[%shift_right_logical3A_292, %add3A_305], %gather3A_304 : memref<128x128xf32, #tpu.memory_space<vmem>>[vector<16xi32>, vector<16xi32>], vector<16xf32>,
          %gather3A_306 = tpu.vector_load_idx %arg5[%and3A_29, %add3A_290] : memref<32x512xf32, #tpu.memory_space<vmem>>[vector<16xi32>, vector<16xi32>], vector<16xf32>,
          %add3A_307 = arith.addi %mul3A_298, %and3A_29 : vector<16xi32>
          tpu.vector_store_idx %arg7[%shift_right_logical3A_292, %add3A_307], %gather3A_306 : memref<128x128xf32, #tpu.memory_space<vmem>>[vector<16xi32>, vector<16xi32>], vector<16xf32>,
          %gather3A_308 = tpu.vector_load_idx %arg5[%and3A_35, %add3A_290] : memref<32x512xf32, #tpu.memory_space<vmem>>[vector<16xi32>, vector<16xi32>], vector<16xf32>,
          %add3A_309 = arith.addi %mul3A_298, %and3A_35 : vector<16xi32>
          tpu.vector_store_idx %arg7[%shift_right_logical3A_292, %add3A_309], %gather3A_308 : memref<128x128xf32, #tpu.memory_space<vmem>>[vector<16xi32>, vector<16xi32>], vector<16xf32>,
          %gather3A_310 = tpu.vector_load_idx %arg5[%and3A_41, %add3A_290] : memref<32x512xf32, #tpu.memory_space<vmem>>[vector<16xi32>, vector<16xi32>], vector<16xf32>,
          %add3A_311 = arith.addi %mul3A_298, %and3A_41 : vector<16xi32>
          tpu.vector_store_idx %arg7[%shift_right_logical3A_292, %add3A_311], %gather3A_310 : memref<128x128xf32, #tpu.memory_space<vmem>>[vector<16xi32>, vector<16xi32>], vector<16xf32>,
          %gather3A_312 = tpu.vector_load_idx %arg5[%and3A_47, %add3A_290] : memref<32x512xf32, #tpu.memory_space<vmem>>[vector<16xi32>, vector<16xi32>], vector<16xf32>,
          %add3A_313 = arith.addi %mul3A_298, %and3A_47 : vector<16xi32>
          tpu.vector_store_idx %arg7[%shift_right_logical3A_292, %add3A_313], %gather3A_312 : memref<128x128xf32, #tpu.memory_space<vmem>>[vector<16xi32>, vector<16xi32>], vector<16xf32>,
          %gather3A_314 = tpu.vector_load_idx %arg5[%and3A_53, %add3A_290] : memref<32x512xf32, #tpu.memory_space<vmem>>[vector<16xi32>, vector<16xi32>], vector<16xf32>,
          %add3A_315 = arith.addi %mul3A_298, %and3A_53 : vector<16xi32>
          tpu.vector_store_idx %arg7[%shift_right_logical3A_292, %add3A_315], %gather3A_314 : memref<128x128xf32, #tpu.memory_space<vmem>>[vector<16xi32>, vector<16xi32>], vector<16xf32>,
          %gather3A_316 = tpu.vector_load_idx %arg5[%and3A_59, %add3A_290] : memref<32x512xf32, #tpu.memory_space<vmem>>[vector<16xi32>, vector<16xi32>], vector<16xf32>,
          %add3A_317 = arith.addi %mul3A_298, %and3A_59 : vector<16xi32>
          tpu.vector_store_idx %arg7[%shift_right_logical3A_292, %add3A_317], %gather3A_316 : memref<128x128xf32, #tpu.memory_space<vmem>>[vector<16xi32>, vector<16xi32>], vector<16xf32>,
          %gather3A_318 = tpu.vector_load_idx %arg5[%and3A_65, %add3A_290] : memref<32x512xf32, #tpu.memory_space<vmem>>[vector<16xi32>, vector<16xi32>], vector<16xf32>,
          %add3A_319 = arith.addi %mul3A_298, %and3A_65 : vector<16xi32>
          tpu.vector_store_idx %arg7[%shift_right_logical3A_292, %add3A_319], %gather3A_318 : memref<128x128xf32, #tpu.memory_space<vmem>>[vector<16xi32>, vector<16xi32>], vector<16xf32>,
          %gather3A_320 = tpu.vector_load_idx %arg5[%and3A_71, %add3A_290] : memref<32x512xf32, #tpu.memory_space<vmem>>[vector<16xi32>, vector<16xi32>], vector<16xf32>,
          %add3A_321 = arith.addi %mul3A_298, %and3A_71 : vector<16xi32>
          tpu.vector_store_idx %arg7[%shift_right_logical3A_292, %add3A_321], %gather3A_320 : memref<128x128xf32, #tpu.memory_space<vmem>>[vector<16xi32>, vector<16xi32>], vector<16xf32>,
          %gather3A_322 = tpu.vector_load_idx %arg5[%and3A_77, %add3A_290] : memref<32x512xf32, #tpu.memory_space<vmem>>[vector<16xi32>, vector<16xi32>], vector<16xf32>,
          %add3A_323 = arith.addi %mul3A_298, %and3A_77 : vector<16xi32>
          tpu.vector_store_idx %arg7[%shift_right_logical3A_292, %add3A_323], %gather3A_322 : memref<128x128xf32, #tpu.memory_space<vmem>>[vector<16xi32>, vector<16xi32>], vector<16xf32>,
          %gather3A_324 = tpu.vector_load_idx %arg5[%and3A_83, %add3A_290] : memref<32x512xf32, #tpu.memory_space<vmem>>[vector<16xi32>, vector<16xi32>], vector<16xf32>,
          %add3A_325 = arith.addi %mul3A_298, %and3A_83 : vector<16xi32>
          tpu.vector_store_idx %arg7[%shift_right_logical3A_292, %add3A_325], %gather3A_324 : memref<128x128xf32, #tpu.memory_space<vmem>>[vector<16xi32>, vector<16xi32>], vector<16xf32>,
          %gather3A_326 = tpu.vector_load_idx %arg5[%and3A_89, %add3A_290] : memref<32x512xf32, #tpu.memory_space<vmem>>[vector<16xi32>, vector<16xi32>], vector<16xf32>,
          %add3A_327 = arith.addi %mul3A_298, %and3A_89 : vector<16xi32>
          tpu.vector_store_idx %arg7[%shift_right_logical3A_292, %add3A_327], %gather3A_326 : memref<128x128xf32, #tpu.memory_space<vmem>>[vector<16xi32>, vector<16xi32>], vector<16xf32>,
          %gather3A_328 = tpu.vector_load_idx %arg5[%and3A_95, %add3A_290] : memref<32x512xf32, #tpu.memory_space<vmem>>[vector<16xi32>, vector<16xi32>], vector<16xf32>,
          %add3A_329 = arith.addi %mul3A_298, %and3A_95 : vector<16xi32>
          tpu.vector_store_idx %arg7[%shift_right_logical3A_292, %add3A_329], %gather3A_328 : memref<128x128xf32, #tpu.memory_space<vmem>>[vector<16xi32>, vector<16xi32>], vector<16xf32>,
          %gather3A_330 = tpu.vector_load_idx %arg5[%and3A_101, %add3A_290] : memref<32x512xf32, #tpu.memory_space<vmem>>[vector<16xi32>, vector<16xi32>], vector<16xf32>,
          %add3A_331 = arith.addi %mul3A_298, %and3A_101 : vector<16xi32>
          tpu.vector_store_idx %arg7[%shift_right_logical3A_292, %add3A_331], %gather3A_330 : memref<128x128xf32, #tpu.memory_space<vmem>>[vector<16xi32>, vector<16xi32>], vector<16xf32>,
          %gather3A_332 = tpu.vector_load_idx %arg5[%and3A_107, %add3A_290] : memref<32x512xf32, #tpu.memory_space<vmem>>[vector<16xi32>, vector<16xi32>], vector<16xf32>,
          %add3A_333 = arith.addi %mul3A_298, %and3A_107 : vector<16xi32>
          tpu.vector_store_idx %arg7[%shift_right_logical3A_292, %add3A_333], %gather3A_332 : memref<128x128xf32, #tpu.memory_space<vmem>>[vector<16xi32>, vector<16xi32>], vector<16xf32>,
          %gather3A_334 = tpu.vector_load_idx %arg5[%and3A_113, %add3A_290] : memref<32x512xf32, #tpu.memory_space<vmem>>[vector<16xi32>, vector<16xi32>], vector<16xf32>,
          %add3A_335 = arith.addi %mul3A_298, %and3A_113 : vector<16xi32>
          tpu.vector_store_idx %arg7[%shift_right_logical3A_292, %add3A_335], %gather3A_334 : memref<128x128xf32, #tpu.memory_space<vmem>>[vector<16xi32>, vector<16xi32>], vector<16xf32>,
          %gather3A_336 = tpu.vector_load_idx %arg5[%and3A_119, %add3A_290] : memref<32x512xf32, #tpu.memory_space<vmem>>[vector<16xi32>, vector<16xi32>], vector<16xf32>,
          %add3A_337 = arith.addi %mul3A_298, %and3A_119 : vector<16xi32>
          tpu.vector_store_idx %arg7[%shift_right_logical3A_292, %add3A_337], %gather3A_336 : memref<128x128xf32, #tpu.memory_space<vmem>>[vector<16xi32>, vector<16xi32>], vector<16xf32>,
          %gather3A_338 = tpu.vector_load_idx %arg5[%and3A_125, %add3A_290] : memref<32x512xf32, #tpu.memory_space<vmem>>[vector<16xi32>, vector<16xi32>], vector<16xf32>,
          %add3A_339 = arith.addi %mul3A_298, %and3A_125 : vector<16xi32>
          tpu.vector_store_idx %arg7[%shift_right_logical3A_292, %add3A_339], %gather3A_338 : memref<128x128xf32, #tpu.memory_space<vmem>>[vector<16xi32>, vector<16xi32>], vector<16xf32>,
          %gather3A_340 = tpu.vector_load_idx %arg5[%and3A_131, %add3A_290] : memref<32x512xf32, #tpu.memory_space<vmem>>[vector<16xi32>, vector<16xi32>], vector<16xf32>,
          %add3A_341 = arith.addi %mul3A_298, %and3A_131 : vector<16xi32>
          tpu.vector_store_idx %arg7[%shift_right_logical3A_292, %add3A_341], %gather3A_340 : memref<128x128xf32, #tpu.memory_space<vmem>>[vector<16xi32>, vector<16xi32>], vector<16xf32>,
          %gather3A_342 = tpu.vector_load_idx %arg5[%and3A_137, %add3A_290] : memref<32x512xf32, #tpu.memory_space<vmem>>[vector<16xi32>, vector<16xi32>], vector<16xf32>,
          %add3A_343 = arith.addi %mul3A_298, %and3A_137 : vector<16xi32>
          tpu.vector_store_idx %arg7[%shift_right_logical3A_292, %add3A_343], %gather3A_342 : memref<128x128xf32, #tpu.memory_space<vmem>>[vector<16xi32>, vector<16xi32>], vector<16xf32>,
          %gather3A_344 = tpu.vector_load_idx %arg5[%and3A_143, %add3A_290] : memref<32x512xf32, #tpu.memory_space<vmem>>[vector<16xi32>, vector<16xi32>], vector<16xf32>,
          %add3A_345 = arith.addi %mul3A_298, %and3A_143 : vector<16xi32>
          tpu.vector_store_idx %arg7[%shift_right_logical3A_292, %add3A_345], %gather3A_344 : memref<128x128xf32, #tpu.memory_space<vmem>>[vector<16xi32>, vector<16xi32>], vector<16xf32>,
          %gather3A_346 = tpu.vector_load_idx %arg5[%and3A_149, %add3A_290] : memref<32x512xf32, #tpu.memory_space<vmem>>[vector<16xi32>, vector<16xi32>], vector<16xf32>,
          %add3A_347 = arith.addi %mul3A_298, %and3A_149 : vector<16xi32>
          tpu.vector_store_idx %arg7[%shift_right_logical3A_292, %add3A_347], %gather3A_346 : memref<128x128xf32, #tpu.memory_space<vmem>>[vector<16xi32>, vector<16xi32>], vector<16xf32>,
          %gather3A_348 = tpu.vector_load_idx %arg5[%and3A_155, %add3A_290] : memref<32x512xf32, #tpu.memory_space<vmem>>[vector<16xi32>, vector<16xi32>], vector<16xf32>,
          %add3A_349 = arith.addi %mul3A_298, %and3A_155 : vector<16xi32>
          tpu.vector_store_idx %arg7[%shift_right_logical3A_292, %add3A_349], %gather3A_348 : memref<128x128xf32, #tpu.memory_space<vmem>>[vector<16xi32>, vector<16xi32>], vector<16xf32>,
          %gather3A_350 = tpu.vector_load_idx %arg5[%and3A_161, %add3A_290] : memref<32x512xf32, #tpu.memory_space<vmem>>[vector<16xi32>, vector<16xi32>], vector<16xf32>,
          %add3A_351 = arith.addi %mul3A_298, %and3A_161 : vector<16xi32>
          tpu.vector_store_idx %arg7[%shift_right_logical3A_292, %add3A_351], %gather3A_350 : memref<128x128xf32, #tpu.memory_space<vmem>>[vector<16xi32>, vector<16xi32>], vector<16xf32>,
          %gather3A_352 = tpu.vector_load_idx %arg5[%and3A_167, %add3A_290] : memref<32x512xf32, #tpu.memory_space<vmem>>[vector<16xi32>, vector<16xi32>], vector<16xf32>,
          %add3A_353 = arith.addi %mul3A_298, %and3A_167 : vector<16xi32>
          tpu.vector_store_idx %arg7[%shift_right_logical3A_292, %add3A_353], %gather3A_352 : memref<128x128xf32, #tpu.memory_space<vmem>>[vector<16xi32>, vector<16xi32>], vector<16xf32>,
          %gather3A_354 = tpu.vector_load_idx %arg5[%and3A_173, %add3A_290] : memref<32x512xf32, #tpu.memory_space<vmem>>[vector<16xi32>, vector<16xi32>], vector<16xf32>,
          %add3A_355 = arith.addi %mul3A_298, %and3A_173 : vector<16xi32>
          tpu.vector_store_idx %arg7[%shift_right_logical3A_292, %add3A_355], %gather3A_354 : memref<128x128xf32, #tpu.memory_space<vmem>>[vector<16xi32>, vector<16xi32>], vector<16xf32>,
          %gather3A_356 = tpu.vector_load_idx %arg5[%and3A_179, %add3A_290] : memref<32x512xf32, #tpu.memory_space<vmem>>[vector<16xi32>, vector<16xi32>], vector<16xf32>,
          %add3A_357 = arith.addi %mul3A_298, %and3A_179 : vector<16xi32>
          tpu.vector_store_idx %arg7[%shift_right_logical3A_292, %add3A_357], %gather3A_356 : memref<128x128xf32, #tpu.memory_space<vmem>>[vector<16xi32>, vector<16xi32>], vector<16xf32>,
          %gather3A_358 = tpu.vector_load_idx %arg5[%and3A_185, %add3A_290] : memref<32x512xf32, #tpu.memory_space<vmem>>[vector<16xi32>, vector<16xi32>], vector<16xf32>,
          %add3A_359 = arith.addi %mul3A_298, %and3A_185 : vector<16xi32>
          tpu.vector_store_idx %arg7[%shift_right_logical3A_292, %add3A_359], %gather3A_358 : memref<128x128xf32, #tpu.memory_space<vmem>>[vector<16xi32>, vector<16xi32>], vector<16xf32>,
          %gather3A_360 = tpu.vector_load_idx %arg5[%and3A_191, %add3A_290] : memref<32x512xf32, #tpu.memory_space<vmem>>[vector<16xi32>, vector<16xi32>], vector<16xf32>,
          %add3A_361 = arith.addi %mul3A_298, %and3A_191 : vector<16xi32>
          tpu.vector_store_idx %arg7[%shift_right_logical3A_292, %add3A_361], %gather3A_360 : memref<128x128xf32, #tpu.memory_space<vmem>>[vector<16xi32>, vector<16xi32>], vector<16xf32>,
        }
        %scan3A_265 = arith.constant 32 : i32
        %mul3A_266 = arith.constant 128 : i32
        %mul3A_267 = arith.muli %add3A_245, %mul3A_266 : i32
        %multiple_of3A_268 = tpu.assume_multiple %mul3A_267, 128 : i32
        %dma_start3A = arith.constant 0 : i32
        %dma_start3A_269 = tpu.memref_slice %arg3[%multiple_of3A_268, %dma_start3A] : memref<250000x128xf32, #tpu.memory_space<hbm>> -> memref<128x128xf32, #tpu.memory_space<hbm>>
        %dma_start3A_270 = arith.constant 0 : i32
        %dma_start3A_271 = tpu.memref_slice %arg3[%multiple_of3A_268, %dma_start3A_270] : memref<250000x128xf32, #tpu.memory_space<hbm>> -> memref<128x128xf32, #tpu.memory_space<hbm>>
        tpu.enqueue_dma source(%arg7 : memref<128x128xf32, #tpu.memory_space<vmem>>) target(%dma_start3A_271 : memref<128x128xf32, #tpu.memory_space<hbm>>) target_semaphore(%arg13 : memref<!tpu.dma_semaphore, #tpu.memory_space<semaphore_mem>>)
        %add3A_272 = arith.constant 1 : i32
        %add3A_273 = arith.addi %scan3A_226, %add3A_272 : i32
        %mul3A_274 = arith.constant 2 : i32
        %mul3A_275 = arith.muli %mul3A_274, %add3A_273 : i32
        %add3A_276 = arith.constant 1 : i32
        %add3A_277 = arith.addi %mul3A_275, %add3A_276 : i32
        %mul3A_278 = arith.constant 32 : i32
        %mul3A_279 = arith.muli %add3A_277, %mul3A_278 : i32
        %add3A_280 = arith.addi %mul3A_279, %add3A : i32
        %lt3A_281 = arith.constant 1953 : i32
        %lt3A_282 = arith.cmpi slt, %add3A_280, %lt3A_281 : i32
        %convert_element_type3A_283 = arith.extui %lt3A_282 : i1 to i32
        %cond3A_284 = arith.constant 0 : i32
        %cond3A_285 = arith.cmpi ne, %convert_element_type3A_283, %cond3A_284 : i32
        scf.if %cond3A_285 {
          %mul3A_286 = arith.constant 512 : i32
          %mul3A_287 = arith.muli %add3A_280, %mul3A_286 : i32
          %multiple_of3A_288 = tpu.assume_multiple %mul3A_287, 512 : i32
          %dma_start3A_289 = arith.constant 0 : i32
          %dma_start3A_290 = tpu.memref_slice %arg2[%dma_start3A_289, %multiple_of3A_288] : memref<32x1000000xf32, #tpu.memory_space<hbm>> -> memref<32x512xf32, #tpu.memory_space<hbm>>
          %dma_start3A_291 = arith.constant 0 : i32
          %dma_start3A_292 = tpu.memref_slice %arg2[%dma_start3A_291, %multiple_of3A_288] : memref<32x1000000xf32, #tpu.memory_space<hbm>> -> memref<32x512xf32, #tpu.memory_space<hbm>>
          tpu.enqueue_dma source(%dma_start3A_292 : memref<32x512xf32, #tpu.memory_space<hbm>>) target(%arg5 : memref<32x512xf32, #tpu.memory_space<vmem>>) target_semaphore(%arg11 : memref<!tpu.dma_semaphore, #tpu.memory_space<semaphore_mem>>)
        } else {
        }
      } else {
      }
    }
    %scan3A_207 = arith.constant 31 : i32
    %add3A_208 = arith.constant 0 : i32
    %add3A_209 = arith.addi %add3A_208, %add3A : i32
    %lt3A_210 = arith.constant 1953 : i32
    %lt3A_211 = arith.cmpi slt, %add3A_209, %lt3A_210 : i32
    %convert_element_type3A_212 = arith.extui %lt3A_211 : i1 to i32
    %cond3A_213 = arith.constant 0 : i32
    %cond3A_214 = arith.cmpi ne, %convert_element_type3A_212, %cond3A_213 : i32
    scf.if %cond3A_214 {
      %multiple_of3A = arith.constant 0 : i32
      %multiple_of3A_226 = tpu.assume_multiple %multiple_of3A, 128 : i32
      %dma_wait3A = arith.constant 0 : i32
      %dma_wait3A_227 = tpu.memref_slice %arg3[%multiple_of3A_226, %dma_wait3A] : memref<250000x128xf32, #tpu.memory_space<hbm>> -> memref<128x128xf32, #tpu.memory_space<hbm>>
      %dma_wait3A_228 = arith.constant 0 : i32
      %dma_wait3A_229 = tpu.memref_slice %arg3[%multiple_of3A_226, %dma_wait3A_228] : memref<250000x128xf32, #tpu.memory_space<hbm>> -> memref<128x128xf32, #tpu.memory_space<hbm>>
      tpu.wait_dma2 semaphore(%arg12 : memref<!tpu.dma_semaphore, #tpu.memory_space<semaphore_mem>>) src(%arg6 : memref<128x128xf32, #tpu.memory_space<vmem>>) dst(%dma_wait3A_229 : memref<128x128xf32, #tpu.memory_space<hbm>>)
    } else {
    }
    %add3A_215 = arith.constant 32 : i32
    %add3A_216 = arith.addi %add3A_215, %add3A : i32
    %lt3A_217 = arith.constant 1953 : i32
    %lt3A_218 = arith.cmpi slt, %add3A_216, %lt3A_217 : i32
    %convert_element_type3A_219 = arith.extui %lt3A_218 : i1 to i32
    %cond3A_220 = arith.constant 0 : i32
    %cond3A_221 = arith.cmpi ne, %convert_element_type3A_219, %cond3A_220 : i32
    scf.if %cond3A_221 {
      %multiple_of3A = arith.constant 0 : i32
      %multiple_of3A_226 = tpu.assume_multiple %multiple_of3A, 128 : i32
      %dma_wait3A = arith.constant 0 : i32
      %dma_wait3A_227 = tpu.memref_slice %arg3[%multiple_of3A_226, %dma_wait3A] : memref<250000x128xf32, #tpu.memory_space<hbm>> -> memref<128x128xf32, #tpu.memory_space<hbm>>
      %dma_wait3A_228 = arith.constant 0 : i32
      %dma_wait3A_229 = tpu.memref_slice %arg3[%multiple_of3A_226, %dma_wait3A_228] : memref<250000x128xf32, #tpu.memory_space<hbm>> -> memref<128x128xf32, #tpu.memory_space<hbm>>
      tpu.wait_dma2 semaphore(%arg13 : memref<!tpu.dma_semaphore, #tpu.memory_space<semaphore_mem>>) src(%arg7 : memref<128x128xf32, #tpu.memory_space<vmem>>) dst(%dma_wait3A_229 : memref<128x128xf32, #tpu.memory_space<hbm>>)
    } else {
    }
    %eq3A = arith.constant 31 : i32
    %eq3A_222 = arith.cmpi eq, %add3A, %eq3A : i32
    %convert_element_type3A_223 = arith.extui %eq3A_222 : i1 to i32
    %cond3A_224 = arith.constant 0 : i32
    %cond3A_225 = arith.cmpi ne, %convert_element_type3A_223, %cond3A_224 : i32
    scf.if %cond3A_225 {
      %dma_start3A = arith.constant 0 : i32
      %dma_start3A_226 = arith.constant 999936 : i32
      %dma_start3A_227 = tpu.memref_slice %arg2[%dma_start3A, %dma_start3A_226] : memref<32x1000000xf32, #tpu.memory_space<hbm>> -> memref<32x64xf32, #tpu.memory_space<hbm>>
      %dma_start3A_228 = arith.constant 0 : i32
      %dma_start3A_229 = arith.constant 999936 : i32
      %dma_start3A_230 = tpu.memref_slice %arg2[%dma_start3A_228, %dma_start3A_229] : memref<32x1000000xf32, #tpu.memory_space<hbm>> -> memref<32x64xf32, #tpu.memory_space<hbm>>
      tpu.enqueue_dma source(%dma_start3A_230 : memref<32x64xf32, #tpu.memory_space<hbm>>) target(%arg8 : memref<32x64xf32, #tpu.memory_space<vmem>>) target_semaphore(%arg14 : memref<!tpu.dma_semaphore, #tpu.memory_space<semaphore_mem>>)
      %dma_wait3A = arith.constant 0 : i32
      %dma_wait3A_231 = arith.constant 999936 : i32
      %dma_wait3A_232 = tpu.memref_slice %arg2[%dma_wait3A, %dma_wait3A_231] : memref<32x1000000xf32, #tpu.memory_space<hbm>> -> memref<32x64xf32, #tpu.memory_space<hbm>>
      %dma_wait3A_233 = arith.constant 0 : i32
      %dma_wait3A_234 = arith.constant 999936 : i32
      %dma_wait3A_235 = tpu.memref_slice %arg2[%dma_wait3A_233, %dma_wait3A_234] : memref<32x1000000xf32, #tpu.memory_space<hbm>> -> memref<32x64xf32, #tpu.memory_space<hbm>>
      tpu.wait_dma2 semaphore(%arg14 : memref<!tpu.dma_semaphore, #tpu.memory_space<semaphore_mem>>) src(%dma_wait3A_235 : memref<32x64xf32, #tpu.memory_space<hbm>>) dst(%arg8 : memref<32x64xf32, #tpu.memory_space<vmem>>)
      %scan3A_236 = arith.constant 0 : i32
      %scan3A_237 = arith.constant 0 : i32
      %scan3A_238 = arith.constant 4 : i32
      %scan3A_239 = arith.addi %scan3A_237, %scan3A_238 : i32
      %scan3A_240 = arith.constant 1 : i32
      scf.for %scan3A_254 = %scan3A_237 to %scan3A_239 step %scan3A_240  : i32 {
        %mul3A_255 = arith.constant 16 : i32
        %mul3A_256 = arith.muli %scan3A_254, %mul3A_255 : i32
        %add3A_257 = vector.broadcast %mul3A_256 : i32 to vector<16xi32>
        %add3A_258 = arith.addi %iota3A, %add3A_257 : vector<16xi32>
        %shift_right_logical3A = arith.constant 2 : i32
        %shift_right_logical3A_259 = vector.broadcast %shift_right_logical3A : i32 to vector<16xi32>
        %shift_right_logical3A_260 = arith.shrui %add3A_258, %shift_right_logical3A_259 : vector<16xi32>
        %and3A_261 = arith.constant 3 : i32
        %and3A_262 = vector.broadcast %and3A_261 : i32 to vector<16xi32>
        %and3A_263 = arith.andi %add3A_258, %and3A_262 : vector<16xi32>
        %mul3A_264 = arith.constant 32 : i32
        %mul3A_265 = vector.broadcast %mul3A_264 : i32 to vector<16xi32>
        %mul3A_266 = arith.muli %and3A_263, %mul3A_265 : vector<16xi32>
        %gather3A = tpu.vector_load_idx %arg8[%and3A_5, %add3A_258] : memref<32x64xf32, #tpu.memory_space<vmem>>[vector<16xi32>, vector<16xi32>], vector<16xf32>,
        %add3A_267 = arith.addi %mul3A_266, %and3A_5 : vector<16xi32>
        tpu.vector_store_idx %arg9[%shift_right_logical3A_260, %add3A_267], %gather3A : memref<16x128xf32, #tpu.memory_space<vmem>>[vector<16xi32>, vector<16xi32>], vector<16xf32>,
        %gather3A_268 = tpu.vector_load_idx %arg8[%and3A_11, %add3A_258] : memref<32x64xf32, #tpu.memory_space<vmem>>[vector<16xi32>, vector<16xi32>], vector<16xf32>,
        %add3A_269 = arith.addi %mul3A_266, %and3A_11 : vector<16xi32>
        tpu.vector_store_idx %arg9[%shift_right_logical3A_260, %add3A_269], %gather3A_268 : memref<16x128xf32, #tpu.memory_space<vmem>>[vector<16xi32>, vector<16xi32>], vector<16xf32>,
        %gather3A_270 = tpu.vector_load_idx %arg8[%and3A_17, %add3A_258] : memref<32x64xf32, #tpu.memory_space<vmem>>[vector<16xi32>, vector<16xi32>], vector<16xf32>,
        %add3A_271 = arith.addi %mul3A_266, %and3A_17 : vector<16xi32>
        tpu.vector_store_idx %arg9[%shift_right_logical3A_260, %add3A_271], %gather3A_270 : memref<16x128xf32, #tpu.memory_space<vmem>>[vector<16xi32>, vector<16xi32>], vector<16xf32>,
        %gather3A_272 = tpu.vector_load_idx %arg8[%and3A_23, %add3A_258] : memref<32x64xf32, #tpu.memory_space<vmem>>[vector<16xi32>, vector<16xi32>], vector<16xf32>,
        %add3A_273 = arith.addi %mul3A_266, %and3A_23 : vector<16xi32>
        tpu.vector_store_idx %arg9[%shift_right_logical3A_260, %add3A_273], %gather3A_272 : memref<16x128xf32, #tpu.memory_space<vmem>>[vector<16xi32>, vector<16xi32>], vector<16xf32>,
        %gather3A_274 = tpu.vector_load_idx %arg8[%and3A_29, %add3A_258] : memref<32x64xf32, #tpu.memory_space<vmem>>[vector<16xi32>, vector<16xi32>], vector<16xf32>,
        %add3A_275 = arith.addi %mul3A_266, %and3A_29 : vector<16xi32>
        tpu.vector_store_idx %arg9[%shift_right_logical3A_260, %add3A_275], %gather3A_274 : memref<16x128xf32, #tpu.memory_space<vmem>>[vector<16xi32>, vector<16xi32>], vector<16xf32>,
        %gather3A_276 = tpu.vector_load_idx %arg8[%and3A_35, %add3A_258] : memref<32x64xf32, #tpu.memory_space<vmem>>[vector<16xi32>, vector<16xi32>], vector<16xf32>,
        %add3A_277 = arith.addi %mul3A_266, %and3A_35 : vector<16xi32>
        tpu.vector_store_idx %arg9[%shift_right_logical3A_260, %add3A_277], %gather3A_276 : memref<16x128xf32, #tpu.memory_space<vmem>>[vector<16xi32>, vector<16xi32>], vector<16xf32>,
        %gather3A_278 = tpu.vector_load_idx %arg8[%and3A_41, %add3A_258] : memref<32x64xf32, #tpu.memory_space<vmem>>[vector<16xi32>, vector<16xi32>], vector<16xf32>,
        %add3A_279 = arith.addi %mul3A_266, %and3A_41 : vector<16xi32>
        tpu.vector_store_idx %arg9[%shift_right_logical3A_260, %add3A_279], %gather3A_278 : memref<16x128xf32, #tpu.memory_space<vmem>>[vector<16xi32>, vector<16xi32>], vector<16xf32>,
        %gather3A_280 = tpu.vector_load_idx %arg8[%and3A_47, %add3A_258] : memref<32x64xf32, #tpu.memory_space<vmem>>[vector<16xi32>, vector<16xi32>], vector<16xf32>,
        %add3A_281 = arith.addi %mul3A_266, %and3A_47 : vector<16xi32>
        tpu.vector_store_idx %arg9[%shift_right_logical3A_260, %add3A_281], %gather3A_280 : memref<16x128xf32, #tpu.memory_space<vmem>>[vector<16xi32>, vector<16xi32>], vector<16xf32>,
        %gather3A_282 = tpu.vector_load_idx %arg8[%and3A_53, %add3A_258] : memref<32x64xf32, #tpu.memory_space<vmem>>[vector<16xi32>, vector<16xi32>], vector<16xf32>,
        %add3A_283 = arith.addi %mul3A_266, %and3A_53 : vector<16xi32>
        tpu.vector_store_idx %arg9[%shift_right_logical3A_260, %add3A_283], %gather3A_282 : memref<16x128xf32, #tpu.memory_space<vmem>>[vector<16xi32>, vector<16xi32>], vector<16xf32>,
        %gather3A_284 = tpu.vector_load_idx %arg8[%and3A_59, %add3A_258] : memref<32x64xf32, #tpu.memory_space<vmem>>[vector<16xi32>, vector<16xi32>], vector<16xf32>,
        %add3A_285 = arith.addi %mul3A_266, %and3A_59 : vector<16xi32>
        tpu.vector_store_idx %arg9[%shift_right_logical3A_260, %add3A_285], %gather3A_284 : memref<16x128xf32, #tpu.memory_space<vmem>>[vector<16xi32>, vector<16xi32>], vector<16xf32>,
        %gather3A_286 = tpu.vector_load_idx %arg8[%and3A_65, %add3A_258] : memref<32x64xf32, #tpu.memory_space<vmem>>[vector<16xi32>, vector<16xi32>], vector<16xf32>,
        %add3A_287 = arith.addi %mul3A_266, %and3A_65 : vector<16xi32>
        tpu.vector_store_idx %arg9[%shift_right_logical3A_260, %add3A_287], %gather3A_286 : memref<16x128xf32, #tpu.memory_space<vmem>>[vector<16xi32>, vector<16xi32>], vector<16xf32>,
        %gather3A_288 = tpu.vector_load_idx %arg8[%and3A_71, %add3A_258] : memref<32x64xf32, #tpu.memory_space<vmem>>[vector<16xi32>, vector<16xi32>], vector<16xf32>,
        %add3A_289 = arith.addi %mul3A_266, %and3A_71 : vector<16xi32>
        tpu.vector_store_idx %arg9[%shift_right_logical3A_260, %add3A_289], %gather3A_288 : memref<16x128xf32, #tpu.memory_space<vmem>>[vector<16xi32>, vector<16xi32>], vector<16xf32>,
        %gather3A_290 = tpu.vector_load_idx %arg8[%and3A_77, %add3A_258] : memref<32x64xf32, #tpu.memory_space<vmem>>[vector<16xi32>, vector<16xi32>], vector<16xf32>,
        %add3A_291 = arith.addi %mul3A_266, %and3A_77 : vector<16xi32>
        tpu.vector_store_idx %arg9[%shift_right_logical3A_260, %add3A_291], %gather3A_290 : memref<16x128xf32, #tpu.memory_space<vmem>>[vector<16xi32>, vector<16xi32>], vector<16xf32>,
        %gather3A_292 = tpu.vector_load_idx %arg8[%and3A_83, %add3A_258] : memref<32x64xf32, #tpu.memory_space<vmem>>[vector<16xi32>, vector<16xi32>], vector<16xf32>,
        %add3A_293 = arith.addi %mul3A_266, %and3A_83 : vector<16xi32>
        tpu.vector_store_idx %arg9[%shift_right_logical3A_260, %add3A_293], %gather3A_292 : memref<16x128xf32, #tpu.memory_space<vmem>>[vector<16xi32>, vector<16xi32>], vector<16xf32>,
        %gather3A_294 = tpu.vector_load_idx %arg8[%and3A_89, %add3A_258] : memref<32x64xf32, #tpu.memory_space<vmem>>[vector<16xi32>, vector<16xi32>], vector<16xf32>,
        %add3A_295 = arith.addi %mul3A_266, %and3A_89 : vector<16xi32>
        tpu.vector_store_idx %arg9[%shift_right_logical3A_260, %add3A_295], %gather3A_294 : memref<16x128xf32, #tpu.memory_space<vmem>>[vector<16xi32>, vector<16xi32>], vector<16xf32>,
        %gather3A_296 = tpu.vector_load_idx %arg8[%and3A_95, %add3A_258] : memref<32x64xf32, #tpu.memory_space<vmem>>[vector<16xi32>, vector<16xi32>], vector<16xf32>,
        %add3A_297 = arith.addi %mul3A_266, %and3A_95 : vector<16xi32>
        tpu.vector_store_idx %arg9[%shift_right_logical3A_260, %add3A_297], %gather3A_296 : memref<16x128xf32, #tpu.memory_space<vmem>>[vector<16xi32>, vector<16xi32>], vector<16xf32>,
        %gather3A_298 = tpu.vector_load_idx %arg8[%and3A_101, %add3A_258] : memref<32x64xf32, #tpu.memory_space<vmem>>[vector<16xi32>, vector<16xi32>], vector<16xf32>,
        %add3A_299 = arith.addi %mul3A_266, %and3A_101 : vector<16xi32>
        tpu.vector_store_idx %arg9[%shift_right_logical3A_260, %add3A_299], %gather3A_298 : memref<16x128xf32, #tpu.memory_space<vmem>>[vector<16xi32>, vector<16xi32>], vector<16xf32>,
        %gather3A_300 = tpu.vector_load_idx %arg8[%and3A_107, %add3A_258] : memref<32x64xf32, #tpu.memory_space<vmem>>[vector<16xi32>, vector<16xi32>], vector<16xf32>,
        %add3A_301 = arith.addi %mul3A_266, %and3A_107 : vector<16xi32>
        tpu.vector_store_idx %arg9[%shift_right_logical3A_260, %add3A_301], %gather3A_300 : memref<16x128xf32, #tpu.memory_space<vmem>>[vector<16xi32>, vector<16xi32>], vector<16xf32>,
        %gather3A_302 = tpu.vector_load_idx %arg8[%and3A_113, %add3A_258] : memref<32x64xf32, #tpu.memory_space<vmem>>[vector<16xi32>, vector<16xi32>], vector<16xf32>,
        %add3A_303 = arith.addi %mul3A_266, %and3A_113 : vector<16xi32>
        tpu.vector_store_idx %arg9[%shift_right_logical3A_260, %add3A_303], %gather3A_302 : memref<16x128xf32, #tpu.memory_space<vmem>>[vector<16xi32>, vector<16xi32>], vector<16xf32>,
        %gather3A_304 = tpu.vector_load_idx %arg8[%and3A_119, %add3A_258] : memref<32x64xf32, #tpu.memory_space<vmem>>[vector<16xi32>, vector<16xi32>], vector<16xf32>,
        %add3A_305 = arith.addi %mul3A_266, %and3A_119 : vector<16xi32>
        tpu.vector_store_idx %arg9[%shift_right_logical3A_260, %add3A_305], %gather3A_304 : memref<16x128xf32, #tpu.memory_space<vmem>>[vector<16xi32>, vector<16xi32>], vector<16xf32>,
        %gather3A_306 = tpu.vector_load_idx %arg8[%and3A_125, %add3A_258] : memref<32x64xf32, #tpu.memory_space<vmem>>[vector<16xi32>, vector<16xi32>], vector<16xf32>,
        %add3A_307 = arith.addi %mul3A_266, %and3A_125 : vector<16xi32>
        tpu.vector_store_idx %arg9[%shift_right_logical3A_260, %add3A_307], %gather3A_306 : memref<16x128xf32, #tpu.memory_space<vmem>>[vector<16xi32>, vector<16xi32>], vector<16xf32>,
        %gather3A_308 = tpu.vector_load_idx %arg8[%and3A_131, %add3A_258] : memref<32x64xf32, #tpu.memory_space<vmem>>[vector<16xi32>, vector<16xi32>], vector<16xf32>,
        %add3A_309 = arith.addi %mul3A_266, %and3A_131 : vector<16xi32>
        tpu.vector_store_idx %arg9[%shift_right_logical3A_260, %add3A_309], %gather3A_308 : memref<16x128xf32, #tpu.memory_space<vmem>>[vector<16xi32>, vector<16xi32>], vector<16xf32>,
        %gather3A_310 = tpu.vector_load_idx %arg8[%and3A_137, %add3A_258] : memref<32x64xf32, #tpu.memory_space<vmem>>[vector<16xi32>, vector<16xi32>], vector<16xf32>,
        %add3A_311 = arith.addi %mul3A_266, %and3A_137 : vector<16xi32>
        tpu.vector_store_idx %arg9[%shift_right_logical3A_260, %add3A_311], %gather3A_310 : memref<16x128xf32, #tpu.memory_space<vmem>>[vector<16xi32>, vector<16xi32>], vector<16xf32>,
        %gather3A_312 = tpu.vector_load_idx %arg8[%and3A_143, %add3A_258] : memref<32x64xf32, #tpu.memory_space<vmem>>[vector<16xi32>, vector<16xi32>], vector<16xf32>,
        %add3A_313 = arith.addi %mul3A_266, %and3A_143 : vector<16xi32>
        tpu.vector_store_idx %arg9[%shift_right_logical3A_260, %add3A_313], %gather3A_312 : memref<16x128xf32, #tpu.memory_space<vmem>>[vector<16xi32>, vector<16xi32>], vector<16xf32>,
        %gather3A_314 = tpu.vector_load_idx %arg8[%and3A_149, %add3A_258] : memref<32x64xf32, #tpu.memory_space<vmem>>[vector<16xi32>, vector<16xi32>], vector<16xf32>,
        %add3A_315 = arith.addi %mul3A_266, %and3A_149 : vector<16xi32>
        tpu.vector_store_idx %arg9[%shift_right_logical3A_260, %add3A_315], %gather3A_314 : memref<16x128xf32, #tpu.memory_space<vmem>>[vector<16xi32>, vector<16xi32>], vector<16xf32>,
        %gather3A_316 = tpu.vector_load_idx %arg8[%and3A_155, %add3A_258] : memref<32x64xf32, #tpu.memory_space<vmem>>[vector<16xi32>, vector<16xi32>], vector<16xf32>,
        %add3A_317 = arith.addi %mul3A_266, %and3A_155 : vector<16xi32>
        tpu.vector_store_idx %arg9[%shift_right_logical3A_260, %add3A_317], %gather3A_316 : memref<16x128xf32, #tpu.memory_space<vmem>>[vector<16xi32>, vector<16xi32>], vector<16xf32>,
        %gather3A_318 = tpu.vector_load_idx %arg8[%and3A_161, %add3A_258] : memref<32x64xf32, #tpu.memory_space<vmem>>[vector<16xi32>, vector<16xi32>], vector<16xf32>,
        %add3A_319 = arith.addi %mul3A_266, %and3A_161 : vector<16xi32>
        tpu.vector_store_idx %arg9[%shift_right_logical3A_260, %add3A_319], %gather3A_318 : memref<16x128xf32, #tpu.memory_space<vmem>>[vector<16xi32>, vector<16xi32>], vector<16xf32>,
        %gather3A_320 = tpu.vector_load_idx %arg8[%and3A_167, %add3A_258] : memref<32x64xf32, #tpu.memory_space<vmem>>[vector<16xi32>, vector<16xi32>], vector<16xf32>,
        %add3A_321 = arith.addi %mul3A_266, %and3A_167 : vector<16xi32>
        tpu.vector_store_idx %arg9[%shift_right_logical3A_260, %add3A_321], %gather3A_320 : memref<16x128xf32, #tpu.memory_space<vmem>>[vector<16xi32>, vector<16xi32>], vector<16xf32>,
        %gather3A_322 = tpu.vector_load_idx %arg8[%and3A_173, %add3A_258] : memref<32x64xf32, #tpu.memory_space<vmem>>[vector<16xi32>, vector<16xi32>], vector<16xf32>,
        %add3A_323 = arith.addi %mul3A_266, %and3A_173 : vector<16xi32>
        tpu.vector_store_idx %arg9[%shift_right_logical3A_260, %add3A_323], %gather3A_322 : memref<16x128xf32, #tpu.memory_space<vmem>>[vector<16xi32>, vector<16xi32>], vector<16xf32>,
        %gather3A_324 = tpu.vector_load_idx %arg8[%and3A_179, %add3A_258] : memref<32x64xf32, #tpu.memory_space<vmem>>[vector<16xi32>, vector<16xi32>], vector<16xf32>,
        %add3A_325 = arith.addi %mul3A_266, %and3A_179 : vector<16xi32>
        tpu.vector_store_idx %arg9[%shift_right_logical3A_260, %add3A_325], %gather3A_324 : memref<16x128xf32, #tpu.memory_space<vmem>>[vector<16xi32>, vector<16xi32>], vector<16xf32>,
        %gather3A_326 = tpu.vector_load_idx %arg8[%and3A_185, %add3A_258] : memref<32x64xf32, #tpu.memory_space<vmem>>[vector<16xi32>, vector<16xi32>], vector<16xf32>,
        %add3A_327 = arith.addi %mul3A_266, %and3A_185 : vector<16xi32>
        tpu.vector_store_idx %arg9[%shift_right_logical3A_260, %add3A_327], %gather3A_326 : memref<16x128xf32, #tpu.memory_space<vmem>>[vector<16xi32>, vector<16xi32>], vector<16xf32>,
        %gather3A_328 = tpu.vector_load_idx %arg8[%and3A_191, %add3A_258] : memref<32x64xf32, #tpu.memory_space<vmem>>[vector<16xi32>, vector<16xi32>], vector<16xf32>,
        %add3A_329 = arith.addi %mul3A_266, %and3A_191 : vector<16xi32>
        tpu.vector_store_idx %arg9[%shift_right_logical3A_260, %add3A_329], %gather3A_328 : memref<16x128xf32, #tpu.memory_space<vmem>>[vector<16xi32>, vector<16xi32>], vector<16xf32>,
      }
      %scan3A_241 = arith.constant 4 : i32
      %dma_start3A_242 = arith.constant 249984 : i32
      %dma_start3A_243 = arith.constant 0 : i32
      %dma_start3A_244 = tpu.memref_slice %arg3[%dma_start3A_242, %dma_start3A_243] : memref<250000x128xf32, #tpu.memory_space<hbm>> -> memref<16x128xf32, #tpu.memory_space<hbm>>
      %dma_start3A_245 = arith.constant 249984 : i32
      %dma_start3A_246 = arith.constant 0 : i32
      %dma_start3A_247 = tpu.memref_slice %arg3[%dma_start3A_245, %dma_start3A_246] : memref<250000x128xf32, #tpu.memory_space<hbm>> -> memref<16x128xf32, #tpu.memory_space<hbm>>
      tpu.enqueue_dma source(%arg9 : memref<16x128xf32, #tpu.memory_space<vmem>>) target(%dma_start3A_247 : memref<16x128xf32, #tpu.memory_space<hbm>>) target_semaphore(%arg15 : memref<!tpu.dma_semaphore, #tpu.memory_space<semaphore_mem>>)
      %dma_wait3A_248 = arith.constant 249984 : i32
      %dma_wait3A_249 = arith.constant 0 : i32
      %dma_wait3A_250 = tpu.memref_slice %arg3[%dma_wait3A_248, %dma_wait3A_249] : memref<250000x128xf32, #tpu.memory_space<hbm>> -> memref<16x128xf32, #tpu.memory_space<hbm>>
      %dma_wait3A_251 = arith.constant 249984 : i32
      %dma_wait3A_252 = arith.constant 0 : i32
      %dma_wait3A_253 = tpu.memref_slice %arg3[%dma_wait3A_251, %dma_wait3A_252] : memref<250000x128xf32, #tpu.memory_space<hbm>> -> memref<16x128xf32, #tpu.memory_space<hbm>>
      tpu.wait_dma2 semaphore(%arg15 : memref<!tpu.dma_semaphore, #tpu.memory_space<semaphore_mem>>) src(%arg9 : memref<16x128xf32, #tpu.memory_space<vmem>>) dst(%dma_wait3A_253 : memref<16x128xf32, #tpu.memory_space<hbm>>)
    } else {
    }
    return
  }
}

</mosaic_0001>

<sc_bundles>
// kernel: _sc_transpose.3.cloned.1.call-start
scs
__scs_entry_jumppad:
0x0: {  	(pc) =	sbr.rel $0x88, $3  }
0x1: {  	(tag) =	ssettag $0x0;
	lr =	simm.s32 $0x1  }
0x2: {  	[smem:$0x3FA0] =	sst lr;
	_ =	strace $0xD0000000  }
0x3: {  	_ = 	snop  }
0x4: {  	_ = 	snop  }
0x5: {  	_ = 	snop  }
0x6: {  	_ = 	snop  }
0x7: {  	_ = 	snop  }
__scs_overlays_trampoline_lowered:
0x8: {  	[smem:$0x3FAF] =	sst s0  }
0x9: {  	[smem:$0x3FB0] =	sst s1  }
0xa: {  	[smem:$0x3FB1] =	sst s2  }
0xb: {  	[smem:$0x3FB2] =	sst s3  }
0xc: {  	[smem:$0x3FB3] =	sst s4  }
0xd: {  	[smem:$0x3FB4] =	sst s5  }
0xe: {  	[smem:$0x3FB5] =	sst s6  }
0xf: {  	[smem:$0x3FB6] =	sst s7  }
0x10: {  	[smem:$0x3FB7] =	sst s8  }
0x11: {  	[smem:$0x3FB8] =	sst s9;
	s0 =	simm.s32 @!p0 $0x0  }
0x12: {  	s1 =	sld [smem:$0x3F9E];
	s0 =	simm.s32 @p0 $0x1  }
0x13: {  	[smem:$0x3FB9] =	sst s0;
	s0 =	simm.s32 @!p1 $0x0  }
0x14: {  	s2 =	sld [smem:$0x3F9D];
	s0 =	simm.s32 @p1 $0x1  }
0x15: {  	[smem:$0x3FBA] =	sst s0;
	s0 =	simm.s32 @!p2 $0x0  }
0x16: {  	s3 =	sld [smem:$0x3FDB];
	s0 =	simm.s32 @p2 $0x1  }
0x17: {  	s4 =	simm.s32 $0x1BF5;
	[smem:$0x3FBC] =	sst s0  }
0x18: {  	s0 =	sld [smem:$0x3F9F];
	_ =	swait.ge [sflag:s4], $0x0  }
0x19: {  	s7 =	sld [smem:$0x3FA0]  }
0x1a: {  	s8 =	sadd.s32 $0xFFFFE003, lr  }
0x1b: {  	s9 =	sadd.s32 $0xFFFFFEF7, lr;
	s5 =	simm.s32 $0xFFFFFFFF;
	p2 =	slt.u32 s8, $0xFFFFF086  }
0x1c: {  	p1 =	slt.u32 s9, $0xF7A;
	s5 =	simm.s32 @!p2 $0x0  }
0x1d: {  	s5 =	simm.s32 @p1 $0x1;
	p0 =	seq.s32 s7, s2  }
0x1e: {  	s7 =	smul.u32 @!p0 $0xF7A, s2;
	p2 =	seq.s32 @!p0 s5, $0x0  }
0x1f: {  	s9 =	smul.u32 $0xF7A, s1;
	s8 =	simm.s32 @!p0 $0x1BF5;
	p2 =	por !p2, p0  }
0x20: {  	[sflag:s8] =	ssyncset.s32 @!p0 $0xFFFFF086;
	s6 =	sadd.s32 @!p0 s3, s7;
	s7 =	simm.s32 @!p0 $0x108  }
0x21: {  	s3 =	sadd.s32 s3, s9;
	s6 =	sadd.s32 @!p0 $0x88, s6;
	s7 =	simm.s32 @p2 $0x1082  }
0x22: {  	[simem:s7], [sflag:s8] =	dma.local @!p0 [hbm:s6], $0xF7A  }
0x23: {  	s9 =	sor.u32 $0xD0000000, s2;
	s6 =	simm.s32 $0x108;
	_ =	swait.ge @!p0 [sflag:s8], $0x0  }
0x24: {  	s3 =	sadd.s32 $0x88, s3;
	s6 =	simm.s32 @!p1 $0x1082;
	[sflag:s4] =	ssyncset.s32 $0xFFFFF086  }
0x25: {  	[simem:s6], [sflag:s4] =	dma.local [hbm:s3], $0xF7A  }
0x26: {  	[smem:$0x3FA0] =	sst s1;
	(tag) =	ssettag s2;
	_ =	strace s9  }
0x27: {  	s1 =	sld [smem:$0x3FB0]  }
0x28: {  	s2 =	sld [smem:$0x3FB1]  }
0x29: {  	s4 =	sld [smem:$0x3FB3]  }
0x2a: {  	p0 =	seq.s32 s5, $0x0;
	s5 =	sld [smem:$0x3FB4]  }
0x2b: {  	s6 =	sld [smem:$0x3FB5]  }
0x2c: {  	s7 =	sld [smem:$0x3FB6]  }
0x2d: {  	s3 =	simm.s32 $0x108;
	s8 =	sld [smem:$0x3FB7]  }
0x2e: {  	s3 =	simm.s32 @!p0 $0x1082;
	s9 =	sld [smem:$0x3FB8]  }
0x2f: {  	lr =	sadd.s32 s0, s3;
	s0 =	sld [smem:$0x3FAF]  }
0x30: {  	s3 =	sld [smem:$0x3FB2]  }
0x31: {  	[smem:$0x3FBB] =	sst s10  }
0x32: {  	s10 =	sld [smem:$0x3FB9];
	_ =	sdelay $0x3  }
0x33: {  	p0 =	seq.s32 s10, $0x1;
	s10 =	sld [smem:$0x3FBB];
	_ =	sdelay $0x3  }
0x34: {  	[smem:$0x3FBB] =	sst s10  }
0x35: {  	s10 =	sld [smem:$0x3FBA];
	_ =	sdelay $0x3  }
0x36: {  	p1 =	seq.s32 s10, $0x1;
	s10 =	sld [smem:$0x3FBB];
	_ =	sdelay $0x3  }
0x37: {  	[smem:$0x3FBB] =	sst s10  }
0x38: {  	s10 =	sld [smem:$0x3FBC]  }
0x39: {  	_ = 	snop;
	(pc) =	sbr.ind lr, $3  }
0x3a: {  	_ = 	snop  }
0x3b: {  	_ = 	snop  }
0x3c: {  	p2 =	seq.s32 s10, $0x1;
	s10 =	sld [smem:$0x3FBB]  }
0x3d: {  	_ =	shalt  }
0x3e: {  	_ =	shalt  }
0x3f: {  	_ =	shalt  }
0x40: {  	_ =	shalt  }
0x41: {  	_ =	shalt  }
0x42: {  	_ =	shalt  }
0x43: {  	_ =	shalt  }
0x44: {  	_ =	shalt  }
0x45: {  	_ =	shalt  }
0x46: {  	_ =	shalt  }
0x47: {  	_ =	shalt  }
0x48: {  	_ =	shalt  }
0x49: {  	_ =	shalt  }
0x4a: {  	_ =	shalt  }
0x4b: {  	_ =	shalt  }
0x4c: {  	_ =	shalt  }
0x4d: {  	_ =	shalt  }
0x4e: {  	_ =	shalt  }
0x4f: {  	_ =	shalt  }
0x50: {  	_ =	shalt  }
0x51: {  	_ =	shalt  }
0x52: {  	_ =	shalt  }
0x53: {  	_ =	shalt  }
0x54: {  	_ =	shalt  }
0x55: {  	_ =	shalt  }
0x56: {  	_ =	shalt  }
0x57: {  	_ =	shalt  }
0x58: {  	_ =	shalt  }
0x59: {  	_ =	shalt  }
0x5a: {  	_ =	shalt  }
0x5b: {  	_ =	shalt  }
0x5c: {  	_ =	shalt  }
0x5d: {  	_ =	shalt  }
0x5e: {  	_ =	shalt  }
0x5f: {  	_ =	shalt  }
0x60: {  	_ =	shalt  }
0x61: {  	_ =	shalt  }
0x62: {  	_ =	shalt  }
0x63: {  	_ =	shalt  }
0x64: {  	_ =	shalt  }
0x65: {  	_ =	shalt  }
0x66: {  	_ =	shalt  }
0x67: {  	_ =	shalt  }
0x68: {  	_ =	shalt  }
0x69: {  	_ =	shalt  }
0x6a: {  	_ =	shalt  }
0x6b: {  	_ =	shalt  }
0x6c: {  	_ =	shalt  }
0x6d: {  	_ =	shalt  }
0x6e: {  	_ =	shalt  }
0x6f: {  	_ =	shalt  }
0x70: {  	_ =	shalt  }
0x71: {  	_ =	shalt  }
0x72: {  	_ =	shalt  }
0x73: {  	_ =	shalt  }
0x74: {  	_ =	shalt  }
0x75: {  	_ =	shalt  }
0x76: {  	_ =	shalt  }
0x77: {  	_ =	shalt  }
0x78: {  	_ =	shalt  }
0x79: {  	_ =	shalt  }
0x7a: {  	_ =	shalt  }
0x7b: {  	_ =	shalt  }
0x7c: {  	_ =	shalt  }
0x7d: {  	_ =	shalt  }
0x7e: {  	_ =	shalt  }
0x7f: {  	_ =	shalt  }
0x80: {  	_ =	shalt  }
0x81: {  	_ =	shalt  }
0x82: {  	_ =	shalt  }
0x83: {  	_ =	shalt  }
0x84: {  	_ =	shalt  }
0x85: {  	_ =	shalt  }
0x86: {  	_ =	shalt  }
0x87: {  	_ =	shalt  }
.Lfunc_end0:
.L_simem_size_0:
called_computation_lowered:
.L_overlay_start_0:
0x88: {  	s2 =	sld [smem:$0x3FD9]  }
0x89: {  	s3 =	sld [smem:$0x3FFE];
	_ =	sdelay $0x1  }
0x8a: {  	s1 =	srdreg.scid  }
0x8b: {  	s0 =	sand.u32 $0x1, s1  }
0x8c: {  	s18 =	sshll.u32 s0, $0xA;
	s2 =	sadd.s32 s3, s2  }
0x8d: {  	s2 =	sadd.s32 s2, s18  }
0x8e: {  	[smem:$0x3FC7] =	sst s2  }
0x8f: {  	_ = 	snop  }
0x90: {  	s2 =	sld [smem:$0x3FC9]  }
0x91: {  	s19 =	sld [smem:$0x3FD0];
	(tm) =	ssettm $0x1  }
0x92: {  	s4 =	sld [smem:$0x3FFB];
	_ =	sdelay $0x3  }
0x93: {  	_ =	strace s4  }
0x94: {  	s4 =	sld [smem:$0x3FFC];
	_ =	sdelay $0x3  }
0x95: {  	_ =	strace s4  }
0x96: {  	s4 =	sld [smem:$0x3FFD];
	_ =	sdelay $0x3  }
0x97: {  	_ =	strace s4  }
0x98: {  	_ =	strace $0x8FFFFFFF  }
0x99: {  	s20 =	sld [smem:$0x3FDB];
	_ =	sdelay $0x1  }
0x9a: {  	s5 =	simm.s32 $_scs_section_size  }
0x9b: {  	s6 =	simm.s32 $_size__tile_overlayer_lowered;
	s7 =	simm.s32 $_tile_overlayer_lowered  }
0x9c: {  	s23 =	simm.s32 $0x1BFF;
	s22 =	sshll.u32 s7, $0x1;
	s4 =	sadd.s32 s5, s20  }
0x9d: {  	s8 =	simm.s32 $0x0;
	s21 =	sshll.u32 s6, $0x1;
	s6 =	sadd.s32 s22, s4  }
0x9e: {  	[timem:s8], [sflag:s23] =	dma.local [hbm:s6], s21  }
0x9f: {  	_ =	swait.ge [sflag:s23], s21  }
0xa0: {  	s5 =	ssub.s32 $0x0, s21;
	[sflag:s23] =	ssyncset.done $0x0  }
0xa1: {  	[sflag:s23] =	ssyncadd.s32 s5;
	_ =	sdelay $0x1  }
0xa2: {  	s24 =	simm.s32 $0x1B8B  }
0xa3: {  	_ =	swait.ge [sflag:s24], $0x1  }
0xa4: {  	[sflag:s24] =	ssyncset.done $0x0  }
0xa5: {  	s25 =	simm.s32 $0x1B8E;
	[sflag:s24] =	ssyncadd.s32 $0xFFFFFFFF  }
0xa6: {  	s26 =	simm.s32 $execute0_lowered;
	[smem:$0x3FD2] =	sst s25  }
0xa7: {  	s5 =	sshll.u32 s26, $0x1;
	_ =	strace $0x80000046;
	[dreg:$0x1] =	wrdreg $0xFFFFFFFF  }
0xa8: {  	s28 =	simm.s32 $_size_execute0_lowered;
	s4 =	sadd.s32 s4, s5;
	[dreg:$0x0] =	wrdreg $0x0  }
0xa9: {  	s5 =	sshll.u32 s28, $0x1;
	[dreg:$0x2] =	wrdreg s4  }
0xaa: {  	[dreg:$0x3] =	wrdreg s5  }
0xab: {  	[dreg:$0x4] =	wrdreg $0xC0  }
0xac: {  	_ =	task [dreg:s8], $0x5FFFF  }
0xad: {  	[dreg:$0x1] =	wrdreg $0xFFFFFFFF  }
0xae: {  	[dreg:$0x0] =	wrdreg $0x60  }
0xaf: {  	[dreg:$0x2] =	wrdreg s2  }
0xb0: {  	[dreg:$0x3] =	wrdreg s19  }
0xb1: {  	[dreg:$0x4] =	wrdreg $0x9  }
0xb2: {  	_ =	task.clear_ibuf [dreg:s8], $0x5FFFF;
	_ =	strace $0x90000046  }
0xb3: {  	s29 =	simm.s32 $0x9;
	_ =	strace $0x80000048  }
0xb4: {  	_ =	swait.ge [sflag:s29], $0x1  }
0xb5: {  	[sflag:s29] =	ssyncadd.s32 $0xFFFFFFFF  }
0xb6: {  	_ =	strace $0x90000048  }
0xb7: {  	_ =	sfence  }
0xb8: {  	s30 =	sld [smem:$0x0];
	_ =	sdelay $0x2  }
0xb9: {  	s31 =	sshll.u32 s1, $0xD;
	s1 =	sshrl.u32 s1, $0x2  }
0xba: {  	s3 =	sand.u32 $0x4000, s31;
	s1 =	sadd.s32 s1, s30  }
0xbb: {  	s0 =	sor.u32 s3, s0;
	s1 =	sshll.u32 s1, $0x11  }
0xbc: {  	s0 =	sor.u32 s1, s0  }
0xbd: {  	s0 =	sadd.s32 $0x8F2B, s0  }
0xbe: {  	[sflag:s0] =	ssyncadd.remote.s32 $0x1  }
0xbf: {  	_ =	sfence.sel $0xFFFF  }
0xc0: {  	[dreg:$0x0] =	wrdreg $0xFFFFFFFF;
	(pc) =	sbr.abs _section_cstart, $3  }
0xc1: {  	[dreg:$0x1] =	wrdreg $0xFFFFFFFF  }
0xc2: {  	_ =	task.clear_ibuf [dreg:s8], $0x2FFFF;
	_ =	strace $0x9FFFFFFF  }
0xc3: {  	(tm) =	ssettm $0x7FFFFFFF  }
tec
execute0_lowered:
.L_overlay_start_1:
0x0: {  	(tag) =	ssettag $0x1  }
0x1: {  	vm15 =	vcmask $0x300;
	v0 =	vimm.s32 $0x1380;
	vm14 =	vcmask $0x704  }
0x2: {  	vm13 =	vcmask $0xB08;
	vm12 =	vcmask $0xF0C;
	vm11 =	vcmask $0x1310  }
0x3: {  	vm10 =	vcmask $0x1714;
	vm9 =	vcmask $0x1B18;
	vm8 =	vcmask $0x1F1C  }
0x4: {  	vm7 =	vcmask $0x2320;
	v1 =	vimm.s32 $0x2000;
	vm6 =	vcmask $0x2724  }
0x5: {  	vm5 =	vcmask $0x2B28;
	vm4 =	vcmask $0x2F2C;
	vm3 =	vcmask $0x3330  }
0x6: {  	vm2 =	vcmask $0x3734;
	vm1 =	vcmask $0x3B38;
	v62 =	vimm.s32 $0x6F4E2D0C  }
0x7: {  	vm0 =	vcmask $0x1F10;
	v6 =	vimm.s32 $0x6B4A2908;
	v3 =	vimm.s32 $0x63422100  }
0x8: {  	v7 =	vimm.s32 $0x67462504;
	v32 =	vimm.s32 $0x2080;
	v35 =	vimm.s32 $0x704F2E0D  }
0x9: {  	v36 =	vimm.s32 $0x6C4B2A09;
	v8 =	vimm.s32 $0x2100;
	v12 =	vimm.s32 $0x65442302  }
0xa: {  	v13 =	vimm.s32 $0x2180;
	v14 =	vimm.s32 $0x6E4D2C0B;
	v15 =	vimm.s32 $0x2200  }
0xb: {  	v16 =	vimm.s32 $0x66452403;
	v44 =	vimm.s32 $0x2300;
	v48 =	vimm.s32 $0x2380  }
0xc: {  	v49 =	vimm.s32 $0x75543312;
	v58 =	vimm.s32 $0x3000;
	v59 =	vimm.s32 $0x76553413  }
0xd: {  	v52 =	vimm.s32 $0x79583716;
	v21 =	vimm.s32 $0x1300;
	v23 =	vimm.s32 $0xF  }
0xe: {  	v24 =	vimm.s32 $0x8F;
	v25 =	vimm.s32 $0x10F;
	v27 =	vimm.s32 $0x18F  }
0xf: {  	v28 =	vimm.s32 $0x20F;
	v29 =	vimm.s32 $0x28F;
	v31 =	vimm.s32 $0x30F  }
0x10: {  	v0 =	vsel vm15, $0x0, v0;
	v1 =	vsel vm15, $0x80, v1;
	v2 =	vunpack.c.0.s8.s32 v62  }
0x11: {  	v4 =	vunpack.c.0.s8.s32 v6;
	v6 =	vunpack.c.0.s8.s32 v3;
	v5 =	vunpack.c.0.s8.s32 v7  }
0x12: {  	v3 =	vsel vm15, $0x100, v32;
	v7 =	vimm.s32 $0x64432201;
	v37 =	vsel vm15, $0x180, v8  }
0x13: {  	v8 =	vimm.s32 $0x68472605;
	v38 =	vunpack.c.0.s8.s32 v12;
	v12 =	vimm.s32 $0x69482706  }
0x14: {  	v13 =	vsel vm15, $0x200, v13;
	v14 =	vunpack.c.0.s8.s32 v14;
	v15 =	vsel vm15, $0x280, v15  }
0x15: {  	v18 =	vunpack.c.0.s8.s32 v16;
	v16 =	vimm.s32 $0x6A492807;
	v62 =	vimm.s32 $0x3080  }
0x16: {  	v21 =	vsel vm15, $0x3380, v21;
	v23 =	vsel vm15, $0x880, v23;
	v24 =	vsel vm15, $0x900, v24  }
0x17: {  	v25 =	vsel vm15, $0x980, v25;
	v27 =	vsel vm15, $0xA00, v27;
	v28 =	vsel vm15, $0xA80, v28  }
0x18: {  	v29 =	vsel vm15, $0xB00, v29;
	v31 =	vsel vm15, $0xB80, v31;
	v0 =	vsel vm14, $0x80, v0  }
0x19: {  	v1 =	vsel vm14, $0x100, v1;
	v3 =	vsel vm14, $0x180, v3;
	v10 =	vunpack.c.0.s8.s32 v7  }
0x1a: {  	v7 =	vsel vm14, $0x200, v37;
	v8 =	vunpack.c.0.s8.s32 v8;
	v12 =	vunpack.c.0.s8.s32 v12  }
0x1b: {  	v13 =	vsel vm14, $0x280, v13;
	v15 =	vsel vm14, $0x300, v15;
	v17 =	vunpack.c.0.s8.s32 v16  }
0x1c: {  	v16 =	vimm.s32 $0x2280;
	v0 =	vsel vm13, $0x100, v0;
	v1 =	vsel vm13, $0x180, v1  }
0x1d: {  	[tilespmem:$0x1FB70] =	vst v6;
	v6 =	vsel vm0, v5, v6;
	v3 =	vsel vm13, $0x200, v3;
	v7 =	vsel vm13, $0x280, v7  }
0x1e: {  	v13 =	vsel vm13, $0x300, v13;
	v15 =	vsel vm13, $0x380, v15;
	v16 =	vsel vm15, $0x300, v16  }
0x1f: {  	v0 =	vsel vm12, $0x180, v0;
	v1 =	vsel vm12, $0x200, v1;
	v34 =	vsel vm12, $0x280, v3  }
0x20: {  	v3 =	vunpack.c.0.s8.s32 v35;
	v7 =	vsel vm12, $0x300, v7;
	v11 =	vsel vm0, v8, v10  }
0x21: {  	v13 =	vsel vm12, $0x380, v13;
	v15 =	vsel vm12, $0x1000, v15;
	v32 =	vsel vm0, v17, v18  }
0x22: {  	[tilespmem:$0x1FBC0] =	vst v18;
	v18 =	vimm.s32 $0x73523110;
	v16 =	vsel vm14, $0x380, v16;
	v0 =	vsel vm11, $0x200, v0  }
0x23: {  	[tilespmem:$0x1FB90] =	vst v10;
	v1 =	vsel vm11, $0x280, v1;
	v10 =	vsel vm11, $0x380, v7;
	v13 =	vsel vm11, $0x1000, v13  }
0x24: {  	v15 =	vsel vm11, $0x1080, v15;
	v18 =	vunpack.c.0.s8.s32 v18;
	v19 =	vsel vm13, $0x1000, v16  }
0x25: {  	v0 =	vsel vm10, $0x280, v0;
	v1 =	vsel vm10, $0x300, v1;
	v10 =	vsel vm10, $0x1000, v10  }
0x26: {  	v13 =	vsel vm10, $0x1080, v13;
	v15 =	vsel vm10, $0x1100, v15;
	v0 =	vsel vm9, $0x300, v0  }
0x27: {  	v1 =	vsel vm9, $0x380, v1;
	v10 =	vsel vm9, $0x1080, v10;
	v13 =	vsel vm9, $0x1100, v13  }
0x28: {  	v15 =	vsel vm9, $0x1180, v15;
	v0 =	vsel vm8, $0x380, v0;
	v63 =	vsel vm8, $0x1000, v1  }
0x29: {  	v10 =	vsel vm8, $0x1100, v10;
	v13 =	vsel vm8, $0x1180, v13;
	v15 =	vsel vm8, $0x1200, v15  }
0x2a: {  	v0 =	vsel vm7, $0x1000, v0;
	v10 =	vsel vm7, $0x1180, v10;
	v13 =	vsel vm7, $0x1200, v13  }
0x2b: {  	v15 =	vsel vm7, $0x1280, v15;
	v0 =	vsel vm6, $0x1080, v0;
	v10 =	vsel vm6, $0x1200, v10  }
0x2c: {  	v13 =	vsel vm6, $0x1280, v13;
	v15 =	vsel vm6, $0x1300, v15;
	v0 =	vsel vm5, $0x1100, v0  }
0x2d: {  	v10 =	vsel vm5, $0x1280, v10;
	v13 =	vsel vm5, $0x1300, v13;
	v0 =	vsel vm4, $0x1180, v0  }
0x2e: {  	v10 =	vsel vm4, $0x1300, v10;
	v13 =	vsel vm4, $0x1380, v13;
	v0 =	vsel vm3, $0x1200, v0  }
0x2f: {  	v10 =	vsel vm3, $0x1380, v10;
	v13 =	vsel vm3, $0x2000, v13;
	v0 =	vsel vm2, $0x1280, v0  }
0x30: {  	v10 =	vsel vm2, $0x2000, v10;
	v13 =	vsel vm2, $0x2080, v13;
	v0 =	vsel vm1, $0x1300, v0  }
0x31: {  	v39 =	vsel vm1, $0x2080, v10;
	v10 =	vimm.s32 $0x7251300F;
	v41 =	vsel vm1, $0x2100, v13  }
0x32: {  	v13 =	vsel vm5, $0x1380, v15;
	v15 =	vsel vm12, $0x1080, v19;
	[tilespmem:$0x1FE00] =	vst v0;
	v0 =	vsel vm7, $0x1080, v63  }
0x33: {  	v10 =	vunpack.c.0.s8.s32 v10;
	v42 =	vsel vm4, $0x2000, v13;
	v13 =	vsel vm11, $0x1100, v15  }
0x34: {  	v63 =	vimm.s32 $0x77563514;
	v15 =	vimm.s32 $0x1100;
	v0 =	vsel vm6, $0x1100, v0  }
0x35: {  	v43 =	vsel vm10, $0x1180, v13;
	v13 =	vimm.s32 $0x74533211;
	v15 =	vsel vm15, $0x3180, v15  }
0x36: {  	v0 =	vsel vm5, $0x1180, v0;
	v40 =	vsel vm0, v10, v14;
	v13 =	vunpack.c.0.s8.s32 v13  }
0x37: {  	v33 =	vsel vm4, $0x1200, v0;
	v0 =	vsel vm0, v2, v4;
	v2 =	vsel vm0, v18, v2  }
0x38: {  	[tilespmem:$0x1FB80] =	vst v6;
	v1 =	vsel vm3, $0x1280, v33;
	v20 =	vcombine.low v6, v0;
	v6 =	vunpack.c.0.s8.s32 v36  }
0x39: {  	[tilespmem:$0x1FE70] =	vst v2;
	v2 =	vsel vm3, $0x2080, v42;
	v55 =	vsel vm0, v13, v3;
	v42 =	vsel vm0, v14, v17  }
0x3a: {  	v14 =	vimm.s32 $0x1080;
	v17 =	vimm.s32 $0x1180;
	v1 =	vsel vm2, $0x1300, v1  }
0x3b: {  	v2 =	vsel vm2, $0x2100, v2;
	v14 =	vsel vm15, $0x3100, v14;
	v17 =	vsel vm15, $0x3200, v17  }
0x3c: {  	v22 =	vsel vm1, $0x1380, v1;
	v1 =	vsel vm11, $0x300, v34;
	v34 =	vsel vm0, v12, v38  }
0x3d: {  	[tilespmem:$0x1FBB0] =	vst v38;
	v38 =	vsel vm0, v4, v5;
	v4 =	vsel vm9, $0x1200, v43;
	v5 =	vsel vm15, $0x380, v44  }
0x3e: {  	[tilespmem:$0x1FE40] =	vst v40;
	v2 =	vsel vm1, $0x2180, v2;
	v40 =	vsel vm0, v6, v8;
	v43 =	vimm.s32 $0x3100  }
0x3f: {  	v16 =	vmovc v20;
	v44 =	vimm.s32 $0x78573615;
	v8 =	vimm.s32 $0x180;
	v20 =	vimm.s32 $0x1280  }
0x40: {  	v1 =	vsel vm10, $0x380, v1;
	v4 =	vsel vm8, $0x1280, v4;
	v5 =	vsel vm14, $0x1000, v5  }
0x41: {  	v8 =	vsel vm15, $0x2200, v8;
	v20 =	vsel vm15, $0x3300, v20;
	v1 =	vsel vm9, $0x1000, v1  }
0x42: {  	v4 =	vsel vm7, $0x1300, v4;
	v46 =	vsel vm13, $0x1080, v5;
	v5 =	vunpack.c.0.s8.s32 v49  }
0x43: {  	v1 =	vsel vm8, $0x1080, v1;
	v45 =	vsel vm6, $0x1380, v4;
	v47 =	vsel vm12, $0x1100, v46  }
0x44: {  	[tilespmem:$0x1FE90] =	vst v2;
	v4 =	vsel vm15, $0x1000, v48;
	v1 =	vsel vm7, $0x1100, v1;
	v2 =	vsel vm5, $0x2000, v45  }
0x45: {  	v4 =	vsel vm14, $0x1080, v4;
	v9 =	vsel vm6, $0x1180, v1;
	v1 =	vsel vm0, v3, v6  }
0x46: {  	v2 =	vsel vm4, $0x2080, v2;
	v3 =	vsel vm11, $0x1180, v47;
	v4 =	vsel vm13, $0x1100, v4  }
0x47: {  	v6 =	vunpack.c.0.s8.s32 v59;
	v9 =	vsel vm5, $0x1200, v9;
	v26 =	vcombine.low v11, v1  }
0x48: {  	[tilespmem:$0x1FBA0] =	vst v11;
	v11 =	vimm.s32 $0x71502F0E;
	v2 =	vsel vm3, $0x2100, v2;
	v3 =	vsel vm10, $0x1200, v3  }
0x49: {  	v56 =	vsel vm12, $0x1180, v4;
	v4 =	vsel vm15, $0x1080, v58;
	v58 =	vimm.s32 $0x3200  }
0x4a: {  	v9 =	vsel vm4, $0x1280, v9;
	v2 =	vsel vm2, $0x2180, v2;
	v3 =	vsel vm9, $0x1280, v3  }
0x4b: {  	v4 =	vsel vm14, $0x1100, v4;
	[tilespmem:$0x1FBD0] =	vst v6;
	v19 =	vsel vm0, v6, v10;
	v6 =	vunpack.c.0.s8.s32 v63  }
0x4c: {  	v10 =	vimm.s32 $0x280;
	v9 =	vsel vm3, $0x1300, v9;
	v3 =	vsel vm8, $0x1300, v3  }
0x4d: {  	v2 =	vsel vm1, $0x2200, v2;
	v4 =	vsel vm13, $0x1180, v4;
	v10 =	vsel vm15, $0x2300, v10  }
0x4e: {  	v9 =	vsel vm2, $0x1380, v9;
	v3 =	vsel vm7, $0x1380, v3;
	v61 =	vsel vm12, $0x1200, v4  }
0x4f: {  	v4 =	vsel vm15, $0x1100, v62;
	v37 =	vsel vm0, v6, v18;
	v62 =	vimm.s32 $0x3280  }
0x50: {  	v18 =	vimm.s32 $0x1200;
	v30 =	vsel vm1, $0x2000, v9;
	v9 =	vunpack.c.0.s8.s32 v11  }
0x51: {  	v11 =	vimm.s32 $0x6D4C2B0A;
	v50 =	vsel vm6, $0x2000, v3;
	v3 =	vsel vm11, $0x1200, v56  }
0x52: {  	v4 =	vsel vm14, $0x1180, v4;
	v48 =	vcombine.low v0, v37;
	v56 =	vimm.s32 $0x3180  }
0x53: {  	[tilespmem:$0x1FBF0] =	vst v37;
	v18 =	vsel vm15, $0x3280, v18;
	v37 =	vimm.s32 $0x48F;
	v11 =	vunpack.c.0.s8.s32 v11  }
0x54: {  	[tilespmem:$0x1FED0] =	vst v2;
	v2 =	vsel vm5, $0x2080, v50;
	v3 =	vsel vm10, $0x1280, v3;
	v35 =	vsel vm13, $0x1200, v4  }
0x55: {  	v4 =	vunpack.c.0.s8.s32 v44;
	v44 =	vimm.s32 $0x3380;
	v37 =	vsel vm15, $0xD00, v37  }
0x56: {  	v53 =	vsel vm0, v5, v9;
	v2 =	vsel vm4, $0x2100, v2;
	v3 =	vsel vm9, $0x1300, v3  }
0x57: {  	v57 =	vsel vm0, v9, v11;
	v36 =	vsel vm0, v11, v12;
	v2 =	vsel vm3, $0x2180, v2  }
0x58: {  	v3 =	vsel vm8, $0x1380, v3;
	v50 =	vsel vm0, v4, v13;
	v9 =	vimm.s32 $0x200  }
0x59: {  	v11 =	vimm.s32 $0x300;
	v12 =	vimm.s32 $0x380;
	v3 =	vsel vm7, $0x2000, v3  }
0x5a: {  	v13 =	vimm.s32 $0x1000;
	v2 =	vsel vm2, $0x2200, v2;
	v3 =	vsel vm6, $0x2080, v3  }
0x5b: {  	[tilespmem:$0x1FC10] =	vst v50;
	v50 =	vcombine.low v1, v50;
	v60 =	vsel vm5, $0x2100, v3;
	v3 =	vsel vm11, $0x1280, v61  }
0x5c: {  	v9 =	vsel vm15, $0x2280, v9;
	v2 =	vsel vm1, $0x2280, v2;
	v3 =	vsel vm10, $0x1300, v3  }
0x5d: {  	v11 =	vsel vm15, $0x2380, v11;
	[tilespmem:$0x1FF10] =	vst v2;
	v2 =	vsel vm4, $0x2180, v60;
	v3 =	vsel vm9, $0x1380, v3  }
0x5e: {  	v12 =	vsel vm15, $0x3000, v12;
	v2 =	vsel vm3, $0x2200, v2;
	v3 =	vsel vm8, $0x2000, v3  }
0x5f: {  	v13 =	vsel vm15, $0x3080, v13;
	v2 =	vsel vm2, $0x2280, v2;
	v3 =	vsel vm7, $0x2080, v3  }
0x60: {  	v61 =	vimm.s32 $0x7A593817;
	v47 =	vsel vm1, $0x2300, v2;
	v33 =	vsel vm6, $0x2100, v3  }
0x61: {  	v3 =	vsel vm12, $0x1280, v35;
	v35 =	vimm.s32 $0x40F;
	v2 =	vsel vm5, $0x2180, v33  }
0x62: {  	[tilespmem:$0x1FE60] =	vst v41;
	v41 =	vsel vm11, $0x1300, v3;
	v3 =	vsel vm15, $0x1180, v43;
	v43 =	vimm.s32 $0x3300  }
0x63: {  	[tilespmem:$0x1FE30] =	vst v39;
	v33 =	vimm.s32 $0x38F;
	v35 =	vsel vm15, $0xC80, v35;
	v39 =	vsel vm4, $0x2200, v2  }
0x64: {  	v2 =	vsel vm10, $0x1380, v41;
	v3 =	vsel vm14, $0x1200, v3;
	v33 =	vsel vm15, $0xC00, v33  }
0x65: {  	v0 =	vsel vm3, $0x2280, v39;
	v2 =	vsel vm9, $0x2000, v2;
	v3 =	vsel vm13, $0x1280, v3  }
0x66: {  	v39 =	vimm.s32 $0x50F;
	v0 =	vsel vm2, $0x2300, v0;
	v2 =	vsel vm8, $0x2080, v2  }
0x67: {  	v46 =	vsel vm12, $0x1300, v3;
	v3 =	vsel vm15, $0x2000, v44;
	v39 =	vsel vm15, $0xD80, v39  }
0x68: {  	v44 =	vimm.s32 $0x68F;
	v2 =	vsel vm7, $0x2100, v2;
	v49 =	vsel vm1, $0x2380, v0  }
0x69: {  	v45 =	vsel vm6, $0x2180, v2;
	v2 =	vsel vm11, $0x1380, v46;
	v46 =	vimm.s32 $0x80  }
0x6a: {  	v0 =	vsel vm5, $0x2200, v45;
	v51 =	vsel vm10, $0x2000, v2;
	v2 =	vunpack.c.0.s8.s32 v52  }
0x6b: {  	v45 =	vimm.s32 $0x0;
	v0 =	vsel vm4, $0x2280, v0;
	v1 =	vsel vm9, $0x2080, v51  }
0x6c: {  	[tilespmem:$0x1FC00] =	vst v4;
	v4 =	vsel vm15, $0x2080, v45;
	v51 =	vimm.s32 $0x100;
	v45 =	vimm.s32 $0x70F  }
0x6d: {  	v0 =	vsel vm3, $0x2300, v0;
	v1 =	vsel vm8, $0x2100, v1;
	[tilespmem:$0x1FC20] =	vst v2;
	v2 =	vsel vm0, v2, v5  }
0x6e: {  	[tilespmem:$0x1FBE0] =	vst v6;
	v5 =	vsel vm15, $0x2100, v46;
	v6 =	vsel vm15, $0x2180, v51;
	v46 =	vsel vm15, $0xF00, v44  }
0x6f: {  	v45 =	vsel vm15, $0xF80, v45;
	v0 =	vsel vm2, $0x2380, v0;
	v54 =	vsel vm7, $0x2180, v1  }
0x70: {  	[tilespmem:$0x1FC30] =	vst v2;
	v1 =	vsel vm15, $0x1200, v56;
	v2 =	vsel vm15, $0x1280, v58;
	v58 =	vimm.s32 $0x7B5A3918  }
0x71: {  	v45 =	vsel vm14, $0x1, v45;
	v52 =	vsel vm1, $0x3000, v0;
	v0 =	vsel vm6, $0x2200, v54  }
0x72: {  	v1 =	vsel vm14, $0x1280, v1;
	v2 =	vsel vm14, $0x1300, v2;
	v44 =	vunpack.c.0.s8.s32 v58  }
0x73: {  	v0 =	vsel vm5, $0x2280, v0;
	v1 =	vsel vm13, $0x1300, v1;
	v2 =	vsel vm13, $0x1380, v2  }
0x74: {  	v0 =	vsel vm4, $0x2300, v0;
	v1 =	vsel vm12, $0x1380, v1;
	v60 =	vsel vm12, $0x2000, v2  }
0x75: {  	v2 =	vunpack.c.0.s8.s32 v61;
	v0 =	vsel vm3, $0x2380, v0;
	v1 =	vsel vm11, $0x2000, v1  }
0x76: {  	v0 =	vsel vm2, $0x3000, v0;
	v59 =	vsel vm10, $0x2080, v1;
	v1 =	vsel vm11, $0x2080, v60  }
0x77: {  	[tilespmem:$0x1FC40] =	vst v2;
	v2 =	vsel vm15, $0x1300, v62;
	v62 =	vsel vm14, $0x2080, v3;
	v60 =	vimm.s32 $0x7C5B3A19  }
0x78: {  	v54 =	vsel vm1, $0x3080, v0;
	v0 =	vsel vm9, $0x2100, v59;
	v1 =	vsel vm10, $0x2100, v1  }
0x79: {  	v2 =	vsel vm14, $0x1380, v2;
	v0 =	vsel vm8, $0x2180, v0;
	v1 =	vsel vm9, $0x2180, v1  }
0x7a: {  	v2 =	vsel vm13, $0x2000, v2;
	v0 =	vsel vm7, $0x2200, v0;
	v1 =	vsel vm8, $0x2200, v1  }
0x7b: {  	v2 =	vsel vm12, $0x2080, v2;
	v0 =	vsel vm6, $0x2280, v0;
	v1 =	vsel vm7, $0x2280, v1  }
0x7c: {  	v2 =	vsel vm11, $0x2100, v2;
	v0 =	vsel vm5, $0x2300, v0;
	v1 =	vsel vm6, $0x2300, v1  }
0x7d: {  	v41 =	vsel vm10, $0x2180, v2;
	v2 =	vsel vm15, $0x1380, v43;
	v43 =	vimm.s32 $0x60F  }
0x7e: {  	v0 =	vsel vm4, $0x2380, v0;
	v1 =	vsel vm5, $0x2380, v1;
	v43 =	vsel vm15, $0xE80, v43  }
0x7f: {  	v61 =	vsel vm14, $0x2000, v2;
	v2 =	vsel vm13, $0x2100, v62;
	v0 =	vsel vm3, $0x3000, v0  }
0x80: {  	v1 =	vsel vm4, $0x3000, v1;
	v2 =	vsel vm12, $0x2180, v2;
	v0 =	vsel vm2, $0x3080, v0  }
0x81: {  	v63 =	vsel vm3, $0x3080, v1;
	v1 =	vsel vm9, $0x2200, v41;
	v41 =	vimm.s32 $0x58F  }
0x82: {  	v2 =	vsel vm11, $0x2200, v2;
	v56 =	vsel vm1, $0x3100, v0;
	v41 =	vsel vm15, $0xE00, v41  }
0x83: {  	v0 =	vsel vm2, $0x3100, v63;
	v1 =	vsel vm8, $0x2280, v1;
	v63 =	vsel vm14, $0x2100, v4  }
0x84: {  	v4 =	vsel vm14, $0x2180, v5;
	v5 =	vsel vm14, $0x2200, v6;
	v6 =	vsel vm14, $0x2280, v8  }
0x85: {  	v8 =	vsel vm14, $0x2300, v9;
	v9 =	vsel vm14, $0x2380, v10;
	v10 =	vsel vm14, $0x3000, v11  }
0x86: {  	v11 =	vsel vm14, $0x3080, v12;
	v12 =	vsel vm14, $0x3100, v13;
	v13 =	vsel vm14, $0x3180, v14  }
0x87: {  	v14 =	vsel vm14, $0x3200, v15;
	v15 =	vsel vm14, $0x3280, v17;
	v17 =	vsel vm14, $0x3300, v18  }
0x88: {  	v18 =	vsel vm14, $0x3380, v20;
	v20 =	vsel vm14, $0x0, v21;
	v21 =	vsel vm14, $0x901, v23  }
0x89: {  	v23 =	vsel vm14, $0x981, v24;
	v24 =	vsel vm14, $0xA01, v25;
	v25 =	vsel vm14, $0xA81, v27  }
0x8a: {  	v27 =	vsel vm14, $0xB01, v28;
	v28 =	vsel vm14, $0xB81, v29;
	v29 =	vsel vm14, $0xC01, v31  }
0x8b: {  	v31 =	vsel vm14, $0xC81, v33;
	v33 =	vsel vm14, $0xD01, v35;
	v35 =	vsel vm14, $0xD81, v37  }
0x8c: {  	v37 =	vsel vm14, $0xE01, v39;
	v2 =	vsel vm10, $0x2280, v2;
	v58 =	vsel vm1, $0x3180, v0  }
0x8d: {  	v59 =	vsel vm7, $0x2300, v1;
	v1 =	vsel vm13, $0x2080, v61;
	v39 =	vsel vm14, $0xE81, v41  }
0x8e: {  	v41 =	vsel vm14, $0xF01, v43;
	v43 =	vsel vm14, $0xF81, v46;
	v46 =	vunpack.c.0.s8.s32 v60  }
0x8f: {  	v62 =	vsel vm9, $0x2300, v2;
	v63 =	vsel vm13, $0x2180, v63;
	v51 =	vsel vm13, $0x2200, v4  }
0x90: {  	v4 =	vsel vm13, $0x2280, v5;
	v5 =	vsel vm13, $0x2300, v6;
	v6 =	vsel vm13, $0x2380, v8  }
0x91: {  	v8 =	vsel vm13, $0x3000, v9;
	v9 =	vsel vm13, $0x3080, v10;
	v10 =	vsel vm13, $0x3100, v11  }
0x92: {  	v11 =	vsel vm13, $0x3180, v12;
	v12 =	vsel vm13, $0x3200, v13;
	v13 =	vsel vm13, $0x3280, v14  }
0x93: {  	v14 =	vsel vm13, $0x3300, v15;
	v15 =	vsel vm13, $0x3380, v17;
	v17 =	vsel vm13, $0x0, v18  }
0x94: {  	v18 =	vsel vm13, $0x80, v20;
	v20 =	vsel vm13, $0x982, v21;
	v21 =	vsel vm13, $0xA02, v23  }
0x95: {  	v23 =	vsel vm13, $0xA82, v24;
	v24 =	vsel vm13, $0xB02, v25;
	v25 =	vsel vm13, $0xB82, v27  }
0x96: {  	v27 =	vsel vm13, $0xC02, v28;
	v28 =	vsel vm13, $0xC82, v29;
	v29 =	vsel vm13, $0xD02, v31  }
0x97: {  	v31 =	vsel vm13, $0xD82, v33;
	v33 =	vsel vm13, $0xE02, v35;
	v35 =	vsel vm13, $0xE82, v37  }
0x98: {  	v0 =	vsel vm6, $0x2380, v59;
	v1 =	vsel vm12, $0x2100, v1;
	v37 =	vsel vm13, $0xF02, v39  }
0x99: {  	v39 =	vsel vm13, $0xF82, v41;
	v41 =	vsel vm13, $0x2, v43;
	v2 =	vsel vm12, $0x2200, v63  }
0x9a: {  	v51 =	vsel vm12, $0x2280, v51;
	v3 =	vsel vm12, $0x2300, v4;
	v4 =	vsel vm12, $0x2380, v5  }
0x9b: {  	[tilespmem:$0x1FC50] =	vst v44;
	v44 =	vmovc v47;
	v47 =	vsel vm12, $0x3080, v8;
	v8 =	vsel vm12, $0x3100, v9;
	v9 =	vsel vm12, $0x3180, v10  }
0x9c: {  	v10 =	vsel vm12, $0x3200, v11;
	v11 =	vsel vm12, $0x3280, v12;
	v12 =	vsel vm12, $0x3300, v13  }
0x9d: {  	v13 =	vsel vm12, $0x3380, v14;
	v14 =	vsel vm12, $0x0, v15;
	v15 =	vsel vm12, $0x80, v17  }
0x9e: {  	v17 =	vsel vm12, $0x100, v18;
	v18 =	vsel vm12, $0xA03, v20;
	v20 =	vsel vm12, $0xA83, v21  }
0x9f: {  	v21 =	vsel vm12, $0xB03, v23;
	v23 =	vsel vm12, $0xB83, v24;
	v24 =	vsel vm12, $0xC03, v25  }
0xa0: {  	v25 =	vsel vm12, $0xC83, v27;
	v27 =	vsel vm12, $0xD03, v28;
	v28 =	vsel vm12, $0xD83, v29  }
0xa1: {  	v29 =	vsel vm12, $0xE03, v31;
	v31 =	vsel vm12, $0xE83, v33;
	v33 =	vsel vm12, $0xF03, v35  }
0xa2: {  	v0 =	vsel vm5, $0x3000, v0;
	v1 =	vsel vm11, $0x2180, v1;
	v2 =	vsel vm11, $0x2280, v2  }
0xa3: {  	v35 =	vsel vm12, $0xF83, v37;
	v37 =	vsel vm12, $0x3, v39;
	v39 =	vsel vm12, $0x83, v41  }
0xa4: {  	v51 =	vsel vm11, $0x2300, v51;
	v47 =	vsel vm11, $0x3100, v47;
	v0 =	vsel vm4, $0x3080, v0  }
0xa5: {  	v1 =	vsel vm10, $0x2200, v1;
	v2 =	vsel vm10, $0x2300, v2;
	v0 =	vsel vm3, $0x3100, v0  }
0xa6: {  	[tilespmem:$0x1FC60] =	vst v46;
	v46 =	vmovc v48;
	v48 =	vmovc v49;
	v1 =	vsel vm9, $0x2280, v1;
	v49 =	vsel vm13, $0x82, v45;
	v63 =	vsel vm9, $0x2380, v2  }
0xa7: {  	v0 =	vsel vm2, $0x3180, v0;
	v1 =	vsel vm8, $0x2300, v1;
	v41 =	vsel vm12, $0x103, v49  }
0xa8: {  	v49 =	vimm.s32 $0x7E5D3C1B;
	v59 =	vsel vm1, $0x3200, v0;
	v61 =	vsel vm7, $0x2380, v1  }
0xa9: {  	v1 =	vsel vm8, $0x2380, v62;
	v43 =	vunpack.c.0.s8.s32 v49;
	v49 =	vsel vm11, $0x3180, v8  }
0xaa: {  	v8 =	vsel vm11, $0x3200, v9;
	v9 =	vsel vm11, $0x3280, v10;
	v10 =	vsel vm11, $0x3300, v11  }
0xab: {  	v11 =	vsel vm11, $0x3380, v12;
	v12 =	vsel vm11, $0x0, v13;
	v13 =	vsel vm11, $0x80, v14  }
0xac: {  	v14 =	vsel vm11, $0x100, v15;
	v15 =	vsel vm11, $0x180, v17;
	v17 =	vsel vm11, $0xA84, v18  }
0xad: {  	v18 =	vsel vm11, $0xB04, v20;
	v20 =	vsel vm11, $0xB84, v21;
	v21 =	vsel vm11, $0xC04, v23  }
0xae: {  	v23 =	vsel vm11, $0xC84, v24;
	v24 =	vsel vm11, $0xD04, v25;
	v25 =	vsel vm11, $0xD84, v27  }
0xaf: {  	v27 =	vsel vm11, $0xE04, v28;
	v28 =	vsel vm11, $0xE84, v29;
	v29 =	vsel vm11, $0xF04, v31  }
0xb0: {  	v31 =	vsel vm11, $0xF84, v33;
	v33 =	vsel vm11, $0x4, v35;
	v35 =	vsel vm11, $0x84, v37  }
0xb1: {  	v0 =	vsel vm6, $0x3000, v61;
	v61 =	vimm.s32 $0x7D5C3B1A;
	v1 =	vsel vm7, $0x3000, v1  }
0xb2: {  	v45 =	vunpack.c.0.s8.s32 v61;
	v0 =	vsel vm5, $0x3080, v0;
	v1 =	vsel vm6, $0x3080, v1  }
0xb3: {  	v37 =	vsel vm11, $0x104, v39;
	v0 =	vsel vm4, $0x3100, v0;
	v1 =	vsel vm5, $0x3100, v1  }
0xb4: {  	[tilespmem:$0x1FC70] =	vst v45;
	v0 =	vsel vm3, $0x3180, v0;
	v1 =	vsel vm4, $0x3180, v1;
	v45 =	vsel vm12, $0x3000, v6  }
0xb5: {  	v0 =	vsel vm2, $0x3200, v0;
	v62 =	vsel vm3, $0x3200, v1;
	v1 =	vsel vm8, $0x3000, v63  }
0xb6: {  	v45 =	vsel vm11, $0x3080, v45;
	v63 =	vimm.s32 $0x7F5E3D1C;
	v60 =	vsel vm1, $0x3280, v0  }
0xb7: {  	v0 =	vsel vm2, $0x3280, v62;
	v62 =	vsel vm11, $0x2380, v3;
	v3 =	vsel vm11, $0x3000, v4  }
0xb8: {  	[tilespmem:$0x1FC80] =	vst v43;
	v43 =	vsel vm10, $0x3100, v45;
	v45 =	vsel vm10, $0x3180, v47;
	v47 =	vsel vm10, $0x3200, v49  }
0xb9: {  	v49 =	vsel vm10, $0x3280, v8;
	v8 =	vsel vm10, $0x3300, v9;
	v9 =	vsel vm10, $0x3380, v10  }
0xba: {  	v10 =	vsel vm10, $0x0, v11;
	v11 =	vsel vm10, $0x80, v12;
	v12 =	vsel vm10, $0x100, v13  }
0xbb: {  	v13 =	vsel vm10, $0x180, v14;
	v14 =	vsel vm10, $0x200, v15;
	v15 =	vsel vm10, $0xB05, v17  }
0xbc: {  	v17 =	vsel vm10, $0xB85, v18;
	v18 =	vsel vm10, $0xC05, v20;
	v20 =	vsel vm10, $0xC85, v21  }
0xbd: {  	v21 =	vsel vm10, $0xD05, v23;
	v23 =	vsel vm10, $0xD85, v24;
	v24 =	vsel vm10, $0xE05, v25  }
0xbe: {  	v25 =	vsel vm10, $0xE85, v27;
	v27 =	vsel vm10, $0xF05, v28;
	v28 =	vsel vm10, $0xF85, v29  }
0xbf: {  	v29 =	vsel vm10, $0x5, v31;
	v31 =	vsel vm10, $0x85, v33;
	v33 =	vsel vm10, $0x105, v35  }
0xc0: {  	v35 =	vsel vm10, $0x185, v37;
	v61 =	vsel vm1, $0x3300, v0;
	v0 =	vsel vm7, $0x3080, v1  }
0xc1: {  	v1 =	vsel vm10, $0x2380, v51;
	v51 =	vsel vm11, $0x184, v41;
	v41 =	vunpack.c.0.s8.s32 v63  }
0xc2: {  	v2 =	vsel vm10, $0x3000, v62;
	v0 =	vsel vm6, $0x3100, v0;
	v1 =	vsel vm9, $0x3000, v1  }
0xc3: {  	v2 =	vsel vm9, $0x3080, v2;
	v51 =	vsel vm10, $0x205, v51;
	v0 =	vsel vm5, $0x3180, v0  }
0xc4: {  	v1 =	vsel vm8, $0x3080, v1;
	v2 =	vsel vm8, $0x3100, v2;
	v0 =	vsel vm4, $0x3200, v0  }
0xc5: {  	v1 =	vsel vm7, $0x3100, v1;
	v2 =	vsel vm7, $0x3180, v2;
	v0 =	vsel vm3, $0x3280, v0  }
0xc6: {  	[tilespmem:$0x1FC90] =	vst v41;
	v1 =	vsel vm6, $0x3180, v1;
	v41 =	vsel vm6, $0x3200, v2;
	v0 =	vsel vm2, $0x3300, v0  }
0xc7: {  	v2 =	vsel vm10, $0x3080, v3;
	v1 =	vsel vm5, $0x3200, v1;
	v62 =	vsel vm1, $0x3380, v0  }
0xc8: {  	v7 =	vsel vm4, $0x3280, v1;
	v1 =	vsel vm5, $0x3280, v41;
	v41 =	vsel vm9, $0x3180, v43  }
0xc9: {  	v43 =	vsel vm9, $0x3200, v45;
	v45 =	vsel vm9, $0x3280, v47;
	v47 =	vsel vm9, $0x3300, v49  }
0xca: {  	v49 =	vsel vm9, $0x3380, v8;
	v8 =	vsel vm9, $0x0, v9;
	v9 =	vsel vm9, $0x80, v10  }
0xcb: {  	v10 =	vsel vm9, $0x100, v11;
	v11 =	vsel vm9, $0x180, v12;
	v12 =	vsel vm9, $0x200, v13  }
0xcc: {  	v13 =	vsel vm9, $0x280, v14;
	v14 =	vsel vm9, $0xB86, v15;
	v15 =	vsel vm9, $0xC06, v17  }
0xcd: {  	v17 =	vsel vm9, $0xC86, v18;
	v18 =	vsel vm9, $0xD06, v20;
	v20 =	vsel vm9, $0xD86, v21  }
0xce: {  	v21 =	vsel vm9, $0xE06, v23;
	v23 =	vsel vm9, $0xE86, v24;
	v24 =	vsel vm9, $0xF06, v25  }
0xcf: {  	v25 =	vsel vm9, $0xF86, v27;
	v27 =	vsel vm9, $0x6, v28;
	v28 =	vsel vm9, $0x86, v29  }
0xd0: {  	v29 =	vsel vm9, $0x106, v31;
	v31 =	vsel vm9, $0x186, v33;
	v33 =	vsel vm9, $0x206, v35  }
0xd1: {  	v35 =	vsel vm9, $0x286, v51;
	v51 =	vimm.s32 $0x61403F1E;
	v0 =	vsel vm3, $0x3300, v7  }
0xd2: {  	v7 =	vimm.s32 $0x605F3E1D;
	v1 =	vsel vm4, $0x3300, v1;
	v37 =	vunpack.c.0.s8.s32 v51  }
0xd3: {  	v3 =	vsel vm8, $0x3280, v43;
	v5 =	vsel vm8, $0x3380, v47;
	v6 =	vsel vm8, $0x0, v49  }
0xd4: {  	v8 =	vsel vm8, $0x80, v8;
	v9 =	vsel vm8, $0x100, v9;
	v10 =	vsel vm8, $0x180, v10  }
0xd5: {  	v12 =	vsel vm8, $0x280, v12;
	v43 =	vsel vm8, $0xC07, v14;
	v47 =	vsel vm8, $0xD07, v17  }
0xd6: {  	v49 =	vsel vm8, $0xD87, v18;
	v51 =	vsel vm8, $0xE07, v20;
	v21 =	vsel vm8, $0xE87, v21  }
0xd7: {  	v18 =	vsel vm8, $0xF07, v23;
	v20 =	vsel vm8, $0xF87, v24;
	v4 =	vsel vm8, $0x207, v31  }
0xd8: {  	v23 =	vimm.s32 $0x6241201F;
	v39 =	vunpack.c.0.s8.s32 v7;
	v0 =	vsel vm2, $0x3380, v0  }
0xd9: {  	v7 =	vsel vm8, $0x3200, v41;
	v41 =	vsel vm8, $0x300, v13;
	v23 =	vunpack.c.0.s8.s32 v23  }
0xda: {  	v3 =	vsel vm7, $0x3300, v3;
	v63 =	vsel vm1, $0x0, v0;
	v0 =	vsel vm3, $0x3380, v1  }
0xdb: {  	v1 =	vsel vm9, $0x3100, v2;
	[tilespmem:$0x1FCB0] =	vst v37;
	v2 =	vsel vm7, $0x3280, v7;
	v37 =	vsel vm8, $0x3300, v45  }
0xdc: {  	v45 =	vsel vm8, $0xC87, v15;
	v3 =	vsel vm6, $0x3380, v3;
	v0 =	vsel vm2, $0x0, v0  }
0xdd: {  	[tilespmem:$0x1FCA0] =	vst v39;
	v1 =	vsel vm8, $0x3180, v1;
	v39 =	vsel vm8, $0x200, v11;
	v11 =	vsel vm8, $0x287, v33  }
0xde: {  	v2 =	vsel vm6, $0x3300, v2;
	v3 =	vsel vm5, $0x0, v3;
	v1 =	vsel vm7, $0x3200, v1  }
0xdf: {  	v33 =	vsel vm7, $0x3380, v37;
	v2 =	vsel vm5, $0x3380, v2;
	v1 =	vsel vm6, $0x3280, v1  }
0xe0: {  	v0 =	vsel vm1, $0x80, v0;
	v2 =	vsel vm4, $0x0, v2;
	v1 =	vsel vm5, $0x3300, v1  }
0xe1: {  	v3 =	vsel vm4, $0x80, v3;
	v2 =	vsel vm3, $0x80, v2;
	v1 =	vsel vm4, $0x3380, v1  }
0xe2: {  	v37 =	vsel vm6, $0x0, v33;
	v2 =	vsel vm2, $0x100, v2;
	v1 =	vsel vm3, $0x0, v1  }
0xe3: {  	[tilespmem:$0x1FCC0] =	vst v0;
	v0 =	vsel vm8, $0x307, v35;
	v35 =	vsel vm1, $0x180, v2;
	v1 =	vsel vm2, $0x80, v1  }
0xe4: {  	v7 =	vsel vm3, $0x100, v3;
	[tilespmem:$0x1FCF0] =	vst v35;
	v35 =	vsel vm7, $0x0, v5;
	v1 =	vsel vm1, $0x100, v1  }
0xe5: {  	v39 =	vsel vm7, $0x280, v39;
	v5 =	vsel vm6, $0x80, v35;
	[tilespmem:$0x1FCE0] =	vst v1;
	v1 =	vsel vm2, $0x180, v7  }
0xe6: {  	v2 =	vsel vm5, $0x100, v5;
	v7 =	vsel vm7, $0x80, v6;
	v6 =	vsel vm7, $0x180, v9  }
0xe7: {  	v1 =	vsel vm1, $0x200, v1;
	v2 =	vsel vm4, $0x180, v2;
	v3 =	vsel vm6, $0x100, v7  }
0xe8: {  	[tilespmem:$0x1FD00] =	vst v1;
	v1 =	vsel vm5, $0x80, v37;
	v2 =	vsel vm3, $0x200, v2;
	v3 =	vsel vm5, $0x180, v3  }
0xe9: {  	v37 =	vsel vm7, $0x100, v8;
	v8 =	vsel vm7, $0x300, v12;
	v12 =	vsel vm7, $0xD08, v45  }
0xea: {  	v1 =	vsel vm4, $0x100, v1;
	v2 =	vsel vm2, $0x280, v2;
	v3 =	vsel vm4, $0x200, v3  }
0xeb: {  	v7 =	vsel vm6, $0x180, v37;
	v1 =	vsel vm3, $0x180, v1;
	v33 =	vsel vm1, $0x300, v2  }
0xec: {  	v35 =	vsel vm3, $0x280, v3;
	v1 =	vsel vm2, $0x200, v1;
	[tilespmem:$0x1FD20] =	vst v33;
	v33 =	vsel vm6, $0x200, v6  }
0xed: {  	v1 =	vsel vm1, $0x280, v1;
	v2 =	vsel vm5, $0x280, v33;
	v33 =	vsel vm6, $0x300, v39  }
0xee: {  	[tilespmem:$0x1FD10] =	vst v1;
	v1 =	vsel vm2, $0x300, v35;
	v35 =	vsel vm7, $0x200, v10;
	v2 =	vsel vm4, $0x300, v2  }
0xef: {  	v31 =	vsel vm1, $0x380, v1;
	v1 =	vsel vm5, $0x200, v7;
	v3 =	vsel vm6, $0x280, v35  }
0xf0: {  	v2 =	vsel vm3, $0x380, v2;
	v35 =	vsel vm6, $0x380, v8;
	v8 =	vsel vm7, $0x380, v41  }
0xf1: {  	v1 =	vsel vm4, $0x280, v1;
	v3 =	vsel vm5, $0x300, v3;
	v2 =	vsel vm2, $0x1000, v2  }
0xf2: {  	v6 =	vsel vm5, $0x1000, v35;
	v8 =	vsel vm6, $0x1000, v8;
	v1 =	vsel vm3, $0x300, v1  }
0xf3: {  	v3 =	vsel vm4, $0x380, v3;
	v37 =	vsel vm1, $0x1080, v2;
	v6 =	vsel vm4, $0x1080, v6  }
0xf4: {  	v8 =	vsel vm5, $0x1080, v8;
	v1 =	vsel vm2, $0x380, v1;
	v3 =	vsel vm3, $0x1000, v3  }
0xf5: {  	v6 =	vsel vm3, $0x1100, v6;
	v8 =	vsel vm4, $0x1100, v8;
	v1 =	vsel vm1, $0x1000, v1  }
0xf6: {  	v3 =	vsel vm2, $0x1080, v3;
	v9 =	vsel vm2, $0x1180, v6;
	v41 =	vsel vm3, $0x1180, v8  }
0xf7: {  	v8 =	vsel vm7, $0xC88, v43;
	v2 =	vsel vm1, $0x1100, v3;
	v3 =	vsel vm5, $0x380, v33  }
0xf8: {  	v39 =	vsel vm1, $0x1200, v9;
	v45 =	vsel vm6, $0xD09, v8;
	v8 =	vsel vm6, $0xD89, v12  }
0xf9: {  	v12 =	vsel vm7, $0xD88, v47;
	v3 =	vsel vm4, $0x1000, v3;
	v8 =	vsel vm5, $0xE0A, v8  }
0xfa: {  	v12 =	vsel vm6, $0xE09, v12;
	v3 =	vsel vm3, $0x1080, v3;
	v8 =	vsel vm4, $0xE8B, v8  }
0xfb: {  	v12 =	vsel vm5, $0xE8A, v12;
	v3 =	vsel vm2, $0x1100, v3;
	v8 =	vsel vm3, $0xF0C, v8  }
0xfc: {  	[tilespmem:$0x1FD40] =	vst v37;
	v12 =	vsel vm4, $0xF0B, v12;
	v37 =	vsel vm1, $0x1180, v3;
	v3 =	vsel vm2, $0x1200, v41  }
0xfd: {  	v8 =	vsel vm2, $0xF8D, v8;
	v43 =	vsel vm1, $0x1280, v3;
	v3 =	vsel vm5, $0xD8A, v45  }
0xfe: {  	[tilespmem:$0x1FD50] =	vst v37;
	v35 =	vsel vm1, $0xE, v8;
	v37 =	vsel vm3, $0xF8C, v12;
	v8 =	vsel vm7, $0xE08, v49  }
0xff: {  	v12 =	vsel vm7, $0xE88, v51;
	v3 =	vsel vm4, $0xE0B, v3;
	v41 =	vsel vm6, $0xE89, v8  }
0x100: {  	v8 =	vsel vm6, $0xF09, v12;
	v12 =	vsel vm7, $0xF08, v21;
	v3 =	vsel vm3, $0xE8C, v3  }
0x101: {  	v8 =	vsel vm5, $0xF8A, v8;
	v12 =	vsel vm6, $0xF89, v12;
	v3 =	vsel vm2, $0xF0D, v3  }
0x102: {  	v8 =	vsel vm4, $0xB, v8;
	v12 =	vsel vm5, $0xA, v12;
	v33 =	vsel vm1, $0xF8E, v3  }
0x103: {  	[tilespmem:$0x1FCD0] =	vst v23;
	v3 =	vsel vm2, $0xD, v37;
	v8 =	vsel vm3, $0x8C, v8;
	v12 =	vsel vm4, $0x8B, v12  }
0x104: {  	[tilespmem:$0x1FD60] =	vst v39;
	v39 =	vsel vm1, $0x8E, v3;
	v3 =	vsel vm5, $0xF0A, v41;
	v8 =	vsel vm2, $0x10D, v8  }
0x105: {  	[tilespmem:$0x1FD30] =	vst v1;
	v47 =	vsel vm3, $0x10C, v12;
	v12 =	vsel vm7, $0x8, v20;
	v3 =	vsel vm4, $0xF8B, v3  }
0x106: {  	[tilespmem:$0x1FD70] =	vst v43;
	v45 =	vsel vm1, $0x18E, v8;
	v8 =	vsel vm7, $0xF88, v18;
	v3 =	vsel vm3, $0xC, v3  }
0x107: {  	[tilespmem:$0x1FD90] =	vst v35;
	v51 =	vsel vm6, $0x9, v8;
	v8 =	vsel vm6, $0x89, v12;
	v3 =	vsel vm2, $0x8D, v3  }
0x108: {  	[tilespmem:$0x1FD80] =	vst v33;
	v8 =	vsel vm5, $0x10A, v8;
	v43 =	vsel vm1, $0x10E, v3;
	v3 =	vsel vm2, $0x18D, v47  }
0x109: {  	[tilespmem:$0x1FDA0] =	vst v39;
	v8 =	vsel vm4, $0x18B, v8;
	v49 =	vsel vm1, $0x20E, v3;
	v3 =	vsel vm5, $0x8A, v51  }
0x10a: {  	[tilespmem:$0x1FDC0] =	vst v45;
	v8 =	vsel vm3, $0x20C, v8;
	v3 =	vsel vm4, $0x10B, v3  }
0x10b: {  	[tilespmem:$0x1FDB0] =	vst v43;
	v8 =	vsel vm2, $0x28D, v8;
	v3 =	vsel vm3, $0x18C, v3  }
0x10c: {  	[tilespmem:$0x1FDD0] =	vst v49;
	v33 =	vsel vm1, $0x30E, v8;
	v3 =	vsel vm2, $0x20D, v3  }
0x10d: {  	s0 =	rddreg [dreg:$0x0];
	s5 =	simm.s32 $0x0;
	[tilespmem:$0x1FDF0] =	vst v33;
	v7 =	vsel vm1, $0x28E, v3  }
0x10e: {  	[smem:$0x7FF] =	sst s5;
	[tilespmem:$0x1FDE0] =	vst v7  }
0x10f: {  	s3 =	rddreg [dreg:$0x1];
	v15 =	vsel vm8, $0x107, v28;
	v28 =	vld [tilespmem:$0x1FE00];
	_ =	strace $0x80000047;
	[tilespmem:$0x1FE10] =	vst v57  }
0x110: {  	v0 =	vsel vm7, $0x388, v0;
	[tilespmem:$0x1FE20] =	vst v34  }
0x111: {  	v17 =	vsel vm8, $0x7, v25;
	v0 =	vsel vm6, $0x409, v0;
	[tilespmem:$0x1FE50] =	vst v32  }
0x112: {  	v0 =	vsel vm5, $0x48A, v0;
	v12 =	vsel vm7, $0x88, v17;
	[tilespmem:$0x1FE80] =	vst v38  }
0x113: {  	v0 =	vsel vm4, $0x50B, v0;
	v12 =	vsel vm6, $0x109, v12;
	v51 =	vcombine.low v40, v55;
	[tilespmem:$0x1FEA0] =	vst v55  }
0x114: {  	v14 =	vsel vm8, $0x87, v27;
	v0 =	vsel vm3, $0x58C, v0;
	v12 =	vsel vm5, $0x18A, v12;
	[tilespmem:$0x1FEB0] =	vst v40  }
0x115: {  	v13 =	vsel vm8, $0x187, v29;
	v0 =	vsel vm2, $0x60D, v0;
	v12 =	vsel vm4, $0x20B, v12;
	[tilespmem:$0x1FEC0] =	vst v51  }
0x116: {  	v4 =	vsel vm7, $0x288, v4;
	v24 =	vsel vm1, $0x68E, v0;
	v35 =	vsel vm3, $0x28C, v12;
	[tilespmem:$0x1FEE0] =	vst v53  }
0x117: {  	v12 =	vsel vm7, $0x188, v15;
	v8 =	vsel vm7, $0x108, v14;
	v3 =	vsel vm2, $0x30D, v35;
	[tilespmem:$0x1FEF0] =	vst v36  }
0x118: {  	v37 =	vsel vm6, $0x189, v8;
	v8 =	vsel vm6, $0x209, v12;
	v18 =	vsel vm1, $0x38E, v3;
	[tilespmem:$0x1FF20] =	vst v19  }
0x119: {  	v41 =	vsel vm6, $0x309, v4;
	v12 =	vsel vm7, $0x208, v13;
	v8 =	vsel vm5, $0x28A, v8;
	[tilespmem:$0x1FF40] =	vst v18  }
0x11a: {  	v12 =	vsel vm6, $0x289, v12;
	v3 =	vsel vm5, $0x20A, v37;
	v8 =	vsel vm4, $0x30B, v8;
	[tilespmem:$0x1FFB0] =	vst v24  }
0x11b: {  	v12 =	vsel vm5, $0x30A, v12;
	v3 =	vsel vm4, $0x28B, v3;
	v53 =	vcombine.low v36, v53;
	[tilespmem:$0x1FFE0] =	vst v31  }
0x11c: {  	s1 =	srdreg.scid;
	s2 =	stileid.u32;
	s14 =	simm.s32 $0x7A1400;
	v8 =	vsel vm3, $0x38C, v8;
	v12 =	vsel vm4, $0x38B, v12;
	v55 =	vcombine.low v42, v19;
	[tilespmem:$0x1FFF0] =	vst v2;
	v49 =	vld [tilespmem:$0x1FE70]  }
0x11d: {  	s13 =	simm.s32 $0x1000;
	s15 =	simm.s32 $0x4000;
	s16 =	simm.s32 $0x1;
	v57 =	vcombine.low v34, v57;
	v3 =	vsel vm3, $0x30C, v3;
	v8 =	vsel vm2, $0x40D, v8;
	v47 =	vld [tilespmem:$0x1FE40];
	[tilespmem:$0x1FF00] =	vst v53  }
0x11e: {  	s17 =	simm.s32 $0x8000;
	s18 =	simm.s32 $0x2;
	s19 =	simm.s32 $0xC000;
	v39 =	vsel vm3, $0x40C, v12;
	v3 =	vsel vm2, $0x38D, v3;
	v23 =	vsel vm1, $0x48E, v8;
	[tilespmem:$0x1FF30] =	vst v55  }
0x11f: {  	s20 =	simm.s32 $0x3;
	s21 =	simm.s32 $0x4;
	s23 =	simm.s32 $0x10000;
	v8 =	vsel vm7, $0x308, v11;
	[tilespmem:$0x1FFA0] =	vst v57;
	v5 =	vsel vm1, $0x40E, v3;
	v3 =	vsel vm2, $0x48D, v39  }
0x120: {  	s24 =	simm.s32 $0x5;
	s25 =	simm.s32 $0x11000;
	s26 =	simm.s32 $0x6;
	v43 =	vsel vm6, $0x389, v8;
	[tilespmem:$0x1FF60] =	vst v23;
	v11 =	vsel vm1, $0x50E, v3;
	v3 =	vsel vm5, $0x38A, v41  }
0x121: {  	s1 =	sand.u32 $0x1, s1;
	s2 =	sshll.u32 s2, $0x1;
	s11 =	sadd.s32 $0x3D0800, s3;
	v4 =	vsel vm5, $0x40A, v43;
	[tilespmem:$0x1FF50] =	vst v5;
	v3 =	vsel vm4, $0x40B, v3;
	v35 =	vcombine.low v38, v49  }
.Ltmp0:
0x122: {  	s28 =	simm.s32 $0x0;
	s4 =	sor.u32 s1, s2;
	v34 =	vld [tilespmem:$0x1FE30];
	v4 =	vsel vm4, $0x48B, v4;
	[tilespmem:$0x1FF70] =	vst v11;
	v3 =	vsel vm3, $0x48C, v3;
	v9 =	vcombine.low v32, v47;
	(pc) =	sbr.rel .LBB2_1-.Ltmp0, $4  }
0x123: {  	s31 =	sadd.s32 $0xF4200, s0;
	s1 =	ssub.s32 $0x2, s1;
	s2 =	sshll.u32 s4, $0x9;
	v40 =	vld [tilespmem:$0x1FED0];
	v4 =	vsel vm3, $0x50C, v4;
	v3 =	vsel vm2, $0x50D, v3;
	[tilespmem:$0x1FFC0] =	vst v35  }
0x124: {  	s7 =	sshrl.u32 s1, $0x1;
	s8 =	sor.u32 $0x40, s4;
	s9 =	sor.u32 $0x60, s4;
	v36 =	vld [tilespmem:$0x1FF10];
	v4 =	vsel vm2, $0x58D, v4;
	v7 =	vsel vm1, $0x58E, v3;
	[tilespmem:$0x1FFD0] =	vst v9  }
0x125: {  	p0 =	sne.s32 s4, $0x1F;
	s6 =	sadd.s32 s0, s2;
	s1 =	ssub.s32 s1, s7;
	v32 =	vld [tilespmem:$0x1FE60];
	v45 =	vsel vm1, $0x60E, v4;
	[tilespmem:$0x1FF80] =	vst v7  }
0x126: {  	s7 =	sadd.s32 $0x4000, s6;
	s12 =	smax.u32 s1, $0x1;
	v15 =	vmov v2;
	[dreg:$0x3] =	wrdreg s31;
	v38 =	vld [tilespmem:$0x1FE90];
	[tilespmem:$0x1FF90] =	vst v45  }
.LBB2_13:
0x127: {  	s28 =	sadd.s32 $0x1, s28  }
0x128: {  	p1 =	sne.s32 s28, s12  }
.Ltmp1:
0x129: {  	_ = 	snop;
	(pc) =	sbr.rel @!p1 .LBB2_14-.Ltmp1, $1  }
0x12a: {  	_ =	sdelay $0x3  }
.LBB2_1:
.Ltmp2:
0x12b: {  	(pc) =	sbr.rel .LBB2_2-.Ltmp2, $4  }
0x12c: {  	_ = 	snop  }
0x12d: {  	[tilespmem:s5], [sflag:$0x1] =	stream.strided.gather [hbm4b:s6+s13], $0x4000, s14, s13, $0x38;
	[tilespmem:$0x11800] =	vst v63  }
0x12e: {  	s29 =	simm.s32 $0x0  }
0x12f: {  	[tilespmem:s15], [sflag:$0x2] =	stream.strided.gather [hbm4b:s7+s13], $0x4000, s14, s13, $0x38;
	[tilespmem:$0x11800] =	vst v63  }
.LBB2_8:
0x130: {  	s29 =	sadd.s32 $0x1, s29  }
0x131: {  	p1 =	sne.s32 s29, $0x1F  }
.Ltmp3:
0x132: {  	v2 =	vld [tilespmem:$0x1FB20];
	(pc) =	sbr.rel @!p1 .LBB2_9-.Ltmp3, $4  }
0x133: {  	v57 =	vld [tilespmem:$0x1FFA0]  }
0x134: {  	v35 =	vld [tilespmem:$0x1FFC0]  }
0x135: {  	v9 =	vld [tilespmem:$0x1FFD0]  }
0x136: {  	v7 =	vld [tilespmem:$0x1FF80]  }
.LBB2_2:
0x137: {  	s1 =	simm.s32 $0x0  }
0x138: {  	v1 =	vlaneseq.u32;
	v0 =	vmov s1  }
0x139: {  	v3 =	vor.u32 s1, v1;
	v0 =	vshll.u32 v0, $0x3  }
0x13a: {  	v4 =	vand.u32 $0x7F, v3;
	v0 =	vand.u32 $0xC00, v0  }
0x13b: {  	_ =	swait.ge [sflag:s16], $0x4000;
	v4 =	vor.u32 v0, v4  }
0x13c: {  	p1 =	seq.s32 s29, $0x0;
	[sflag:s16] =	ssyncset.done $0x0;
	v0 =	vor.u32 v28, v4  }
0x13d: {  	s1 =	simm.s32 @!p1 $0x3;
	[sflag:s16] =	ssyncadd.s32 $0xFFFFC000  }
0x13e: {  	_ =	swait.ge @!p1 [sflag:s1], $0x4000  }
0x13f: {  	v3 =	vshll.u32 v3, $0x5;
	[sflag:s1] =	ssyncset.done @!p1 $0x0  }
0x140: {  	v29 =	vmov v28;
	[sflag:s1] =	ssyncadd.s32 @!p1 $0xFFFFC000;
	v28 =	vand.u32 $0x3F80, v3  }
0x141: {  	v3 =	vor.u32 v16, v28;
	v0 =	vld.idx.msk [tilespmem:v0+s5+$0x0], $0xffff  }
0x142: {  	v8 =	vor.u32 v22, v4;
	_ =	sdelay $0x3  }
0x143: {  	[tilespmem:v3+s17+$0x0] =	vst.idx.msk $0xffff, v0  }
0x144: {  	v3 =	vor.u32 v26, v28;
	v0 =	vld.idx.msk [tilespmem:v8+s5+$0x0], $0xffff  }
0x145: {  	v8 =	vor.u32 v30, v4;
	_ =	sdelay $0x3  }
0x146: {  	[tilespmem:v3+s17+$0x0] =	vst.idx.msk $0xffff, v0  }
0x147: {  	v3 =	vor.u32 v57, v28;
	v0 =	vld.idx.msk [tilespmem:v8+s5+$0x0], $0xffff  }
0x148: {  	v8 =	vor.u32 v34, v4;
	_ =	sdelay $0x3  }
0x149: {  	[tilespmem:v3+s17+$0x0] =	vst.idx.msk $0xffff, v0  }
0x14a: {  	v3 =	vor.u32 v9, v28;
	v0 =	vld.idx.msk [tilespmem:v8+s5+$0x0], $0xffff  }
0x14b: {  	v8 =	vor.u32 v32, v4;
	_ =	sdelay $0x3  }
0x14c: {  	[tilespmem:v3+s17+$0x0] =	vst.idx.msk $0xffff, v0  }
0x14d: {  	v3 =	vor.u32 v35, v28;
	v0 =	vld.idx.msk [tilespmem:v8+s5+$0x0], $0xffff  }
0x14e: {  	v2 =	vld [tilespmem:$0x1FEC0];
	v8 =	vor.u32 v38, v4;
	_ =	sdelay $0x3  }
0x14f: {  	[tilespmem:v3+s17+$0x0] =	vst.idx.msk $0xffff, v0  }
0x150: {  	v3 =	vor.u32 v2, v28;
	v0 =	vld.idx.msk [tilespmem:v8+s5+$0x0], $0xffff  }
0x151: {  	v2 =	vld [tilespmem:$0x1FF00];
	v8 =	vor.u32 v40, v4;
	_ =	sdelay $0x3  }
0x152: {  	[tilespmem:v3+s17+$0x0] =	vst.idx.msk $0xffff, v0  }
0x153: {  	v3 =	vor.u32 v2, v28;
	v0 =	vld.idx.msk [tilespmem:v8+s5+$0x0], $0xffff;
	_ =	sdelay $0x4  }
0x154: {  	v8 =	vor.u32 v36, v4;
	[tilespmem:v3+s17+$0x0] =	vst.idx.msk $0xffff, v0;
	v3 =	vld [tilespmem:$0x1FF30];
	_ =	sdelay $0x2  }
0x155: {  	v7 =	vld [tilespmem:$0x1FE10]  }
0x156: {  	v14 =	vld [tilespmem:$0x1FC30]  }
0x157: {  	v0 =	vld.idx.msk [tilespmem:v8+s5+$0x0], $0xffff;
	v3 =	vor.u32 v3, v28  }
0x158: {  	v8 =	vor.u32 v44, v4;
	_ =	sdelay $0x2  }
0x159: {  	v1 =	vld [tilespmem:$0x1FC40]  }
0x15a: {  	v5 =	vcombine.low v7, v14;
	v7 =	vld [tilespmem:$0x1FBD0];
	[tilespmem:v3+s17+$0x0] =	vst.idx.msk $0xffff, v0  }
0x15b: {  	v3 =	vor.u32 v46, v28;
	v0 =	vld.idx.msk [tilespmem:v8+s5+$0x0], $0xffff  }
0x15c: {  	v8 =	vor.u32 v48, v4;
	_ =	sdelay $0x3  }
0x15d: {  	v33 =	vsel vm0, v1, v7;
	v7 =	vld [tilespmem:$0x1FE40];
	[tilespmem:v3+s17+$0x0] =	vst.idx.msk $0xffff, v0  }
0x15e: {  	v3 =	vor.u32 v50, v28;
	v0 =	vld.idx.msk [tilespmem:v8+s5+$0x0], $0xffff  }
0x15f: {  	v8 =	vor.u32 v52, v4;
	_ =	sdelay $0x2  }
0x160: {  	v11 =	vld [tilespmem:$0x1FC50];
	[tilespmem:$0x1FB20] =	vst v5  }
0x161: {  	[tilespmem:v3+s17+$0x0] =	vst.idx.msk $0xffff, v0;
	v3 =	vor.u32 v5, v28;
	v5 =	vcombine.low v7, v33;
	v7 =	vld [tilespmem:$0x1FBE0]  }
0x162: {  	v0 =	vld.idx.msk [tilespmem:v8+s5+$0x0], $0xffff  }
0x163: {  	v8 =	vor.u32 v54, v4;
	_ =	sdelay $0x3  }
0x164: {  	v2 =	vsel vm0, v11, v7;
	v7 =	vld [tilespmem:$0x1FE70];
	[tilespmem:v3+s17+$0x0] =	vst.idx.msk $0xffff, v0  }
0x165: {  	v3 =	vor.u32 v5, v28;
	v0 =	vld.idx.msk [tilespmem:v8+s5+$0x0], $0xffff;
	_ =	sdelay $0x3  }
0x166: {  	[tilespmem:$0x1FB30] =	vst v5;
	v5 =	vcombine.low v7, v2  }
0x167: {  	v7 =	vld [tilespmem:$0x1FC00];
	[tilespmem:v3+s17+$0x0] =	vst.idx.msk $0xffff, v0  }
0x168: {  	[tilespmem:$0x1FB40] =	vst v5;
	v3 =	vor.u32 v5, v28;
	v5 =	vld [tilespmem:$0x1FC60];
	_ =	sdelay $0x3  }
0x169: {  	v8 =	vor.u32 v56, v4  }
0x16a: {  	v19 =	vsel vm0, v5, v7;
	v7 =	vld [tilespmem:$0x1FEA0];
	_ =	sdelay $0x2  }
0x16b: {  	v13 =	vmov v9;
	v9 =	vld [tilespmem:$0x1FC70]  }
0x16c: {  	v0 =	vld.idx.msk [tilespmem:v8+s5+$0x0], $0xffff  }
0x16d: {  	v6 =	vcombine.low v7, v19;
	v7 =	vld [tilespmem:$0x1FC20]  }
0x16e: {  	v8 =	vor.u32 v58, v4;
	_ =	sdelay $0x3  }
0x16f: {  	[tilespmem:v3+s17+$0x0] =	vst.idx.msk $0xffff, v0;
	v39 =	vsel vm0, v9, v7;
	v7 =	vld [tilespmem:$0x1FEE0]  }
0x170: {  	v0 =	vld.idx.msk [tilespmem:v8+s5+$0x0], $0xffff;
	v3 =	vor.u32 v6, v28  }
0x171: {  	v8 =	vor.u32 v59, v4;
	_ =	sdelay $0x2  }
0x172: {  	v17 =	vld [tilespmem:$0x1FC80];
	[tilespmem:$0x1FB50] =	vst v6;
	v6 =	vcombine.low v7, v39  }
0x173: {  	[tilespmem:v3+s17+$0x0] =	vst.idx.msk $0xffff, v0;
	v7 =	vld [tilespmem:$0x1FF20]  }
0x174: {  	v0 =	vld.idx.msk [tilespmem:v8+s5+$0x0], $0xffff;
	v3 =	vor.u32 v6, v28  }
0x175: {  	v8 =	vor.u32 v60, v4;
	_ =	sdelay $0x1  }
0x176: {  	v20 =	vsel vm0, v17, v1  }
0x177: {  	v45 =	vld [tilespmem:$0x1FC90];
	v1 =	vcombine.low v7, v20  }
0x178: {  	v7 =	vld [tilespmem:$0x1FBF0];
	[tilespmem:v3+s17+$0x0] =	vst.idx.msk $0xffff, v0  }
0x179: {  	v3 =	vor.u32 v1, v28;
	v0 =	vld.idx.msk [tilespmem:v8+s5+$0x0], $0xffff  }
0x17a: {  	v8 =	vor.u32 v61, v4;
	_ =	sdelay $0x1  }
0x17b: {  	v24 =	vsel vm0, v45, v11;
	v11 =	vld [tilespmem:$0x1FCA0]  }
0x17c: {  	v27 =	vmov v1;
	v1 =	vcombine.low v7, v24;
	v7 =	vld [tilespmem:$0x1FC10]  }
0x17d: {  	[tilespmem:v3+s17+$0x0] =	vst.idx.msk $0xffff, v0  }
0x17e: {  	v3 =	vor.u32 v1, v28;
	v0 =	vld.idx.msk [tilespmem:v8+s5+$0x0], $0xffff;
	_ =	sdelay $0x1  }
0x17f: {  	v55 =	vsel vm0, v11, v5  }
0x180: {  	v43 =	vmov v1;
	v8 =	vor.u32 v62, v4;
	v1 =	vcombine.low v7, v55  }
0x181: {  	[tilespmem:$0x1FB60] =	vst v6  }
0x182: {  	v6 =	vmov v1;
	[tilespmem:v3+s17+$0x0] =	vst.idx.msk $0xffff, v0;
	v3 =	vor.u32 v1, v28;
	v1 =	vld [tilespmem:$0x1FCB0];
	_ =	sdelay $0x2  }
0x183: {  	v0 =	vld.idx.msk [tilespmem:v8+s5+$0x0], $0xffff;
	_ =	sdelay $0x1  }
0x184: {  	v18 =	vsel vm0, v1, v9  }
0x185: {  	v5 =	vcombine.low v14, v18  }
0x186: {  	v8 =	vor.u32 v63, v4  }
0x187: {  	[tilespmem:v3+s17+$0x0] =	vst.idx.msk $0xffff, v0;
	v37 =	vmov v5;
	v3 =	vor.u32 v5, v28;
	v5 =	vld [tilespmem:$0x1FCC0];
	_ =	sdelay $0x1  }
0x188: {  	v12 =	vld [tilespmem:$0x1FCD0];
	_ =	sdelay $0x1  }
0x189: {  	v0 =	vld.idx.msk [tilespmem:v8+s5+$0x0], $0xffff  }
0x18a: {  	v8 =	vor.u32 v5, v4;
	_ =	sdelay $0x1  }
0x18b: {  	v47 =	vsel vm0, v12, v17;
	v7 =	vld [tilespmem:$0x1FB70]  }
0x18c: {  	v49 =	vmov v5;
	v5 =	vcombine.low v33, v47  }
0x18d: {  	v25 =	vld [tilespmem:$0x1FCE0];
	[tilespmem:v3+s17+$0x0] =	vst.idx.msk $0xffff, v0  }
0x18e: {  	v3 =	vor.u32 v5, v28;
	v0 =	vld.idx.msk [tilespmem:v8+s5+$0x0], $0xffff;
	_ =	sdelay $0x1  }
0x18f: {  	v10 =	vmov v5;
	v5 =	vsel vm0, v7, v45  }
0x190: {  	v7 =	vcombine.low v2, v5  }
0x191: {  	v8 =	vor.u32 v25, v4  }
0x192: {  	v2 =	vmov v5;
	v5 =	vmov v7;
	[tilespmem:v3+s17+$0x0] =	vst.idx.msk $0xffff, v0;
	v3 =	vor.u32 v7, v28;
	v7 =	vld [tilespmem:$0x1FCF0];
	_ =	sdelay $0x3  }
0x193: {  	v0 =	vld.idx.msk [tilespmem:v8+s5+$0x0], $0xffff  }
0x194: {  	v21 =	vmov v7;
	v8 =	vor.u32 v7, v4;
	v7 =	vld [tilespmem:$0x1FB90];
	_ =	sdelay $0x4  }
0x195: {  	v45 =	vsel vm0, v7, v11  }
0x196: {  	v7 =	vcombine.low v19, v45  }
0x197: {  	v9 =	vld [tilespmem:$0x1FD00];
	[tilespmem:v3+s17+$0x0] =	vst.idx.msk $0xffff, v0  }
0x198: {  	v0 =	vld.idx.msk [tilespmem:v8+s5+$0x0], $0xffff;
	v3 =	vor.u32 v7, v28;
	_ =	sdelay $0x1  }
0x199: {  	v19 =	vmov v7;
	v7 =	vld [tilespmem:$0x1FBB0];
	_ =	sdelay $0x1  }
0x19a: {  	v8 =	vor.u32 v9, v4  }
0x19b: {  	[tilespmem:v3+s17+$0x0] =	vst.idx.msk $0xffff, v0;
	v0 =	vld [tilespmem:$0x1FD10];
	_ =	sdelay $0x1  }
0x19c: {  	v51 =	vsel vm0, v7, v1  }
0x19d: {  	v1 =	vcombine.low v39, v51  }
0x19e: {  	v3 =	vld.idx.msk [tilespmem:v8+s5+$0x0], $0xffff  }
0x19f: {  	v17 =	vmovc v1;
	v8 =	vor.u32 v1, v28;
	v23 =	vmov v0;
	v1 =	vor.u32 v0, v4;
	v0 =	vld [tilespmem:$0x1FBC0];
	_ =	sdelay $0x3  }
0x1a0: {  	v33 =	vld [tilespmem:$0x1FD20]  }
0x1a1: {  	v0 =	vsel vm0, v0, v12  }
0x1a2: {  	v11 =	vcombine.low v20, v0  }
0x1a3: {  	v7 =	vld [tilespmem:$0x1FB80];
	[tilespmem:v8+s17+$0x0] =	vst.idx.msk $0xffff, v3  }
0x1a4: {  	v3 =	vld.idx.msk [tilespmem:v1+s5+$0x0], $0xffff;
	v8 =	vor.u32 v11, v28  }
0x1a5: {  	v1 =	vor.u32 v33, v4;
	_ =	sdelay $0x2  }
0x1a6: {  	v14 =	vcombine.low v24, v7;
	v7 =	vld [tilespmem:$0x1FBA0]  }
0x1a7: {  	[tilespmem:v8+s17+$0x0] =	vst.idx.msk $0xffff, v3  }
0x1a8: {  	v8 =	vor.u32 v14, v28;
	v3 =	vld.idx.msk [tilespmem:v1+s5+$0x0], $0xffff  }
0x1a9: {  	v1 =	vor.u32 v31, v4  }
0x1aa: {  	v39 =	vld [tilespmem:$0x1FD30]  }
0x1ab: {  	v7 =	vcombine.low v55, v7;
	_ =	sdelay $0x1  }
0x1ac: {  	v41 =	vmov v7;
	[tilespmem:v8+s17+$0x0] =	vst.idx.msk $0xffff, v3;
	v8 =	vor.u32 v7, v28;
	v7 =	vld [tilespmem:$0x1FE20]  }
0x1ad: {  	v3 =	vld.idx.msk [tilespmem:v1+s5+$0x0], $0xffff  }
0x1ae: {  	v1 =	vor.u32 v39, v4;
	_ =	sdelay $0x3  }
0x1af: {  	v24 =	vmov v31;
	v31 =	vcombine.low v18, v7;
	v7 =	vld [tilespmem:$0x1FE50];
	[tilespmem:v8+s17+$0x0] =	vst.idx.msk $0xffff, v3  }
0x1b0: {  	v3 =	vld.idx.msk [tilespmem:v1+s5+$0x0], $0xffff  }
0x1b1: {  	v1 =	vld [tilespmem:$0x1FD40];
	_ =	sdelay $0x1  }
0x1b2: {  	v8 =	vor.u32 v31, v28;
	_ =	sdelay $0x2  }
0x1b3: {  	v7 =	vcombine.low v47, v7;
	v20 =	vmov v1;
	v1 =	vor.u32 v1, v4;
	_ =	sdelay $0x1  }
0x1b4: {  	v53 =	vmovc v57;
	v57 =	vmov v35;
	[tilespmem:v8+s17+$0x0] =	vst.idx.msk $0xffff, v3;
	v35 =	vmov v7;
	v8 =	vor.u32 v7, v28;
	v7 =	vld [tilespmem:$0x1FE80];
	_ =	sdelay $0x2  }
0x1b5: {  	v12 =	vld.idx.msk [tilespmem:v1+s5+$0x0], $0xffff  }
0x1b6: {  	v47 =	vld [tilespmem:$0x1FD50];
	v3 =	vor.u32 v15, v4  }
0x1b7: {  	v1 =	vcombine.low v2, v7;
	v7 =	vld [tilespmem:$0x1FEB0];
	_ =	sdelay $0x2  }
0x1b8: {  	[tilespmem:v8+s17+$0x0] =	vst.idx.msk $0xffff, v12  }
0x1b9: {  	v8 =	vor.u32 v1, v28;
	v3 =	vld.idx.msk [tilespmem:v3+s5+$0x0], $0xffff  }
0x1ba: {  	v12 =	vor.u32 v47, v4;
	v55 =	vcombine.low v45, v7;
	v45 =	vld [tilespmem:$0x1FD60]  }
0x1bb: {  	v7 =	vld [tilespmem:$0x1FEF0];
	_ =	sdelay $0x2  }
0x1bc: {  	[tilespmem:v8+s17+$0x0] =	vst.idx.msk $0xffff, v3  }
0x1bd: {  	v8 =	vor.u32 v55, v28;
	v3 =	vld.idx.msk [tilespmem:v12+s5+$0x0], $0xffff  }
0x1be: {  	v18 =	vcombine.low v51, v7;
	v51 =	vld [tilespmem:$0x1FD70];
	v12 =	vor.u32 v45, v4;
	_ =	sdelay $0x3  }
0x1bf: {  	s30 =	sshll.u32 s29, $0x6;
	s2 =	simm.s32 $0x10;
	[tilespmem:v8+s17+$0x0] =	vst.idx.msk $0xffff, v3  }
0x1c0: {  	s31 =	sor.u32 s4, s30;
	s1 =	simm.s32 $0x20;
	v2 =	vmovc v1;
	v4 =	vor.u32 v51, v4;
	v8 =	vor.u32 v18, v28;
	v3 =	vld.idx.msk [tilespmem:v12+s5+$0x0], $0xffff;
	v12 =	vmov s2  }
.LBB2_3:
0x1c1: {  	v1 =	vlaneseq.u32;
	_ =	sdelay $0x1  }
0x1c2: {  	v12 =	vshll.u32 v12, $0x3;
	v7 =	vor.u32 s2, v1  }
0x1c3: {  	v12 =	vand.u32 $0xC00, v12;
	v1 =	vmovc v63;
	v63 =	vmovc v62;
	v62 =	vmov v61;
	v61 =	vmov v60  }
0x1c4: {  	v60 =	vmovc v59;
	v59 =	vmovc v58;
	v58 =	vmov v56;
	v56 =	vmov v54;
	v54 =	vmov v52  }
0x1c5: {  	v52 =	vmovc v50;
	v50 =	vmovc v48;
	v48 =	vmov v46;
	v46 =	vmov v44;
	v44 =	vmov v42  }
0x1c6: {  	[tilespmem:v8+s17+$0x0] =	vst.idx.msk $0xffff, v3;
	v3 =	vcombine.low v0, v42;
	v8 =	vand.u32 $0x7F, v7;
	v42 =	vmovc v36;
	v36 =	vmov v40  }
0x1c7: {  	v40 =	vmovc v38;
	v38 =	vmovc v32;
	v32 =	vmov v34;
	v34 =	vmov v30;
	v30 =	vmov v26  }
0x1c8: {  	v26 =	vmovc v22;
	v22 =	vmov v16;
	v16 =	vld.idx.msk [tilespmem:v4+s5+$0x0], $0xffff;
	v4 =	vor.u32 v12, v8;
	v3 =	vor.u32 v3, v28  }
0x1c9: {  	v8 =	vor.u32 v29, v4;
	_ =	sdelay $0x2  }
0x1ca: {  	v7 =	vshll.u32 v7, $0x5  }
0x1cb: {  	v28 =	vand.u32 $0x3F80, v7;
	[tilespmem:v3+s17+$0x0] =	vst.idx.msk $0xffff, v16;
	v16 =	vmov v22  }
0x1cc: {  	v22 =	vmov v26;
	v3 =	vld.idx.msk [tilespmem:v8+s5+$0x0], $0xffff;
	v7 =	vor.u32 v16, v28  }
0x1cd: {  	v8 =	vor.u32 v22, v4;
	_ =	sdelay $0x3  }
0x1ce: {  	v26 =	vmov v30;
	[tilespmem:v7+s17+$0x0] =	vst.idx.msk $0xffff, v3  }
0x1cf: {  	v30 =	vmov v34;
	v7 =	vor.u32 v26, v28;
	v3 =	vld.idx.msk [tilespmem:v8+s5+$0x0], $0xffff  }
0x1d0: {  	v8 =	vor.u32 v30, v4;
	_ =	sdelay $0x3  }
0x1d1: {  	[tilespmem:v7+s17+$0x0] =	vst.idx.msk $0xffff, v3  }
0x1d2: {  	v34 =	vmov v32;
	v7 =	vor.u32 v53, v28;
	v3 =	vld.idx.msk [tilespmem:v8+s5+$0x0], $0xffff  }
0x1d3: {  	v8 =	vor.u32 v34, v4;
	_ =	sdelay $0x3  }
0x1d4: {  	[tilespmem:v7+s17+$0x0] =	vst.idx.msk $0xffff, v3  }
0x1d5: {  	v32 =	vmov v38;
	v7 =	vor.u32 v13, v28;
	v3 =	vld.idx.msk [tilespmem:v8+s5+$0x0], $0xffff  }
0x1d6: {  	v8 =	vor.u32 v32, v4;
	_ =	sdelay $0x2  }
0x1d7: {  	v38 =	vmovc v40;
	v40 =	vmov v36;
	v36 =	vmov v42;
	v42 =	vmov v44  }
0x1d8: {  	v44 =	vmovc v46;
	v46 =	vmovc v48;
	v48 =	vmov v50;
	v50 =	vmov v52;
	v52 =	vmov v54;
	[tilespmem:v7+s17+$0x0] =	vst.idx.msk $0xffff, v3  }
0x1d9: {  	v54 =	vmovc v56;
	v56 =	vmovc v58;
	v58 =	vmov v59;
	v59 =	vmov v60;
	v7 =	vor.u32 v57, v28;
	v3 =	vld.idx.msk [tilespmem:v8+s5+$0x0], $0xffff  }
0x1da: {  	v60 =	vmovc v61;
	v61 =	vmovc v62;
	v62 =	vmov v63;
	v63 =	vmov v1;
	v1 =	vld [tilespmem:$0x1FEC0];
	v8 =	vor.u32 v38, v4;
	_ =	sdelay $0x3  }
0x1db: {  	[tilespmem:v7+s17+$0x0] =	vst.idx.msk $0xffff, v3  }
0x1dc: {  	v7 =	vor.u32 v1, v28;
	v3 =	vld.idx.msk [tilespmem:v8+s5+$0x0], $0xffff  }
0x1dd: {  	v1 =	vld [tilespmem:$0x1FF00];
	v8 =	vor.u32 v40, v4;
	_ =	sdelay $0x3  }
0x1de: {  	[tilespmem:v7+s17+$0x0] =	vst.idx.msk $0xffff, v3  }
0x1df: {  	v7 =	vor.u32 v1, v28;
	v3 =	vld.idx.msk [tilespmem:v8+s5+$0x0], $0xffff  }
0x1e0: {  	v1 =	vld [tilespmem:$0x1FF30];
	v8 =	vor.u32 v36, v4;
	_ =	sdelay $0x3  }
0x1e1: {  	[tilespmem:v7+s17+$0x0] =	vst.idx.msk $0xffff, v3  }
0x1e2: {  	v7 =	vor.u32 v1, v28;
	v3 =	vld.idx.msk [tilespmem:v8+s5+$0x0], $0xffff  }
0x1e3: {  	v8 =	vor.u32 v44, v4;
	_ =	sdelay $0x3  }
0x1e4: {  	[tilespmem:v7+s17+$0x0] =	vst.idx.msk $0xffff, v3  }
0x1e5: {  	v7 =	vor.u32 v46, v28;
	v3 =	vld.idx.msk [tilespmem:v8+s5+$0x0], $0xffff  }
0x1e6: {  	v8 =	vor.u32 v48, v4;
	_ =	sdelay $0x3  }
0x1e7: {  	[tilespmem:v7+s17+$0x0] =	vst.idx.msk $0xffff, v3  }
0x1e8: {  	v7 =	vor.u32 v50, v28;
	v3 =	vld.idx.msk [tilespmem:v8+s5+$0x0], $0xffff  }
0x1e9: {  	v1 =	vld [tilespmem:$0x1FB20];
	v8 =	vor.u32 v52, v4;
	_ =	sdelay $0x3  }
0x1ea: {  	[tilespmem:v7+s17+$0x0] =	vst.idx.msk $0xffff, v3  }
0x1eb: {  	v7 =	vor.u32 v1, v28;
	v3 =	vld.idx.msk [tilespmem:v8+s5+$0x0], $0xffff  }
0x1ec: {  	v1 =	vld [tilespmem:$0x1FB30];
	v8 =	vor.u32 v54, v4;
	_ =	sdelay $0x3  }
0x1ed: {  	[tilespmem:v7+s17+$0x0] =	vst.idx.msk $0xffff, v3  }
0x1ee: {  	v7 =	vor.u32 v1, v28;
	v3 =	vld.idx.msk [tilespmem:v8+s5+$0x0], $0xffff  }
0x1ef: {  	v1 =	vld [tilespmem:$0x1FB40];
	v8 =	vor.u32 v56, v4;
	_ =	sdelay $0x3  }
0x1f0: {  	[tilespmem:v7+s17+$0x0] =	vst.idx.msk $0xffff, v3  }
0x1f1: {  	v7 =	vor.u32 v1, v28;
	v3 =	vld.idx.msk [tilespmem:v8+s5+$0x0], $0xffff  }
0x1f2: {  	v1 =	vld [tilespmem:$0x1FB50];
	v8 =	vor.u32 v58, v4;
	_ =	sdelay $0x3  }
0x1f3: {  	[tilespmem:v7+s17+$0x0] =	vst.idx.msk $0xffff, v3  }
0x1f4: {  	v7 =	vor.u32 v1, v28;
	v3 =	vld.idx.msk [tilespmem:v8+s5+$0x0], $0xffff  }
0x1f5: {  	v1 =	vld [tilespmem:$0x1FB60];
	v8 =	vor.u32 v59, v4;
	_ =	sdelay $0x3  }
0x1f6: {  	[tilespmem:v7+s17+$0x0] =	vst.idx.msk $0xffff, v3  }
0x1f7: {  	v7 =	vor.u32 v1, v28;
	v3 =	vld.idx.msk [tilespmem:v8+s5+$0x0], $0xffff  }
0x1f8: {  	v8 =	vor.u32 v60, v4;
	_ =	sdelay $0x3  }
0x1f9: {  	[tilespmem:v7+s17+$0x0] =	vst.idx.msk $0xffff, v3  }
0x1fa: {  	v7 =	vor.u32 v27, v28;
	v3 =	vld.idx.msk [tilespmem:v8+s5+$0x0], $0xffff  }
0x1fb: {  	v8 =	vor.u32 v61, v4;
	_ =	sdelay $0x3  }
0x1fc: {  	[tilespmem:v7+s17+$0x0] =	vst.idx.msk $0xffff, v3  }
0x1fd: {  	v7 =	vor.u32 v43, v28;
	v3 =	vld.idx.msk [tilespmem:v8+s5+$0x0], $0xffff  }
0x1fe: {  	v8 =	vor.u32 v62, v4;
	_ =	sdelay $0x3  }
0x1ff: {  	[tilespmem:v7+s17+$0x0] =	vst.idx.msk $0xffff, v3  }
0x200: {  	v7 =	vor.u32 v6, v28;
	v3 =	vld.idx.msk [tilespmem:v8+s5+$0x0], $0xffff  }
0x201: {  	v8 =	vor.u32 v63, v4;
	_ =	sdelay $0x3  }
0x202: {  	[tilespmem:v7+s17+$0x0] =	vst.idx.msk $0xffff, v3  }
0x203: {  	v7 =	vor.u32 v37, v28;
	v3 =	vld.idx.msk [tilespmem:v8+s5+$0x0], $0xffff  }
0x204: {  	v8 =	vor.u32 v49, v4;
	_ =	sdelay $0x3  }
0x205: {  	[tilespmem:v7+s17+$0x0] =	vst.idx.msk $0xffff, v3  }
0x206: {  	v7 =	vor.u32 v10, v28;
	v3 =	vld.idx.msk [tilespmem:v8+s5+$0x0], $0xffff  }
0x207: {  	v8 =	vor.u32 v25, v4;
	_ =	sdelay $0x3  }
0x208: {  	[tilespmem:v7+s17+$0x0] =	vst.idx.msk $0xffff, v3  }
0x209: {  	v7 =	vor.u32 v5, v28;
	v3 =	vld.idx.msk [tilespmem:v8+s5+$0x0], $0xffff  }
0x20a: {  	v8 =	vor.u32 v21, v4;
	_ =	sdelay $0x3  }
0x20b: {  	[tilespmem:v7+s17+$0x0] =	vst.idx.msk $0xffff, v3  }
0x20c: {  	v7 =	vor.u32 v19, v28;
	v3 =	vld.idx.msk [tilespmem:v8+s5+$0x0], $0xffff  }
0x20d: {  	v8 =	vor.u32 v9, v4;
	_ =	sdelay $0x3  }
0x20e: {  	[tilespmem:v7+s17+$0x0] =	vst.idx.msk $0xffff, v3  }
0x20f: {  	v7 =	vor.u32 v17, v28;
	v3 =	vld.idx.msk [tilespmem:v8+s5+$0x0], $0xffff  }
0x210: {  	v8 =	vor.u32 v23, v4;
	_ =	sdelay $0x3  }
0x211: {  	[tilespmem:v7+s17+$0x0] =	vst.idx.msk $0xffff, v3  }
0x212: {  	v7 =	vor.u32 v11, v28;
	v3 =	vld.idx.msk [tilespmem:v8+s5+$0x0], $0xffff  }
0x213: {  	v8 =	vor.u32 v33, v4;
	_ =	sdelay $0x3  }
0x214: {  	[tilespmem:v7+s17+$0x0] =	vst.idx.msk $0xffff, v3  }
0x215: {  	v7 =	vor.u32 v14, v28;
	v3 =	vld.idx.msk [tilespmem:v8+s5+$0x0], $0xffff  }
0x216: {  	v8 =	vor.u32 v24, v4;
	_ =	sdelay $0x3  }
0x217: {  	[tilespmem:v7+s17+$0x0] =	vst.idx.msk $0xffff, v3  }
0x218: {  	v7 =	vor.u32 v41, v28;
	v3 =	vld.idx.msk [tilespmem:v8+s5+$0x0], $0xffff  }
0x219: {  	v8 =	vor.u32 v39, v4;
	_ =	sdelay $0x3  }
0x21a: {  	[tilespmem:v7+s17+$0x0] =	vst.idx.msk $0xffff, v3  }
0x21b: {  	v7 =	vor.u32 v31, v28;
	v3 =	vld.idx.msk [tilespmem:v8+s5+$0x0], $0xffff  }
0x21c: {  	v8 =	vor.u32 v20, v4;
	_ =	sdelay $0x3  }
0x21d: {  	[tilespmem:v7+s17+$0x0] =	vst.idx.msk $0xffff, v3  }
0x21e: {  	v7 =	vor.u32 v35, v28;
	v3 =	vld.idx.msk [tilespmem:v8+s5+$0x0], $0xffff  }
0x21f: {  	v8 =	vor.u32 v15, v4;
	_ =	sdelay $0x3  }
0x220: {  	[tilespmem:v7+s17+$0x0] =	vst.idx.msk $0xffff, v3  }
0x221: {  	v7 =	vor.u32 v2, v28;
	v3 =	vld.idx.msk [tilespmem:v8+s5+$0x0], $0xffff  }
0x222: {  	v8 =	vor.u32 v47, v4;
	_ =	sdelay $0x3  }
0x223: {  	[tilespmem:v7+s17+$0x0] =	vst.idx.msk $0xffff, v3  }
0x224: {  	v7 =	vor.u32 v55, v28;
	v3 =	vld.idx.msk [tilespmem:v8+s5+$0x0], $0xffff  }
0x225: {  	p2 =	sne.s32 s1, $0x1F0;
	v8 =	vor.u32 v45, v4  }
.Ltmp4:
0x226: {  	_ = 	snop;
	(pc) =	sbr.rel @p2 .LBB2_3-.Ltmp4, $3  }
0x227: {  	_ =	sdelay $0x1  }
0x228: {  	s2 =	smov.u32 s1;
	[tilespmem:v7+s17+$0x0] =	vst.idx.msk $0xffff, v3  }
0x229: {  	s1 =	sadd.s32 $0x10, s1;
	v12 =	vmov s2;
	v4 =	vor.u32 v51, v4;
	v3 =	vld.idx.msk [tilespmem:v8+s5+$0x0], $0xffff;
	v8 =	vor.u32 v18, v28  }
0x22a: {  	_ =	sdelay $0x1  }
0x22b: {  	v1 =	vlaneseq.u32  }
0x22c: {  	v12 =	vshll.u32 v12, $0x3;
	v7 =	vor.u32 s2, v1;
	v1 =	vcombine.low v0, v42  }
0x22d: {  	v0 =	vand.u32 $0x7F, v7;
	[tilespmem:v8+s17+$0x0] =	vst.idx.msk $0xffff, v3;
	v3 =	vand.u32 $0xC00, v12  }
0x22e: {  	v4 =	vld.idx.msk [tilespmem:v4+s5+$0x0], $0xffff;
	v0 =	vor.u32 v3, v0;
	v3 =	vor.u32 v1, v28  }
0x22f: {  	v8 =	vor.u32 v29, v0;
	_ =	sdelay $0x2  }
0x230: {  	v7 =	vshll.u32 v7, $0x5  }
0x231: {  	[tilespmem:v3+s17+$0x0] =	vst.idx.msk $0xffff, v4;
	v3 =	vand.u32 $0x3F80, v7  }
0x232: {  	v4 =	vld.idx.msk [tilespmem:v8+s5+$0x0], $0xffff;
	v7 =	vor.u32 v16, v3  }
0x233: {  	v8 =	vor.u32 v22, v0;
	_ =	sdelay $0x3  }
0x234: {  	[tilespmem:v7+s17+$0x0] =	vst.idx.msk $0xffff, v4  }
0x235: {  	v7 =	vor.u32 v26, v3;
	v4 =	vld.idx.msk [tilespmem:v8+s5+$0x0], $0xffff  }
0x236: {  	v8 =	vor.u32 v30, v0;
	_ =	sdelay $0x3  }
0x237: {  	[tilespmem:v7+s17+$0x0] =	vst.idx.msk $0xffff, v4  }
0x238: {  	v7 =	vor.u32 v53, v3;
	v4 =	vld.idx.msk [tilespmem:v8+s5+$0x0], $0xffff  }
0x239: {  	v8 =	vor.u32 v34, v0;
	_ =	sdelay $0x3  }
0x23a: {  	[tilespmem:v7+s17+$0x0] =	vst.idx.msk $0xffff, v4  }
0x23b: {  	v7 =	vor.u32 v13, v3;
	v4 =	vld.idx.msk [tilespmem:v8+s5+$0x0], $0xffff  }
0x23c: {  	v8 =	vor.u32 v32, v0;
	_ =	sdelay $0x3  }
0x23d: {  	[tilespmem:v7+s17+$0x0] =	vst.idx.msk $0xffff, v4  }
0x23e: {  	v7 =	vor.u32 v57, v3;
	v4 =	vld.idx.msk [tilespmem:v8+s5+$0x0], $0xffff  }
0x23f: {  	v57 =	vld [tilespmem:$0x1FEC0];
	v8 =	vor.u32 v38, v0;
	_ =	sdelay $0x3  }
0x240: {  	[tilespmem:v7+s17+$0x0] =	vst.idx.msk $0xffff, v4  }
0x241: {  	v7 =	vor.u32 v57, v3;
	v4 =	vld.idx.msk [tilespmem:v8+s5+$0x0], $0xffff  }
0x242: {  	v53 =	vld [tilespmem:$0x1FF00];
	v8 =	vor.u32 v40, v0;
	_ =	sdelay $0x3  }
0x243: {  	[tilespmem:v7+s17+$0x0] =	vst.idx.msk $0xffff, v4  }
0x244: {  	v7 =	vor.u32 v53, v3;
	v4 =	vld.idx.msk [tilespmem:v8+s5+$0x0], $0xffff  }
0x245: {  	v57 =	vld [tilespmem:$0x1FF30];
	v8 =	vor.u32 v36, v0;
	_ =	sdelay $0x3  }
0x246: {  	[tilespmem:v7+s17+$0x0] =	vst.idx.msk $0xffff, v4  }
0x247: {  	v7 =	vor.u32 v57, v3;
	v4 =	vld.idx.msk [tilespmem:v8+s5+$0x0], $0xffff  }
0x248: {  	v8 =	vor.u32 v44, v0;
	_ =	sdelay $0x3  }
0x249: {  	[tilespmem:v7+s17+$0x0] =	vst.idx.msk $0xffff, v4  }
0x24a: {  	v7 =	vor.u32 v46, v3;
	v4 =	vld.idx.msk [tilespmem:v8+s5+$0x0], $0xffff  }
0x24b: {  	v8 =	vor.u32 v48, v0;
	_ =	sdelay $0x3  }
0x24c: {  	[tilespmem:v7+s17+$0x0] =	vst.idx.msk $0xffff, v4  }
0x24d: {  	v7 =	vor.u32 v50, v3;
	v4 =	vld.idx.msk [tilespmem:v8+s5+$0x0], $0xffff  }
0x24e: {  	v53 =	vld [tilespmem:$0x1FB20];
	v8 =	vor.u32 v52, v0;
	_ =	sdelay $0x3  }
0x24f: {  	[tilespmem:v7+s17+$0x0] =	vst.idx.msk $0xffff, v4  }
0x250: {  	v7 =	vor.u32 v53, v3;
	v4 =	vld.idx.msk [tilespmem:v8+s5+$0x0], $0xffff  }
0x251: {  	v13 =	vld [tilespmem:$0x1FB30];
	v8 =	vor.u32 v54, v0;
	_ =	sdelay $0x3  }
0x252: {  	[tilespmem:v7+s17+$0x0] =	vst.idx.msk $0xffff, v4  }
0x253: {  	v7 =	vor.u32 v13, v3;
	v4 =	vld.idx.msk [tilespmem:v8+s5+$0x0], $0xffff  }
0x254: {  	v12 =	vld [tilespmem:$0x1FB40];
	v8 =	vor.u32 v56, v0;
	_ =	sdelay $0x3  }
0x255: {  	[tilespmem:v7+s17+$0x0] =	vst.idx.msk $0xffff, v4  }
0x256: {  	v7 =	vor.u32 v12, v3;
	v4 =	vld.idx.msk [tilespmem:v8+s5+$0x0], $0xffff  }
0x257: {  	v53 =	vld [tilespmem:$0x1FB50];
	v8 =	vor.u32 v58, v0;
	_ =	sdelay $0x3  }
0x258: {  	[tilespmem:v7+s17+$0x0] =	vst.idx.msk $0xffff, v4  }
0x259: {  	v7 =	vor.u32 v53, v3;
	v4 =	vld.idx.msk [tilespmem:v8+s5+$0x0], $0xffff  }
0x25a: {  	[tilespmem:$0x1FB10] =	vst v1;
	v1 =	vld [tilespmem:$0x1FB60];
	v8 =	vor.u32 v59, v0;
	_ =	sdelay $0x3  }
0x25b: {  	[tilespmem:v7+s17+$0x0] =	vst.idx.msk $0xffff, v4  }
0x25c: {  	v7 =	vor.u32 v1, v3;
	v4 =	vld.idx.msk [tilespmem:v8+s5+$0x0], $0xffff  }
0x25d: {  	v8 =	vor.u32 v60, v0;
	_ =	sdelay $0x3  }
0x25e: {  	[tilespmem:v7+s17+$0x0] =	vst.idx.msk $0xffff, v4  }
0x25f: {  	v7 =	vor.u32 v27, v3;
	v4 =	vld.idx.msk [tilespmem:v8+s5+$0x0], $0xffff  }
0x260: {  	v8 =	vor.u32 v61, v0;
	_ =	sdelay $0x3  }
0x261: {  	[tilespmem:v7+s17+$0x0] =	vst.idx.msk $0xffff, v4  }
0x262: {  	v7 =	vor.u32 v43, v3;
	v4 =	vld.idx.msk [tilespmem:v8+s5+$0x0], $0xffff  }
0x263: {  	v8 =	vor.u32 v62, v0;
	_ =	sdelay $0x3  }
0x264: {  	[tilespmem:v7+s17+$0x0] =	vst.idx.msk $0xffff, v4  }
0x265: {  	v7 =	vor.u32 v6, v3;
	v4 =	vld.idx.msk [tilespmem:v8+s5+$0x0], $0xffff  }
0x266: {  	v8 =	vor.u32 v63, v0;
	_ =	sdelay $0x3  }
0x267: {  	[tilespmem:v7+s17+$0x0] =	vst.idx.msk $0xffff, v4  }
0x268: {  	v7 =	vor.u32 v37, v3;
	v4 =	vld.idx.msk [tilespmem:v8+s5+$0x0], $0xffff  }
0x269: {  	v8 =	vor.u32 v49, v0;
	_ =	sdelay $0x3  }
0x26a: {  	[tilespmem:v7+s17+$0x0] =	vst.idx.msk $0xffff, v4  }
0x26b: {  	v7 =	vor.u32 v10, v3;
	v4 =	vld.idx.msk [tilespmem:v8+s5+$0x0], $0xffff  }
0x26c: {  	v8 =	vor.u32 v25, v0;
	_ =	sdelay $0x3  }
0x26d: {  	[tilespmem:v7+s17+$0x0] =	vst.idx.msk $0xffff, v4  }
0x26e: {  	v7 =	vor.u32 v5, v3;
	v4 =	vld.idx.msk [tilespmem:v8+s5+$0x0], $0xffff  }
0x26f: {  	v8 =	vor.u32 v21, v0;
	_ =	sdelay $0x3  }
0x270: {  	[tilespmem:v7+s17+$0x0] =	vst.idx.msk $0xffff, v4  }
0x271: {  	v7 =	vor.u32 v19, v3;
	v4 =	vld.idx.msk [tilespmem:v8+s5+$0x0], $0xffff  }
0x272: {  	v8 =	vor.u32 v9, v0;
	_ =	sdelay $0x3  }
0x273: {  	[tilespmem:v7+s17+$0x0] =	vst.idx.msk $0xffff, v4  }
0x274: {  	v7 =	vor.u32 v17, v3;
	v4 =	vld.idx.msk [tilespmem:v8+s5+$0x0], $0xffff  }
0x275: {  	v8 =	vor.u32 v23, v0;
	_ =	sdelay $0x3  }
0x276: {  	[tilespmem:v7+s17+$0x0] =	vst.idx.msk $0xffff, v4  }
0x277: {  	v7 =	vor.u32 v11, v3;
	v4 =	vld.idx.msk [tilespmem:v8+s5+$0x0], $0xffff  }
0x278: {  	v8 =	vor.u32 v33, v0;
	_ =	sdelay $0x3  }
0x279: {  	[tilespmem:v7+s17+$0x0] =	vst.idx.msk $0xffff, v4  }
0x27a: {  	v7 =	vor.u32 v14, v3;
	v4 =	vld.idx.msk [tilespmem:v8+s5+$0x0], $0xffff  }
0x27b: {  	v8 =	vor.u32 v24, v0;
	_ =	sdelay $0x3  }
0x27c: {  	[tilespmem:v7+s17+$0x0] =	vst.idx.msk $0xffff, v4  }
0x27d: {  	v7 =	vor.u32 v41, v3;
	v4 =	vld.idx.msk [tilespmem:v8+s5+$0x0], $0xffff  }
0x27e: {  	v8 =	vor.u32 v39, v0;
	_ =	sdelay $0x3  }
0x27f: {  	[tilespmem:v7+s17+$0x0] =	vst.idx.msk $0xffff, v4  }
0x280: {  	v7 =	vor.u32 v31, v3;
	v4 =	vld.idx.msk [tilespmem:v8+s5+$0x0], $0xffff  }
0x281: {  	v8 =	vor.u32 v20, v0;
	_ =	sdelay $0x3  }
0x282: {  	[tilespmem:v7+s17+$0x0] =	vst.idx.msk $0xffff, v4  }
0x283: {  	v7 =	vor.u32 v35, v3;
	v4 =	vld.idx.msk [tilespmem:v8+s5+$0x0], $0xffff  }
0x284: {  	v8 =	vor.u32 v15, v0;
	_ =	sdelay $0x3  }
0x285: {  	[tilespmem:v7+s17+$0x0] =	vst.idx.msk $0xffff, v4  }
0x286: {  	v7 =	vor.u32 v2, v3;
	v4 =	vld.idx.msk [tilespmem:v8+s5+$0x0], $0xffff  }
0x287: {  	v8 =	vor.u32 v47, v0;
	_ =	sdelay $0x3  }
0x288: {  	[tilespmem:v7+s17+$0x0] =	vst.idx.msk $0xffff, v4  }
0x289: {  	v7 =	vor.u32 v55, v3;
	v4 =	vld.idx.msk [tilespmem:v8+s5+$0x0], $0xffff  }
0x28a: {  	v8 =	vor.u32 v45, v0;
	_ =	sdelay $0x3  }
0x28b: {  	[tilespmem:v7+s17+$0x0] =	vst.idx.msk $0xffff, v4  }
0x28c: {  	v7 =	vor.u32 v18, v3;
	v4 =	vld.idx.msk [tilespmem:v8+s5+$0x0], $0xffff;
	_ =	sdelay $0x4  }
0x28d: {  	v0 =	vor.u32 v51, v0;
	[tilespmem:v7+s17+$0x0] =	vst.idx.msk $0xffff, v4;
	v4 =	vld [tilespmem:$0x1FB10];
	_ =	sdelay $0x4  }
0x28e: {  	v0 =	vld.idx.msk [tilespmem:v0+s5+$0x0], $0xffff;
	v3 =	vor.u32 v4, v3;
	_ =	sdelay $0x3  }
0x28f: {  	s1 =	sshll.u32 s31, $0xB  }
0x290: {  	s1 =	sadd.s32 s3, s1;
	[tilespmem:v3+s17+$0x0] =	vst.idx.msk $0xffff, v0  }
0x291: {  	[hbm4b:s1+s5] =	stream.linear.scatter [tilespmem:s17], [sflag:$0x3], $0x4000, $0x38;
	[tilespmem:$0x11800] =	vst v63  }
0x292: {  	s1 =	sadd.s32 s8, s30  }
0x293: {  	p2 =	sgt.u32 s1, $0x7A0  }
0x294: {  	s31 =	sor.u32 $0x20, s31;
	s1 =	sshll.u32 @!p2 s1, $0x9;
	s2 =	simm.s32 @!p2 $0x1000  }
0x295: {  	s22 =	simm.s32 @!p2 $0x7A1400;
	s10 =	simm.s32 @!p2 $0x0;
	s1 =	sadd.s32 @!p2 s0, s1  }
0x296: {  	[tilespmem:s10], [sflag:$0x1] =	stream.strided.gather @!p2 [hbm4b:s1+s2], $0x4000, s22, s2, $0x38;
	[tilespmem:$0x11800] =	vst v63  }
0x297: {  	v28 =	vmov v29;
	v29 =	vmov v43;
	p2 =	sgt.u32 s31, $0x7A0  }
.Ltmp5:
0x298: {  	[tilespmem:$0x1FAC0] =	vst v11;
	v57 =	vmov v6;
	v6 =	vld [tilespmem:$0x1FF90];
	(pc) =	sbr.rel @p2 .LBB2_8-.Ltmp5, $4  }
0x299: {  	[tilespmem:$0x1FAD0] =	vst v14;
	v49 =	vmov v29;
	v9 =	vld [tilespmem:$0x1FF00]  }
0x29a: {  	[tilespmem:$0x1FAE0] =	vst v31;
	v29 =	vmovc v10;
	v10 =	vmovc v17;
	v25 =	vmov v19;
	v21 =	vmov v57;
	v17 =	vmov v2;
	v11 =	vld [tilespmem:$0x1FEC0]  }
0x29b: {  	[tilespmem:$0x1FAF0] =	vst v55;
	v33 =	vmovc v13;
	v14 =	vmovc v41;
	v41 =	vmov v27;
	v39 =	vld [tilespmem:$0x1FF30];
	v31 =	vmov v24;
	v20 =	vmov v37  }
0x29c: {  	[tilespmem:$0x1FB00] =	vst v18;
	v24 =	vld [tilespmem:$0x1FFB0];
	v37 =	vmovc v35;
	v47 =	vmovc v5;
	v55 =	vmov v12;
	v51 =	vmov v1;
	v8 =	vmov v14  }
0x29d: {  	s1 =	simm.s32 $0x0  }
0x29e: {  	v1 =	vlaneseq.u32;
	v0 =	vmov s1  }
0x29f: {  	v3 =	vor.u32 s1, v1;
	v0 =	vshll.u32 v0, $0x3  }
0x2a0: {  	v4 =	vand.u32 $0x7F, v3;
	v0 =	vand.u32 $0xC00, v0  }
0x2a1: {  	_ =	swait.ge [sflag:s18], $0x4000;
	v0 =	vor.u32 v0, v4  }
0x2a2: {  	[sflag:s18] =	ssyncset.done $0x0;
	v4 =	vor.u32 v28, v0  }
0x2a3: {  	s1 =	simm.s32 @!p1 $0x4;
	[sflag:s18] =	ssyncadd.s32 $0xFFFFC000  }
0x2a4: {  	_ =	swait.ge @!p1 [sflag:s1], $0x4000  }
0x2a5: {  	v3 =	vshll.u32 v3, $0x5;
	[sflag:s1] =	ssyncset.done @!p1 $0x0  }
0x2a6: {  	v5 =	vmov v28;
	[sflag:s1] =	ssyncadd.s32 @!p1 $0xFFFFC000;
	v28 =	vand.u32 $0x3F80, v3  }
0x2a7: {  	v3 =	vld.idx.msk [tilespmem:v4+s15+$0x0], $0xffff;
	v4 =	vor.u32 v16, v28  }
0x2a8: {  	v7 =	vor.u32 v22, v0;
	_ =	sdelay $0x3  }
0x2a9: {  	[tilespmem:v4+s19+$0x0] =	vst.idx.msk $0xffff, v3  }
0x2aa: {  	v4 =	vor.u32 v26, v28;
	v3 =	vld.idx.msk [tilespmem:v7+s15+$0x0], $0xffff  }
0x2ab: {  	v13 =	vmov v20;
	v20 =	vmov v49;
	v49 =	vld [tilespmem:$0x1FFA0];
	v7 =	vor.u32 v30, v0;
	_ =	sdelay $0x3  }
0x2ac: {  	[tilespmem:v4+s19+$0x0] =	vst.idx.msk $0xffff, v3  }
0x2ad: {  	v4 =	vor.u32 v49, v28;
	v3 =	vld.idx.msk [tilespmem:v7+s15+$0x0], $0xffff  }
0x2ae: {  	v19 =	vmov v29;
	v29 =	vld [tilespmem:$0x1FFD0];
	v7 =	vor.u32 v34, v0;
	_ =	sdelay $0x3  }
0x2af: {  	[tilespmem:v4+s19+$0x0] =	vst.idx.msk $0xffff, v3  }
0x2b0: {  	v4 =	vor.u32 v29, v28;
	v3 =	vld.idx.msk [tilespmem:v7+s15+$0x0], $0xffff  }
0x2b1: {  	v1 =	vmov v51;
	v51 =	vld [tilespmem:$0x1FFC0];
	v7 =	vor.u32 v32, v0;
	_ =	sdelay $0x3  }
0x2b2: {  	[tilespmem:v4+s19+$0x0] =	vst.idx.msk $0xffff, v3  }
0x2b3: {  	v4 =	vor.u32 v51, v28;
	v3 =	vld.idx.msk [tilespmem:v7+s15+$0x0], $0xffff  }
0x2b4: {  	v7 =	vor.u32 v38, v0;
	_ =	sdelay $0x3  }
0x2b5: {  	[tilespmem:v4+s19+$0x0] =	vst.idx.msk $0xffff, v3  }
0x2b6: {  	v4 =	vor.u32 v11, v28;
	v3 =	vld.idx.msk [tilespmem:v7+s15+$0x0], $0xffff  }
0x2b7: {  	v7 =	vor.u32 v40, v0;
	_ =	sdelay $0x3  }
0x2b8: {  	[tilespmem:v4+s19+$0x0] =	vst.idx.msk $0xffff, v3  }
0x2b9: {  	v4 =	vor.u32 v9, v28;
	v3 =	vld.idx.msk [tilespmem:v7+s15+$0x0], $0xffff  }
0x2ba: {  	v7 =	vor.u32 v36, v0;
	_ =	sdelay $0x3  }
0x2bb: {  	[tilespmem:v4+s19+$0x0] =	vst.idx.msk $0xffff, v3  }
0x2bc: {  	v4 =	vor.u32 v39, v28;
	v3 =	vld.idx.msk [tilespmem:v7+s15+$0x0], $0xffff  }
0x2bd: {  	v7 =	vor.u32 v44, v0;
	_ =	sdelay $0x3  }
0x2be: {  	[tilespmem:v4+s19+$0x0] =	vst.idx.msk $0xffff, v3  }
0x2bf: {  	v4 =	vor.u32 v46, v28;
	v3 =	vld.idx.msk [tilespmem:v7+s15+$0x0], $0xffff  }
0x2c0: {  	v7 =	vor.u32 v48, v0;
	_ =	sdelay $0x3  }
0x2c1: {  	[tilespmem:v4+s19+$0x0] =	vst.idx.msk $0xffff, v3  }
0x2c2: {  	v4 =	vor.u32 v50, v28;
	v3 =	vld.idx.msk [tilespmem:v7+s15+$0x0], $0xffff  }
0x2c3: {  	v2 =	vld [tilespmem:$0x1FB20];
	v7 =	vor.u32 v52, v0;
	_ =	sdelay $0x3  }
0x2c4: {  	[tilespmem:v4+s19+$0x0] =	vst.idx.msk $0xffff, v3  }
0x2c5: {  	v4 =	vor.u32 v2, v28;
	v3 =	vld.idx.msk [tilespmem:v7+s15+$0x0], $0xffff  }
0x2c6: {  	v7 =	vor.u32 v54, v0;
	_ =	sdelay $0x3  }
0x2c7: {  	[tilespmem:v4+s19+$0x0] =	vst.idx.msk $0xffff, v3  }
0x2c8: {  	v4 =	vor.u32 v33, v28;
	v3 =	vld.idx.msk [tilespmem:v7+s15+$0x0], $0xffff  }
0x2c9: {  	v7 =	vor.u32 v56, v0;
	_ =	sdelay $0x3  }
0x2ca: {  	[tilespmem:v4+s19+$0x0] =	vst.idx.msk $0xffff, v3  }
0x2cb: {  	v4 =	vor.u32 v55, v28;
	v3 =	vld.idx.msk [tilespmem:v7+s15+$0x0], $0xffff  }
0x2cc: {  	v7 =	vor.u32 v58, v0;
	_ =	sdelay $0x3  }
0x2cd: {  	[tilespmem:v4+s19+$0x0] =	vst.idx.msk $0xffff, v3  }
0x2ce: {  	v4 =	vor.u32 v53, v28;
	v3 =	vld.idx.msk [tilespmem:v7+s15+$0x0], $0xffff  }
0x2cf: {  	v7 =	vor.u32 v59, v0;
	_ =	sdelay $0x3  }
0x2d0: {  	[tilespmem:v4+s19+$0x0] =	vst.idx.msk $0xffff, v3  }
0x2d1: {  	v4 =	vor.u32 v1, v28;
	v3 =	vld.idx.msk [tilespmem:v7+s15+$0x0], $0xffff  }
0x2d2: {  	v7 =	vor.u32 v60, v0;
	_ =	sdelay $0x3  }
0x2d3: {  	[tilespmem:v4+s19+$0x0] =	vst.idx.msk $0xffff, v3  }
0x2d4: {  	v4 =	vor.u32 v41, v28;
	v3 =	vld.idx.msk [tilespmem:v7+s15+$0x0], $0xffff  }
0x2d5: {  	v7 =	vor.u32 v61, v0;
	_ =	sdelay $0x3  }
0x2d6: {  	[tilespmem:v4+s19+$0x0] =	vst.idx.msk $0xffff, v3  }
0x2d7: {  	v4 =	vor.u32 v20, v28;
	v3 =	vld.idx.msk [tilespmem:v7+s15+$0x0], $0xffff  }
0x2d8: {  	v7 =	vor.u32 v62, v0;
	_ =	sdelay $0x3  }
0x2d9: {  	[tilespmem:v4+s19+$0x0] =	vst.idx.msk $0xffff, v3  }
0x2da: {  	v4 =	vor.u32 v21, v28;
	v3 =	vld.idx.msk [tilespmem:v7+s15+$0x0], $0xffff  }
0x2db: {  	v7 =	vor.u32 v63, v0  }
0x2dc: {  	v2 =	vld [tilespmem:$0x1FCC0];
	_ =	sdelay $0x2  }
0x2dd: {  	[tilespmem:v4+s19+$0x0] =	vst.idx.msk $0xffff, v3  }
0x2de: {  	v4 =	vor.u32 v13, v28;
	v3 =	vld.idx.msk [tilespmem:v7+s15+$0x0], $0xffff  }
0x2df: {  	v7 =	vor.u32 v2, v0  }
0x2e0: {  	v2 =	vld [tilespmem:$0x1FCE0];
	_ =	sdelay $0x2  }
0x2e1: {  	[tilespmem:v4+s19+$0x0] =	vst.idx.msk $0xffff, v3  }
0x2e2: {  	v4 =	vor.u32 v19, v28;
	v3 =	vld.idx.msk [tilespmem:v7+s15+$0x0], $0xffff  }
0x2e3: {  	v7 =	vor.u32 v2, v0;
	_ =	sdelay $0x3  }
0x2e4: {  	[tilespmem:v4+s19+$0x0] =	vst.idx.msk $0xffff, v3  }
0x2e5: {  	v3 =	vld.idx.msk [tilespmem:v7+s15+$0x0], $0xffff  }
0x2e6: {  	v7 =	vld [tilespmem:$0x1FCF0];
	_ =	sdelay $0x3  }
0x2e7: {  	v4 =	vor.u32 v47, v28  }
0x2e8: {  	v7 =	vor.u32 v7, v0  }
0x2e9: {  	v6 =	vld [tilespmem:$0x1FD00];
	_ =	sdelay $0x2  }
0x2ea: {  	[tilespmem:v4+s19+$0x0] =	vst.idx.msk $0xffff, v3  }
0x2eb: {  	v4 =	vor.u32 v25, v28;
	v3 =	vld.idx.msk [tilespmem:v7+s15+$0x0], $0xffff  }
0x2ec: {  	v7 =	vor.u32 v6, v0;
	_ =	sdelay $0x3  }
0x2ed: {  	[tilespmem:v4+s19+$0x0] =	vst.idx.msk $0xffff, v3  }
0x2ee: {  	v3 =	vld.idx.msk [tilespmem:v7+s15+$0x0], $0xffff  }
0x2ef: {  	v7 =	vld [tilespmem:$0x1FD10];
	_ =	sdelay $0x3  }
0x2f0: {  	v4 =	vor.u32 v10, v28  }
0x2f1: {  	v35 =	vmov v55;
	v55 =	vld [tilespmem:$0x1FAC0];
	v7 =	vor.u32 v7, v0  }
0x2f2: {  	v57 =	vmov v21;
	v21 =	vmov v10;
	v10 =	vld [tilespmem:$0x1FD20];
	_ =	sdelay $0x2  }
0x2f3: {  	[tilespmem:v4+s19+$0x0] =	vst.idx.msk $0xffff, v3  }
0x2f4: {  	v4 =	vor.u32 v55, v28;
	v3 =	vld.idx.msk [tilespmem:v7+s15+$0x0], $0xffff  }
0x2f5: {  	v14 =	vmov v33;
	v33 =	vld [tilespmem:$0x1FAD0];
	v7 =	vor.u32 v10, v0;
	_ =	sdelay $0x3  }
0x2f6: {  	[tilespmem:v4+s19+$0x0] =	vst.idx.msk $0xffff, v3  }
0x2f7: {  	v4 =	vor.u32 v33, v28;
	v3 =	vld.idx.msk [tilespmem:v7+s15+$0x0], $0xffff  }
0x2f8: {  	v7 =	vor.u32 v31, v0  }
0x2f9: {  	v27 =	vmov v13;
	v13 =	vmov v19;
	v19 =	vld [tilespmem:$0x1FD30];
	_ =	sdelay $0x2  }
0x2fa: {  	[tilespmem:v4+s19+$0x0] =	vst.idx.msk $0xffff, v3  }
0x2fb: {  	v4 =	vor.u32 v8, v28;
	v3 =	vld.idx.msk [tilespmem:v7+s15+$0x0], $0xffff  }
0x2fc: {  	v7 =	vor.u32 v19, v0;
	_ =	sdelay $0x3  }
0x2fd: {  	v12 =	vld [tilespmem:$0x1FAE0];
	[tilespmem:v4+s19+$0x0] =	vst.idx.msk $0xffff, v3  }
0x2fe: {  	v3 =	vld.idx.msk [tilespmem:v7+s15+$0x0], $0xffff  }
0x2ff: {  	v7 =	vld [tilespmem:$0x1FD40];
	_ =	sdelay $0x3  }
0x300: {  	v4 =	vor.u32 v12, v28  }
0x301: {  	v7 =	vor.u32 v7, v0;
	_ =	sdelay $0x3  }
0x302: {  	[tilespmem:v4+s19+$0x0] =	vst.idx.msk $0xffff, v3  }
0x303: {  	v43 =	vmov v15;
	v4 =	vor.u32 v37, v28;
	v3 =	vld.idx.msk [tilespmem:v7+s15+$0x0], $0xffff  }
0x304: {  	v7 =	vor.u32 v43, v0  }
0x305: {  	v45 =	vmov v31;
	v31 =	vmov v41;
	v41 =	vld [tilespmem:$0x1FD50];
	_ =	sdelay $0x2  }
0x306: {  	[tilespmem:v4+s19+$0x0] =	vst.idx.msk $0xffff, v3  }
0x307: {  	v4 =	vor.u32 v17, v28;
	v3 =	vld.idx.msk [tilespmem:v7+s15+$0x0], $0xffff  }
0x308: {  	v7 =	vor.u32 v41, v0;
	_ =	sdelay $0x3  }
0x309: {  	v18 =	vld [tilespmem:$0x1FAF0];
	[tilespmem:v4+s19+$0x0] =	vst.idx.msk $0xffff, v3  }
0x30a: {  	v3 =	vld.idx.msk [tilespmem:v7+s15+$0x0], $0xffff  }
0x30b: {  	v7 =	vld [tilespmem:$0x1FD60];
	_ =	sdelay $0x3  }
0x30c: {  	v4 =	vor.u32 v18, v28  }
0x30d: {  	v7 =	vor.u32 v7, v0;
	_ =	sdelay $0x3  }
0x30e: {  	v24 =	vmov v1;
	v1 =	vmov v20;
	v20 =	vld [tilespmem:$0x1FB00];
	[tilespmem:v4+s19+$0x0] =	vst.idx.msk $0xffff, v3  }
0x30f: {  	v3 =	vld.idx.msk [tilespmem:v7+s15+$0x0], $0xffff  }
0x310: {  	v7 =	vld [tilespmem:$0x1FD70];
	_ =	sdelay $0x3  }
0x311: {  	v23 =	vmov v53;
	s2 =	simm.s32 $0x10  }
0x312: {  	v15 =	vmovc v8;
	s1 =	simm.s32 $0x20;
	v53 =	vmovc v37;
	v8 =	vmov s2;
	v37 =	vld [tilespmem:$0x1FB10];
	v4 =	vor.u32 v20, v28;
	v0 =	vor.u32 v7, v0  }
.LBB2_6:
0x313: {  	_ =	sdelay $0x1  }
0x314: {  	v7 =	vlaneseq.u32  }
0x315: {  	v8 =	vshll.u32 v8, $0x3;
	v7 =	vor.u32 s2, v7  }
0x316: {  	[tilespmem:v4+s19+$0x0] =	vst.idx.msk $0xffff, v3;
	v4 =	vand.u32 $0xC00, v8;
	v3 =	vand.u32 $0x7F, v7  }
0x317: {  	v8 =	vld.idx.msk [tilespmem:v0+s15+$0x0], $0xffff;
	v0 =	vor.u32 v4, v3;
	v3 =	vor.u32 v37, v28  }
0x318: {  	v4 =	vor.u32 v5, v0;
	_ =	sdelay $0x2  }
0x319: {  	v7 =	vshll.u32 v7, $0x5  }
0x31a: {  	v28 =	vand.u32 $0x3F80, v7;
	[tilespmem:v3+s19+$0x0] =	vst.idx.msk $0xffff, v8  }
0x31b: {  	v3 =	vld.idx.msk [tilespmem:v4+s15+$0x0], $0xffff;
	v4 =	vor.u32 v16, v28  }
0x31c: {  	v7 =	vor.u32 v22, v0;
	_ =	sdelay $0x3  }
0x31d: {  	[tilespmem:v4+s19+$0x0] =	vst.idx.msk $0xffff, v3  }
0x31e: {  	v4 =	vor.u32 v26, v28;
	v3 =	vld.idx.msk [tilespmem:v7+s15+$0x0], $0xffff  }
0x31f: {  	v7 =	vor.u32 v30, v0;
	_ =	sdelay $0x3  }
0x320: {  	[tilespmem:v4+s19+$0x0] =	vst.idx.msk $0xffff, v3  }
0x321: {  	v4 =	vor.u32 v49, v28;
	v3 =	vld.idx.msk [tilespmem:v7+s15+$0x0], $0xffff  }
0x322: {  	v7 =	vor.u32 v34, v0;
	_ =	sdelay $0x3  }
0x323: {  	[tilespmem:v4+s19+$0x0] =	vst.idx.msk $0xffff, v3  }
0x324: {  	v4 =	vor.u32 v29, v28;
	v3 =	vld.idx.msk [tilespmem:v7+s15+$0x0], $0xffff  }
0x325: {  	v7 =	vor.u32 v32, v0;
	_ =	sdelay $0x3  }
0x326: {  	[tilespmem:v4+s19+$0x0] =	vst.idx.msk $0xffff, v3  }
0x327: {  	v4 =	vor.u32 v51, v28;
	v3 =	vld.idx.msk [tilespmem:v7+s15+$0x0], $0xffff  }
0x328: {  	v7 =	vor.u32 v38, v0;
	_ =	sdelay $0x3  }
0x329: {  	[tilespmem:v4+s19+$0x0] =	vst.idx.msk $0xffff, v3  }
0x32a: {  	v4 =	vor.u32 v11, v28;
	v3 =	vld.idx.msk [tilespmem:v7+s15+$0x0], $0xffff  }
0x32b: {  	v7 =	vor.u32 v40, v0;
	_ =	sdelay $0x3  }
0x32c: {  	[tilespmem:v4+s19+$0x0] =	vst.idx.msk $0xffff, v3  }
0x32d: {  	v4 =	vor.u32 v9, v28;
	v3 =	vld.idx.msk [tilespmem:v7+s15+$0x0], $0xffff  }
0x32e: {  	v7 =	vor.u32 v36, v0;
	_ =	sdelay $0x3  }
0x32f: {  	[tilespmem:v4+s19+$0x0] =	vst.idx.msk $0xffff, v3  }
0x330: {  	v4 =	vor.u32 v39, v28;
	v3 =	vld.idx.msk [tilespmem:v7+s15+$0x0], $0xffff  }
0x331: {  	v7 =	vor.u32 v44, v0;
	_ =	sdelay $0x3  }
0x332: {  	[tilespmem:v4+s19+$0x0] =	vst.idx.msk $0xffff, v3  }
0x333: {  	v4 =	vor.u32 v46, v28;
	v3 =	vld.idx.msk [tilespmem:v7+s15+$0x0], $0xffff  }
0x334: {  	v7 =	vor.u32 v48, v0;
	_ =	sdelay $0x3  }
0x335: {  	[tilespmem:v4+s19+$0x0] =	vst.idx.msk $0xffff, v3  }
0x336: {  	v4 =	vor.u32 v50, v28;
	v3 =	vld.idx.msk [tilespmem:v7+s15+$0x0], $0xffff;
	_ =	sdelay $0x4  }
0x337: {  	v7 =	vor.u32 v52, v0;
	[tilespmem:v4+s19+$0x0] =	vst.idx.msk $0xffff, v3;
	v4 =	vld [tilespmem:$0x1FB20];
	_ =	sdelay $0x4  }
0x338: {  	v3 =	vld.idx.msk [tilespmem:v7+s15+$0x0], $0xffff;
	v4 =	vor.u32 v4, v28  }
0x339: {  	v7 =	vor.u32 v54, v0;
	_ =	sdelay $0x3  }
0x33a: {  	[tilespmem:v4+s19+$0x0] =	vst.idx.msk $0xffff, v3  }
0x33b: {  	v4 =	vor.u32 v14, v28;
	v3 =	vld.idx.msk [tilespmem:v7+s15+$0x0], $0xffff  }
0x33c: {  	v7 =	vor.u32 v56, v0;
	_ =	sdelay $0x3  }
0x33d: {  	[tilespmem:v4+s19+$0x0] =	vst.idx.msk $0xffff, v3  }
0x33e: {  	v4 =	vor.u32 v35, v28;
	v3 =	vld.idx.msk [tilespmem:v7+s15+$0x0], $0xffff  }
0x33f: {  	v7 =	vor.u32 v58, v0;
	_ =	sdelay $0x3  }
0x340: {  	[tilespmem:v4+s19+$0x0] =	vst.idx.msk $0xffff, v3  }
0x341: {  	v4 =	vor.u32 v23, v28;
	v3 =	vld.idx.msk [tilespmem:v7+s15+$0x0], $0xffff  }
0x342: {  	v7 =	vor.u32 v59, v0;
	_ =	sdelay $0x3  }
0x343: {  	[tilespmem:v4+s19+$0x0] =	vst.idx.msk $0xffff, v3  }
0x344: {  	v4 =	vor.u32 v24, v28;
	v3 =	vld.idx.msk [tilespmem:v7+s15+$0x0], $0xffff  }
0x345: {  	v7 =	vor.u32 v60, v0;
	_ =	sdelay $0x3  }
0x346: {  	[tilespmem:v4+s19+$0x0] =	vst.idx.msk $0xffff, v3  }
0x347: {  	v4 =	vor.u32 v31, v28;
	v3 =	vld.idx.msk [tilespmem:v7+s15+$0x0], $0xffff  }
0x348: {  	v7 =	vor.u32 v61, v0;
	_ =	sdelay $0x3  }
0x349: {  	[tilespmem:v4+s19+$0x0] =	vst.idx.msk $0xffff, v3  }
0x34a: {  	v4 =	vor.u32 v1, v28;
	v3 =	vld.idx.msk [tilespmem:v7+s15+$0x0], $0xffff  }
0x34b: {  	v7 =	vor.u32 v62, v0;
	_ =	sdelay $0x3  }
0x34c: {  	[tilespmem:v4+s19+$0x0] =	vst.idx.msk $0xffff, v3  }
0x34d: {  	v4 =	vor.u32 v57, v28;
	v3 =	vld.idx.msk [tilespmem:v7+s15+$0x0], $0xffff  }
0x34e: {  	v7 =	vor.u32 v63, v0;
	_ =	sdelay $0x3  }
0x34f: {  	[tilespmem:v4+s19+$0x0] =	vst.idx.msk $0xffff, v3  }
0x350: {  	v3 =	vld.idx.msk [tilespmem:v7+s15+$0x0], $0xffff  }
0x351: {  	v7 =	vld [tilespmem:$0x1FCC0];
	_ =	sdelay $0x3  }
0x352: {  	v4 =	vor.u32 v27, v28  }
0x353: {  	v7 =	vor.u32 v7, v0;
	_ =	sdelay $0x3  }
0x354: {  	[tilespmem:v4+s19+$0x0] =	vst.idx.msk $0xffff, v3  }
0x355: {  	v4 =	vor.u32 v13, v28;
	v3 =	vld.idx.msk [tilespmem:v7+s15+$0x0], $0xffff  }
0x356: {  	v7 =	vor.u32 v2, v0;
	_ =	sdelay $0x3  }
0x357: {  	[tilespmem:v4+s19+$0x0] =	vst.idx.msk $0xffff, v3  }
0x358: {  	v3 =	vld.idx.msk [tilespmem:v7+s15+$0x0], $0xffff  }
0x359: {  	v7 =	vld [tilespmem:$0x1FCF0];
	_ =	sdelay $0x3  }
0x35a: {  	v4 =	vor.u32 v47, v28  }
0x35b: {  	v7 =	vor.u32 v7, v0;
	_ =	sdelay $0x3  }
0x35c: {  	[tilespmem:v4+s19+$0x0] =	vst.idx.msk $0xffff, v3  }
0x35d: {  	v4 =	vor.u32 v25, v28;
	v3 =	vld.idx.msk [tilespmem:v7+s15+$0x0], $0xffff  }
0x35e: {  	v7 =	vor.u32 v6, v0;
	_ =	sdelay $0x3  }
0x35f: {  	[tilespmem:v4+s19+$0x0] =	vst.idx.msk $0xffff, v3  }
0x360: {  	v3 =	vld.idx.msk [tilespmem:v7+s15+$0x0], $0xffff  }
0x361: {  	v7 =	vld [tilespmem:$0x1FD10];
	_ =	sdelay $0x3  }
0x362: {  	v4 =	vor.u32 v21, v28  }
0x363: {  	v7 =	vor.u32 v7, v0;
	_ =	sdelay $0x3  }
0x364: {  	[tilespmem:v4+s19+$0x0] =	vst.idx.msk $0xffff, v3  }
0x365: {  	v4 =	vor.u32 v55, v28;
	v3 =	vld.idx.msk [tilespmem:v7+s15+$0x0], $0xffff  }
0x366: {  	v7 =	vor.u32 v10, v0;
	_ =	sdelay $0x3  }
0x367: {  	[tilespmem:v4+s19+$0x0] =	vst.idx.msk $0xffff, v3  }
0x368: {  	v4 =	vor.u32 v33, v28;
	v3 =	vld.idx.msk [tilespmem:v7+s15+$0x0], $0xffff  }
0x369: {  	v7 =	vor.u32 v45, v0;
	_ =	sdelay $0x3  }
0x36a: {  	[tilespmem:v4+s19+$0x0] =	vst.idx.msk $0xffff, v3  }
0x36b: {  	v4 =	vor.u32 v15, v28;
	v3 =	vld.idx.msk [tilespmem:v7+s15+$0x0], $0xffff  }
0x36c: {  	v7 =	vor.u32 v19, v0;
	_ =	sdelay $0x3  }
0x36d: {  	[tilespmem:v4+s19+$0x0] =	vst.idx.msk $0xffff, v3  }
0x36e: {  	v3 =	vld.idx.msk [tilespmem:v7+s15+$0x0], $0xffff  }
0x36f: {  	v7 =	vld [tilespmem:$0x1FD40];
	_ =	sdelay $0x3  }
0x370: {  	v4 =	vor.u32 v12, v28  }
0x371: {  	v7 =	vor.u32 v7, v0;
	_ =	sdelay $0x3  }
0x372: {  	[tilespmem:v4+s19+$0x0] =	vst.idx.msk $0xffff, v3  }
0x373: {  	v4 =	vor.u32 v53, v28;
	v3 =	vld.idx.msk [tilespmem:v7+s15+$0x0], $0xffff  }
0x374: {  	v7 =	vor.u32 v43, v0;
	_ =	sdelay $0x3  }
0x375: {  	[tilespmem:v4+s19+$0x0] =	vst.idx.msk $0xffff, v3  }
0x376: {  	v4 =	vor.u32 v17, v28;
	v3 =	vld.idx.msk [tilespmem:v7+s15+$0x0], $0xffff  }
0x377: {  	v7 =	vor.u32 v41, v0;
	_ =	sdelay $0x3  }
0x378: {  	[tilespmem:v4+s19+$0x0] =	vst.idx.msk $0xffff, v3  }
0x379: {  	v3 =	vld.idx.msk [tilespmem:v7+s15+$0x0], $0xffff  }
0x37a: {  	v7 =	vld [tilespmem:$0x1FD60];
	_ =	sdelay $0x3  }
0x37b: {  	v4 =	vor.u32 v18, v28  }
0x37c: {  	v7 =	vor.u32 v7, v0;
	_ =	sdelay $0x3  }
0x37d: {  	[tilespmem:v4+s19+$0x0] =	vst.idx.msk $0xffff, v3  }
0x37e: {  	v3 =	vld.idx.msk [tilespmem:v7+s15+$0x0], $0xffff  }
0x37f: {  	p1 =	sne.s32 s1, $0x1F0;
	v7 =	vld [tilespmem:$0x1FD70]  }
.Ltmp6:
0x380: {  	_ = 	snop;
	(pc) =	sbr.rel @p1 .LBB2_6-.Ltmp6, $3  }
0x381: {  	_ =	sdelay $0x1  }
0x382: {  	s2 =	smov.u32 s1  }
0x383: {  	s1 =	sadd.s32 $0x10, s1;
	v8 =	vmov s2;
	v4 =	vor.u32 v20, v28;
	v0 =	vor.u32 v7, v0  }
0x384: {  	_ =	sdelay $0x1  }
0x385: {  	v7 =	vlaneseq.u32  }
0x386: {  	v8 =	vshll.u32 v8, $0x3;
	v7 =	vor.u32 s2, v7  }
0x387: {  	[tilespmem:v4+s19+$0x0] =	vst.idx.msk $0xffff, v3;
	v4 =	vand.u32 $0xC00, v8;
	v3 =	vand.u32 $0x7F, v7  }
0x388: {  	v0 =	vld.idx.msk [tilespmem:v0+s15+$0x0], $0xffff;
	v3 =	vor.u32 v4, v3;
	v4 =	vor.u32 v37, v28  }
0x389: {  	v8 =	vor.u32 v5, v3;
	_ =	sdelay $0x2  }
0x38a: {  	v7 =	vshll.u32 v7, $0x5  }
0x38b: {  	[tilespmem:v4+s19+$0x0] =	vst.idx.msk $0xffff, v0;
	v0 =	vand.u32 $0x3F80, v7  }
0x38c: {  	v4 =	vld.idx.msk [tilespmem:v8+s15+$0x0], $0xffff;
	v7 =	vor.u32 v16, v0  }
0x38d: {  	v8 =	vor.u32 v22, v3;
	_ =	sdelay $0x3  }
0x38e: {  	[tilespmem:v7+s19+$0x0] =	vst.idx.msk $0xffff, v4  }
0x38f: {  	v7 =	vor.u32 v26, v0;
	v4 =	vld.idx.msk [tilespmem:v8+s15+$0x0], $0xffff  }
0x390: {  	v8 =	vor.u32 v30, v3;
	_ =	sdelay $0x3  }
0x391: {  	[tilespmem:v7+s19+$0x0] =	vst.idx.msk $0xffff, v4  }
0x392: {  	v7 =	vor.u32 v49, v0;
	v4 =	vld.idx.msk [tilespmem:v8+s15+$0x0], $0xffff  }
0x393: {  	v8 =	vor.u32 v34, v3;
	_ =	sdelay $0x3  }
0x394: {  	[tilespmem:v7+s19+$0x0] =	vst.idx.msk $0xffff, v4  }
0x395: {  	v7 =	vor.u32 v29, v0;
	v4 =	vld.idx.msk [tilespmem:v8+s15+$0x0], $0xffff  }
0x396: {  	v8 =	vor.u32 v32, v3;
	_ =	sdelay $0x3  }
0x397: {  	[tilespmem:v7+s19+$0x0] =	vst.idx.msk $0xffff, v4  }
0x398: {  	v7 =	vor.u32 v51, v0;
	v4 =	vld.idx.msk [tilespmem:v8+s15+$0x0], $0xffff  }
0x399: {  	v8 =	vor.u32 v38, v3;
	_ =	sdelay $0x3  }
0x39a: {  	[tilespmem:v7+s19+$0x0] =	vst.idx.msk $0xffff, v4  }
0x39b: {  	v7 =	vor.u32 v11, v0;
	v4 =	vld.idx.msk [tilespmem:v8+s15+$0x0], $0xffff  }
0x39c: {  	v8 =	vor.u32 v40, v3;
	_ =	sdelay $0x3  }
0x39d: {  	[tilespmem:v7+s19+$0x0] =	vst.idx.msk $0xffff, v4  }
0x39e: {  	v7 =	vor.u32 v9, v0;
	v4 =	vld.idx.msk [tilespmem:v8+s15+$0x0], $0xffff  }
0x39f: {  	v8 =	vor.u32 v36, v3;
	_ =	sdelay $0x3  }
0x3a0: {  	[tilespmem:v7+s19+$0x0] =	vst.idx.msk $0xffff, v4  }
0x3a1: {  	v7 =	vor.u32 v39, v0;
	v4 =	vld.idx.msk [tilespmem:v8+s15+$0x0], $0xffff  }
0x3a2: {  	v8 =	vor.u32 v44, v3;
	_ =	sdelay $0x3  }
0x3a3: {  	[tilespmem:v7+s19+$0x0] =	vst.idx.msk $0xffff, v4  }
0x3a4: {  	v7 =	vor.u32 v46, v0;
	v4 =	vld.idx.msk [tilespmem:v8+s15+$0x0], $0xffff  }
0x3a5: {  	v8 =	vor.u32 v48, v3;
	_ =	sdelay $0x3  }
0x3a6: {  	[tilespmem:v7+s19+$0x0] =	vst.idx.msk $0xffff, v4  }
0x3a7: {  	v7 =	vor.u32 v50, v0;
	v4 =	vld.idx.msk [tilespmem:v8+s15+$0x0], $0xffff;
	_ =	sdelay $0x4  }
0x3a8: {  	v8 =	vor.u32 v52, v3;
	[tilespmem:v7+s19+$0x0] =	vst.idx.msk $0xffff, v4;
	v7 =	vld [tilespmem:$0x1FB20];
	_ =	sdelay $0x4  }
0x3a9: {  	v4 =	vld.idx.msk [tilespmem:v8+s15+$0x0], $0xffff;
	v7 =	vor.u32 v7, v0  }
0x3aa: {  	v8 =	vor.u32 v54, v3;
	_ =	sdelay $0x3  }
0x3ab: {  	[tilespmem:v7+s19+$0x0] =	vst.idx.msk $0xffff, v4  }
0x3ac: {  	v7 =	vor.u32 v14, v0;
	v4 =	vld.idx.msk [tilespmem:v8+s15+$0x0], $0xffff  }
0x3ad: {  	v8 =	vor.u32 v56, v3;
	_ =	sdelay $0x3  }
0x3ae: {  	[tilespmem:v7+s19+$0x0] =	vst.idx.msk $0xffff, v4  }
0x3af: {  	v7 =	vor.u32 v35, v0;
	v4 =	vld.idx.msk [tilespmem:v8+s15+$0x0], $0xffff  }
0x3b0: {  	v8 =	vor.u32 v58, v3;
	_ =	sdelay $0x3  }
0x3b1: {  	[tilespmem:v7+s19+$0x0] =	vst.idx.msk $0xffff, v4  }
0x3b2: {  	v7 =	vor.u32 v23, v0;
	v4 =	vld.idx.msk [tilespmem:v8+s15+$0x0], $0xffff  }
0x3b3: {  	v8 =	vor.u32 v59, v3;
	_ =	sdelay $0x3  }
0x3b4: {  	[tilespmem:v7+s19+$0x0] =	vst.idx.msk $0xffff, v4  }
0x3b5: {  	v7 =	vor.u32 v24, v0;
	v4 =	vld.idx.msk [tilespmem:v8+s15+$0x0], $0xffff  }
0x3b6: {  	v8 =	vor.u32 v60, v3;
	_ =	sdelay $0x3  }
0x3b7: {  	[tilespmem:v7+s19+$0x0] =	vst.idx.msk $0xffff, v4  }
0x3b8: {  	v7 =	vor.u32 v31, v0;
	v4 =	vld.idx.msk [tilespmem:v8+s15+$0x0], $0xffff  }
0x3b9: {  	v8 =	vor.u32 v61, v3;
	_ =	sdelay $0x3  }
0x3ba: {  	[tilespmem:v7+s19+$0x0] =	vst.idx.msk $0xffff, v4  }
0x3bb: {  	v7 =	vor.u32 v1, v0;
	v4 =	vld.idx.msk [tilespmem:v8+s15+$0x0], $0xffff  }
0x3bc: {  	v8 =	vor.u32 v62, v3;
	_ =	sdelay $0x3  }
0x3bd: {  	[tilespmem:v7+s19+$0x0] =	vst.idx.msk $0xffff, v4  }
0x3be: {  	v7 =	vor.u32 v57, v0;
	v4 =	vld.idx.msk [tilespmem:v8+s15+$0x0], $0xffff  }
0x3bf: {  	v8 =	vor.u32 v63, v3  }
0x3c0: {  	v39 =	vld [tilespmem:$0x1FCC0];
	_ =	sdelay $0x2  }
0x3c1: {  	[tilespmem:v7+s19+$0x0] =	vst.idx.msk $0xffff, v4  }
0x3c2: {  	v7 =	vor.u32 v27, v0;
	v4 =	vld.idx.msk [tilespmem:v8+s15+$0x0], $0xffff  }
0x3c3: {  	v8 =	vor.u32 v39, v3;
	_ =	sdelay $0x3  }
0x3c4: {  	[tilespmem:v7+s19+$0x0] =	vst.idx.msk $0xffff, v4  }
0x3c5: {  	v7 =	vor.u32 v13, v0;
	v4 =	vld.idx.msk [tilespmem:v8+s15+$0x0], $0xffff  }
0x3c6: {  	v8 =	vor.u32 v2, v3  }
0x3c7: {  	v39 =	vld [tilespmem:$0x1FCF0];
	_ =	sdelay $0x2  }
0x3c8: {  	[tilespmem:v7+s19+$0x0] =	vst.idx.msk $0xffff, v4  }
0x3c9: {  	v7 =	vor.u32 v47, v0;
	v4 =	vld.idx.msk [tilespmem:v8+s15+$0x0], $0xffff  }
0x3ca: {  	v8 =	vor.u32 v39, v3;
	_ =	sdelay $0x3  }
0x3cb: {  	[tilespmem:v7+s19+$0x0] =	vst.idx.msk $0xffff, v4  }
0x3cc: {  	v7 =	vor.u32 v25, v0;
	v4 =	vld.idx.msk [tilespmem:v8+s15+$0x0], $0xffff  }
0x3cd: {  	v8 =	vor.u32 v6, v3  }
0x3ce: {  	v39 =	vld [tilespmem:$0x1FD10];
	_ =	sdelay $0x2  }
0x3cf: {  	[tilespmem:v7+s19+$0x0] =	vst.idx.msk $0xffff, v4  }
0x3d0: {  	v7 =	vor.u32 v21, v0;
	v4 =	vld.idx.msk [tilespmem:v8+s15+$0x0], $0xffff  }
0x3d1: {  	v8 =	vor.u32 v39, v3;
	_ =	sdelay $0x3  }
0x3d2: {  	[tilespmem:v7+s19+$0x0] =	vst.idx.msk $0xffff, v4  }
0x3d3: {  	v7 =	vor.u32 v55, v0;
	v4 =	vld.idx.msk [tilespmem:v8+s15+$0x0], $0xffff  }
0x3d4: {  	v8 =	vor.u32 v10, v3;
	_ =	sdelay $0x3  }
0x3d5: {  	[tilespmem:v7+s19+$0x0] =	vst.idx.msk $0xffff, v4  }
0x3d6: {  	v7 =	vor.u32 v33, v0;
	v4 =	vld.idx.msk [tilespmem:v8+s15+$0x0], $0xffff  }
0x3d7: {  	v8 =	vor.u32 v45, v3;
	_ =	sdelay $0x3  }
0x3d8: {  	[tilespmem:v7+s19+$0x0] =	vst.idx.msk $0xffff, v4  }
0x3d9: {  	v7 =	vor.u32 v15, v0;
	v4 =	vld.idx.msk [tilespmem:v8+s15+$0x0], $0xffff  }
0x3da: {  	v8 =	vor.u32 v19, v3  }
0x3db: {  	v39 =	vld [tilespmem:$0x1FD40];
	_ =	sdelay $0x2  }
0x3dc: {  	[tilespmem:v7+s19+$0x0] =	vst.idx.msk $0xffff, v4  }
0x3dd: {  	v7 =	vor.u32 v12, v0;
	v4 =	vld.idx.msk [tilespmem:v8+s15+$0x0], $0xffff  }
0x3de: {  	v8 =	vor.u32 v39, v3;
	_ =	sdelay $0x3  }
0x3df: {  	[tilespmem:v7+s19+$0x0] =	vst.idx.msk $0xffff, v4  }
0x3e0: {  	v7 =	vor.u32 v53, v0;
	v4 =	vld.idx.msk [tilespmem:v8+s15+$0x0], $0xffff  }
0x3e1: {  	v8 =	vor.u32 v43, v3;
	_ =	sdelay $0x3  }
0x3e2: {  	[tilespmem:v7+s19+$0x0] =	vst.idx.msk $0xffff, v4  }
0x3e3: {  	v7 =	vor.u32 v17, v0;
	v4 =	vld.idx.msk [tilespmem:v8+s15+$0x0], $0xffff  }
0x3e4: {  	v8 =	vor.u32 v41, v3  }
0x3e5: {  	v41 =	vld [tilespmem:$0x1FD60];
	_ =	sdelay $0x2  }
0x3e6: {  	[tilespmem:v7+s19+$0x0] =	vst.idx.msk $0xffff, v4  }
0x3e7: {  	v7 =	vor.u32 v18, v0;
	v4 =	vld.idx.msk [tilespmem:v8+s15+$0x0], $0xffff  }
0x3e8: {  	v8 =	vor.u32 v41, v3  }
0x3e9: {  	v55 =	vld [tilespmem:$0x1FD70];
	_ =	sdelay $0x2  }
0x3ea: {  	[tilespmem:v7+s19+$0x0] =	vst.idx.msk $0xffff, v4  }
0x3eb: {  	v7 =	vor.u32 v20, v0;
	v4 =	vld.idx.msk [tilespmem:v8+s15+$0x0], $0xffff  }
0x3ec: {  	v3 =	vor.u32 v55, v3;
	_ =	sdelay $0x3  }
0x3ed: {  	[tilespmem:v7+s19+$0x0] =	vst.idx.msk $0xffff, v4  }
0x3ee: {  	v0 =	vor.u32 v37, v0;
	v3 =	vld.idx.msk [tilespmem:v3+s15+$0x0], $0xffff;
	_ =	sdelay $0x3  }
0x3ef: {  	s1 =	sshll.u32 s31, $0xB  }
0x3f0: {  	s1 =	sadd.s32 s3, s1;
	[tilespmem:v0+s19+$0x0] =	vst.idx.msk $0xffff, v3  }
0x3f1: {  	[hbm4b:s1+s5] =	stream.linear.scatter [tilespmem:s19], [sflag:$0x4], $0x4000, $0x38;
	[tilespmem:$0x11800] =	vst v63  }
.Ltmp7:
0x3f2: {  	s1 =	sadd.s32 s9, s30;
	(pc) =	sbr.rel .LBB2_8-.Ltmp7, $4  }
0x3f3: {  	p1 =	sgt.u32 s1, $0x7A0  }
0x3f4: {  	v28 =	vmovc v5;
	v49 =	vmovc v1;
	v29 =	vmov v13;
	v51 =	vmov v24;
	v10 =	vmov v21;
	s1 =	sshll.u32 @!p1 s1, $0x9;
	s2 =	simm.s32 @!p1 $0x1000  }
0x3f5: {  	v24 =	vld [tilespmem:$0x1FFB0];
	v21 =	vmovc v57;
	v33 =	vmovc v14;
	v41 =	vmov v31;
	v31 =	vmov v45;
	v55 =	vmov v35;
	s10 =	simm.s32 @!p1 $0x7A1400;
	s22 =	simm.s32 @!p1 $0x4000;
	s1 =	sadd.s32 @!p1 s0, s1  }
0x3f6: {  	v6 =	vld [tilespmem:$0x1FF90];
	v37 =	vmovc v53;
	v20 =	vmovc v27;
	v53 =	vmov v23;
	v8 =	vmov v15;
	v15 =	vmov v43;
	[tilespmem:s22], [sflag:$0x2] =	stream.strided.gather @!p1 [hbm4b:s1+s2], $0x4000, s10, s2, $0x38  }
.LBB2_9:
0x3f7: {  	_ =	swait.ge [sflag:s20], $0x4000  }
.Ltmp8:
0x3f8: {  	[sflag:s20] =	ssyncset.done $0x0;
	(pc) =	sbr.rel @p0 .LBB2_13-.Ltmp8, $4  }
0x3f9: {  	[sflag:s20] =	ssyncadd.s32 $0xFFFFC000  }
0x3fa: {  	_ =	swait.ge [sflag:s21], $0x4000  }
0x3fb: {  	[sflag:s21] =	ssyncset.done $0x0;
	v18 =	vld [tilespmem:$0x1FF40]  }
0x3fc: {  	v19 =	vld [tilespmem:$0x1FF50];
	[sflag:s21] =	ssyncadd.s32 $0xFFFFC000  }
0x3fd: {  	v1 =	vlaneseq.u32  }
0x3fe: {  	v5 =	vmul.u32 $0x81, v1  }
0x3ff: {  	s1 =	simm.s32 $0x0  }
0x400: {  	s2 =	rddreg [dreg:$0x3];
	s10 =	simm.s32 $0x400;
	v0 =	vor.u32 s1, v5  }
0x401: {  	[tilespmem:s23], [sflag:$0x5] =	stream.strided.gather [hbm4b:s2+s10], $0x1000, s14, s10, $0x38;
	v3 =	vmov s1;
	v1 =	vmul.u32 $0x20, v1;
	[tilespmem:$0x11800] =	vst v63  }
0x402: {  	_ =	swait.ge [sflag:s24], $0x1000;
	v3 =	vshll.u32 v3, $0x5  }
0x403: {  	[sflag:s24] =	ssyncset.done $0x0;
	v3 =	vor.u32 v1, v3  }
0x404: {  	[sflag:s24] =	ssyncadd.s32 $0xFFFFF000;
	v28 =	vand.u32 $0x780, v3  }
0x405: {  	[tilespmem:$0x1F9A0] =	vst v1;
	v1 =	vadd.s32 $0x80, v5;
	v3 =	vor.u32 v16, v28;
	v0 =	vld.idx.msk [tilespmem:v0+s23+$0x0], $0xffff  }
0x406: {  	v4 =	vor.u32 s1, v1;
	_ =	sdelay $0x3  }
0x407: {  	[tilespmem:v3+s25+$0x0] =	vst.idx.msk $0xffff, v0  }
0x408: {  	[tilespmem:$0x1F9B0] =	vst v1;
	v1 =	vadd.s32 $0x100, v5;
	v3 =	vor.u32 v26, v28;
	v0 =	vld.idx.msk [tilespmem:v4+s23+$0x0], $0xffff  }
0x409: {  	v4 =	vor.u32 s1, v1;
	_ =	sdelay $0x3  }
0x40a: {  	[tilespmem:v3+s25+$0x0] =	vst.idx.msk $0xffff, v0  }
0x40b: {  	[tilespmem:$0x1F9C0] =	vst v1;
	v1 =	vadd.s32 $0x180, v5;
	v3 =	vor.u32 v57, v28;
	v0 =	vld.idx.msk [tilespmem:v4+s23+$0x0], $0xffff  }
0x40c: {  	v4 =	vor.u32 s1, v1;
	_ =	sdelay $0x3  }
0x40d: {  	[tilespmem:v3+s25+$0x0] =	vst.idx.msk $0xffff, v0  }
0x40e: {  	[tilespmem:$0x1F9D0] =	vst v1;
	v1 =	vadd.s32 $0x200, v5;
	v3 =	vor.u32 v9, v28;
	v0 =	vld.idx.msk [tilespmem:v4+s23+$0x0], $0xffff  }
0x40f: {  	v4 =	vor.u32 s1, v1;
	_ =	sdelay $0x3  }
0x410: {  	[tilespmem:v3+s25+$0x0] =	vst.idx.msk $0xffff, v0  }
0x411: {  	[tilespmem:$0x1F9E0] =	vst v1;
	v1 =	vadd.s32 $0x280, v5;
	v3 =	vor.u32 v35, v28;
	v0 =	vld.idx.msk [tilespmem:v4+s23+$0x0], $0xffff  }
0x412: {  	v11 =	vld [tilespmem:$0x1FEC0];
	v4 =	vor.u32 s1, v1;
	_ =	sdelay $0x3  }
0x413: {  	[tilespmem:v3+s25+$0x0] =	vst.idx.msk $0xffff, v0  }
0x414: {  	[tilespmem:$0x1F9F0] =	vst v1;
	v1 =	vadd.s32 $0x300, v5;
	v3 =	vor.u32 v11, v28;
	v0 =	vld.idx.msk [tilespmem:v4+s23+$0x0], $0xffff  }
0x415: {  	v13 =	vld [tilespmem:$0x1FF00];
	v4 =	vor.u32 s1, v1;
	_ =	sdelay $0x3  }
0x416: {  	[tilespmem:v3+s25+$0x0] =	vst.idx.msk $0xffff, v0  }
0x417: {  	[tilespmem:$0x1FA00] =	vst v1;
	v1 =	vadd.s32 $0x380, v5;
	v3 =	vor.u32 v13, v28;
	v0 =	vld.idx.msk [tilespmem:v4+s23+$0x0], $0xffff  }
0x418: {  	v14 =	vld [tilespmem:$0x1FF30];
	v4 =	vor.u32 s1, v1;
	_ =	sdelay $0x3  }
0x419: {  	[tilespmem:v3+s25+$0x0] =	vst.idx.msk $0xffff, v0  }
0x41a: {  	[tilespmem:$0x1FA10] =	vst v1;
	v1 =	vadd.s32 $0x400, v5;
	v3 =	vor.u32 v14, v28;
	v0 =	vld.idx.msk [tilespmem:v4+s23+$0x0], $0xffff  }
0x41b: {  	v4 =	vor.u32 s1, v1;
	_ =	sdelay $0x3  }
0x41c: {  	[tilespmem:v3+s25+$0x0] =	vst.idx.msk $0xffff, v0  }
0x41d: {  	[tilespmem:$0x1FA20] =	vst v1;
	v1 =	vadd.s32 $0x480, v5;
	v3 =	vor.u32 v46, v28;
	v0 =	vld.idx.msk [tilespmem:v4+s23+$0x0], $0xffff  }
0x41e: {  	v4 =	vor.u32 s1, v1;
	_ =	sdelay $0x3  }
0x41f: {  	[tilespmem:v3+s25+$0x0] =	vst.idx.msk $0xffff, v0  }
0x420: {  	[tilespmem:$0x1FA30] =	vst v1;
	v1 =	vadd.s32 $0x500, v5;
	v3 =	vor.u32 v50, v28;
	v0 =	vld.idx.msk [tilespmem:v4+s23+$0x0], $0xffff  }
0x421: {  	v4 =	vor.u32 s1, v1;
	_ =	sdelay $0x3  }
0x422: {  	[tilespmem:v3+s25+$0x0] =	vst.idx.msk $0xffff, v0  }
0x423: {  	[tilespmem:$0x1FA40] =	vst v1;
	v1 =	vadd.s32 $0x580, v5;
	v3 =	vor.u32 v2, v28;
	v0 =	vld.idx.msk [tilespmem:v4+s23+$0x0], $0xffff  }
0x424: {  	v4 =	vor.u32 s1, v1;
	_ =	sdelay $0x3  }
0x425: {  	[tilespmem:v3+s25+$0x0] =	vst.idx.msk $0xffff, v0  }
0x426: {  	[tilespmem:$0x1FA50] =	vst v1;
	v1 =	vadd.s32 $0x600, v5;
	v3 =	vor.u32 v33, v28;
	v0 =	vld.idx.msk [tilespmem:v4+s23+$0x0], $0xffff  }
0x427: {  	v4 =	vor.u32 s1, v1;
	_ =	sdelay $0x3  }
0x428: {  	[tilespmem:v3+s25+$0x0] =	vst.idx.msk $0xffff, v0  }
0x429: {  	[tilespmem:$0x1FA60] =	vst v1;
	v1 =	vadd.s32 $0x680, v5;
	v3 =	vor.u32 v55, v28;
	v0 =	vld.idx.msk [tilespmem:v4+s23+$0x0], $0xffff  }
0x42a: {  	v4 =	vor.u32 s1, v1;
	_ =	sdelay $0x3  }
0x42b: {  	[tilespmem:v3+s25+$0x0] =	vst.idx.msk $0xffff, v0  }
0x42c: {  	[tilespmem:$0x1FA70] =	vst v1;
	v1 =	vadd.s32 $0x700, v5;
	v3 =	vor.u32 v53, v28;
	v0 =	vld.idx.msk [tilespmem:v4+s23+$0x0], $0xffff  }
0x42d: {  	v4 =	vor.u32 s1, v1;
	_ =	sdelay $0x3  }
0x42e: {  	[tilespmem:v3+s25+$0x0] =	vst.idx.msk $0xffff, v0  }
0x42f: {  	[tilespmem:$0x1FA80] =	vst v1;
	v1 =	vadd.s32 $0x780, v5;
	v3 =	vor.u32 v51, v28;
	v0 =	vld.idx.msk [tilespmem:v4+s23+$0x0], $0xffff  }
0x430: {  	v4 =	vor.u32 s1, v1;
	_ =	sdelay $0x3  }
0x431: {  	[tilespmem:v3+s25+$0x0] =	vst.idx.msk $0xffff, v0  }
0x432: {  	[tilespmem:$0x1FA90] =	vst v1;
	v1 =	vor.u32 $0x800, v5;
	v3 =	vor.u32 v41, v28;
	v0 =	vld.idx.msk [tilespmem:v4+s23+$0x0], $0xffff  }
0x433: {  	v4 =	vor.u32 s1, v1  }
0x434: {  	[tilespmem:$0x1FAA0] =	vst v1;
	v1 =	vld [tilespmem:$0x1FD80];
	_ =	sdelay $0x2  }
0x435: {  	[tilespmem:v3+s25+$0x0] =	vst.idx.msk $0xffff, v0  }
0x436: {  	v3 =	vor.u32 v49, v28;
	v0 =	vld.idx.msk [tilespmem:v4+s23+$0x0], $0xffff  }
0x437: {  	v4 =	vor.u32 s1, v1  }
0x438: {  	v31 =	vmov v1;
	v1 =	vld [tilespmem:$0x1FD90];
	_ =	sdelay $0x2  }
0x439: {  	[tilespmem:v3+s25+$0x0] =	vst.idx.msk $0xffff, v0  }
0x43a: {  	v3 =	vor.u32 v21, v28;
	v0 =	vld.idx.msk [tilespmem:v4+s23+$0x0], $0xffff  }
0x43b: {  	v4 =	vor.u32 s1, v1  }
0x43c: {  	v45 =	vmov v1;
	v1 =	vld [tilespmem:$0x1FDA0];
	_ =	sdelay $0x2  }
0x43d: {  	[tilespmem:v3+s25+$0x0] =	vst.idx.msk $0xffff, v0  }
0x43e: {  	v3 =	vor.u32 v20, v28;
	v0 =	vld.idx.msk [tilespmem:v4+s23+$0x0], $0xffff  }
0x43f: {  	v4 =	vor.u32 s1, v1  }
0x440: {  	v15 =	vmov v2;
	v2 =	vld [tilespmem:$0x1FDB0];
	_ =	sdelay $0x2  }
0x441: {  	[tilespmem:v3+s25+$0x0] =	vst.idx.msk $0xffff, v0  }
0x442: {  	v3 =	vor.u32 v29, v28;
	v0 =	vld.idx.msk [tilespmem:v4+s23+$0x0], $0xffff  }
0x443: {  	v4 =	vor.u32 s1, v2  }
0x444: {  	v43 =	vmov v2;
	v2 =	vld [tilespmem:$0x1FDC0];
	_ =	sdelay $0x2  }
0x445: {  	[tilespmem:v3+s25+$0x0] =	vst.idx.msk $0xffff, v0  }
0x446: {  	v3 =	vor.u32 v47, v28;
	v0 =	vld.idx.msk [tilespmem:v4+s23+$0x0], $0xffff  }
0x447: {  	v4 =	vor.u32 s1, v2  }
0x448: {  	v2 =	vld [tilespmem:$0x1FDD0];
	_ =	sdelay $0x2  }
0x449: {  	[tilespmem:v3+s25+$0x0] =	vst.idx.msk $0xffff, v0  }
0x44a: {  	v3 =	vor.u32 v25, v28;
	v0 =	vld.idx.msk [tilespmem:v4+s23+$0x0], $0xffff  }
0x44b: {  	v4 =	vor.u32 s1, v2  }
0x44c: {  	[tilespmem:$0x1FAB0] =	vst v8;
	v8 =	vmov v5;
	v5 =	vmov v35;
	v35 =	vmov v2;
	v2 =	vld [tilespmem:$0x1FDE0];
	_ =	sdelay $0x2  }
0x44d: {  	[tilespmem:v3+s25+$0x0] =	vst.idx.msk $0xffff, v0  }
0x44e: {  	v0 =	vld.idx.msk [tilespmem:v4+s23+$0x0], $0xffff  }
0x44f: {  	v3 =	vor.u32 v10, v28;
	v4 =	vor.u32 s1, v2;
	v2 =	vld [tilespmem:$0x1FAC0];
	_ =	sdelay $0x4  }
0x450: {  	[tilespmem:v3+s25+$0x0] =	vst.idx.msk $0xffff, v0;
	v3 =	vor.u32 v2, v28;
	v2 =	vld [tilespmem:$0x1FDF0];
	_ =	sdelay $0x3  }
0x451: {  	v0 =	vld.idx.msk [tilespmem:v4+s23+$0x0], $0xffff  }
0x452: {  	v27 =	vmovc v29;
	v29 =	vmov v24;
	v24 =	vmov v55;
	v55 =	vld [tilespmem:$0x1FAD0];
	v4 =	vor.u32 s1, v2;
	_ =	sdelay $0x3  }
0x453: {  	[tilespmem:v3+s25+$0x0] =	vst.idx.msk $0xffff, v0  }
0x454: {  	v3 =	vor.u32 v55, v28;
	v0 =	vld.idx.msk [tilespmem:v4+s23+$0x0], $0xffff  }
0x455: {  	v39 =	vmovc v1;
	v1 =	vmovc v20;
	v20 =	vmov v21;
	v21 =	vmov v25;
	v25 =	vld [tilespmem:$0x1FAB0];
	v4 =	vor.u32 s1, v18;
	_ =	sdelay $0x3  }
0x456: {  	[tilespmem:v3+s25+$0x0] =	vst.idx.msk $0xffff, v0  }
0x457: {  	v3 =	vor.u32 v25, v28;
	v0 =	vld.idx.msk [tilespmem:v4+s23+$0x0], $0xffff  }
0x458: {  	v2 =	vld [tilespmem:$0x1FAE0];
	v4 =	vor.u32 s1, v19  }
0x459: {  	v12 =	vld [tilespmem:$0x1FF60];
	_ =	sdelay $0x2  }
0x45a: {  	[tilespmem:v3+s25+$0x0] =	vst.idx.msk $0xffff, v0  }
0x45b: {  	v3 =	vor.u32 v2, v28;
	v0 =	vld.idx.msk [tilespmem:v4+s23+$0x0], $0xffff  }
0x45c: {  	v4 =	vor.u32 s1, v12  }
0x45d: {  	v23 =	vmov v6;
	v6 =	vld [tilespmem:$0x1FF70];
	_ =	sdelay $0x2  }
0x45e: {  	[tilespmem:v3+s25+$0x0] =	vst.idx.msk $0xffff, v0  }
0x45f: {  	v3 =	vor.u32 v37, v28;
	v0 =	vld.idx.msk [tilespmem:v4+s23+$0x0], $0xffff  }
0x460: {  	v4 =	vor.u32 s1, v6;
	_ =	sdelay $0x3  }
0x461: {  	[tilespmem:v3+s25+$0x0] =	vst.idx.msk $0xffff, v0  }
0x462: {  	v3 =	vor.u32 v17, v28;
	v0 =	vld.idx.msk [tilespmem:v4+s23+$0x0], $0xffff  }
0x463: {  	v2 =	vld [tilespmem:$0x1FAF0];
	v4 =	vor.u32 s1, v7;
	_ =	sdelay $0x3  }
0x464: {  	[tilespmem:v3+s25+$0x0] =	vst.idx.msk $0xffff, v0  }
0x465: {  	v3 =	vor.u32 v2, v28;
	v0 =	vld.idx.msk [tilespmem:v4+s23+$0x0], $0xffff  }
0x466: {  	v2 =	vld [tilespmem:$0x1FB00];
	v4 =	vor.u32 s1, v23;
	_ =	sdelay $0x3  }
0x467: {  	[tilespmem:v3+s25+$0x0] =	vst.idx.msk $0xffff, v0  }
0x468: {  	v3 =	vor.u32 v2, v28;
	v0 =	vld.idx.msk [tilespmem:v4+s23+$0x0], $0xffff  }
0x469: {  	v4 =	vor.u32 s1, v29  }
0x46a: {  	v29 =	vld [tilespmem:$0x1FB10];
	_ =	sdelay $0x2  }
0x46b: {  	[tilespmem:v3+s25+$0x0] =	vst.idx.msk $0xffff, v0  }
0x46c: {  	s29 =	simm.s32 $0x10;
	s30 =	simm.s32 $0x20;
	v23 =	vmov v12;
	v12 =	vmov v7;
	v2 =	vmov v6;
	v0 =	vld.idx.msk [tilespmem:v4+s23+$0x0], $0xffff  }
.LBB2_11:
0x46d: {  	v3 =	vor.u32 v29, v28;
	v28 =	vld [tilespmem:$0x1F9A0];
	_ =	sdelay $0x1  }
0x46e: {  	v4 =	vor.u32 s29, v8  }
0x46f: {  	v7 =	vmov s29  }
0x470: {  	v7 =	vshll.u32 v7, $0x5  }
0x471: {  	v7 =	vor.u32 v28, v7  }
0x472: {  	[tilespmem:v3+s25+$0x0] =	vst.idx.msk $0xffff, v0;
	v28 =	vand.u32 $0x780, v7  }
0x473: {  	v0 =	vld.idx.msk [tilespmem:v4+s23+$0x0], $0xffff;
	v4 =	vadd.s32 $0x80, v8;
	v3 =	vor.u32 v16, v28  }
0x474: {  	v4 =	vor.u32 s29, v4;
	_ =	sdelay $0x3  }
0x475: {  	[tilespmem:v3+s25+$0x0] =	vst.idx.msk $0xffff, v0  }
0x476: {  	v3 =	vor.u32 v26, v28;
	v0 =	vld.idx.msk [tilespmem:v4+s23+$0x0], $0xffff;
	v4 =	vadd.s32 $0x100, v8  }
0x477: {  	v4 =	vor.u32 s29, v4;
	_ =	sdelay $0x3  }
0x478: {  	[tilespmem:v3+s25+$0x0] =	vst.idx.msk $0xffff, v0  }
0x479: {  	v3 =	vor.u32 v57, v28;
	v0 =	vld.idx.msk [tilespmem:v4+s23+$0x0], $0xffff;
	v4 =	vadd.s32 $0x180, v8  }
0x47a: {  	v4 =	vor.u32 s29, v4;
	_ =	sdelay $0x3  }
0x47b: {  	[tilespmem:v3+s25+$0x0] =	vst.idx.msk $0xffff, v0  }
0x47c: {  	v3 =	vor.u32 v9, v28;
	v0 =	vld.idx.msk [tilespmem:v4+s23+$0x0], $0xffff;
	v4 =	vadd.s32 $0x200, v8  }
0x47d: {  	v4 =	vor.u32 s29, v4;
	_ =	sdelay $0x3  }
0x47e: {  	[tilespmem:v3+s25+$0x0] =	vst.idx.msk $0xffff, v0  }
0x47f: {  	v3 =	vor.u32 v5, v28;
	v0 =	vld.idx.msk [tilespmem:v4+s23+$0x0], $0xffff;
	v4 =	vadd.s32 $0x280, v8  }
0x480: {  	v4 =	vor.u32 s29, v4;
	_ =	sdelay $0x3  }
0x481: {  	[tilespmem:v3+s25+$0x0] =	vst.idx.msk $0xffff, v0  }
0x482: {  	v3 =	vor.u32 v11, v28;
	v0 =	vld.idx.msk [tilespmem:v4+s23+$0x0], $0xffff;
	v4 =	vadd.s32 $0x300, v8  }
0x483: {  	v4 =	vor.u32 s29, v4;
	_ =	sdelay $0x3  }
0x484: {  	[tilespmem:v3+s25+$0x0] =	vst.idx.msk $0xffff, v0  }
0x485: {  	v3 =	vor.u32 v13, v28;
	v0 =	vld.idx.msk [tilespmem:v4+s23+$0x0], $0xffff;
	v4 =	vadd.s32 $0x380, v8  }
0x486: {  	v4 =	vor.u32 s29, v4;
	_ =	sdelay $0x3  }
0x487: {  	[tilespmem:v3+s25+$0x0] =	vst.idx.msk $0xffff, v0  }
0x488: {  	v3 =	vor.u32 v14, v28;
	v0 =	vld.idx.msk [tilespmem:v4+s23+$0x0], $0xffff;
	v4 =	vadd.s32 $0x400, v8  }
0x489: {  	v4 =	vor.u32 s29, v4;
	_ =	sdelay $0x3  }
0x48a: {  	[tilespmem:v3+s25+$0x0] =	vst.idx.msk $0xffff, v0  }
0x48b: {  	v3 =	vor.u32 v46, v28;
	v0 =	vld.idx.msk [tilespmem:v4+s23+$0x0], $0xffff;
	v4 =	vadd.s32 $0x480, v8  }
0x48c: {  	v4 =	vor.u32 s29, v4;
	_ =	sdelay $0x3  }
0x48d: {  	[tilespmem:v3+s25+$0x0] =	vst.idx.msk $0xffff, v0  }
0x48e: {  	v3 =	vor.u32 v50, v28;
	v0 =	vld.idx.msk [tilespmem:v4+s23+$0x0], $0xffff;
	v4 =	vadd.s32 $0x500, v8  }
0x48f: {  	v4 =	vor.u32 s29, v4;
	_ =	sdelay $0x3  }
0x490: {  	[tilespmem:v3+s25+$0x0] =	vst.idx.msk $0xffff, v0  }
0x491: {  	v3 =	vor.u32 v15, v28;
	v0 =	vld.idx.msk [tilespmem:v4+s23+$0x0], $0xffff;
	v4 =	vadd.s32 $0x580, v8  }
0x492: {  	v4 =	vor.u32 s29, v4;
	_ =	sdelay $0x3  }
0x493: {  	[tilespmem:v3+s25+$0x0] =	vst.idx.msk $0xffff, v0  }
0x494: {  	v3 =	vor.u32 v33, v28;
	v0 =	vld.idx.msk [tilespmem:v4+s23+$0x0], $0xffff;
	v4 =	vadd.s32 $0x600, v8  }
0x495: {  	v4 =	vor.u32 s29, v4;
	_ =	sdelay $0x3  }
0x496: {  	[tilespmem:v3+s25+$0x0] =	vst.idx.msk $0xffff, v0  }
0x497: {  	v3 =	vor.u32 v24, v28;
	v0 =	vld.idx.msk [tilespmem:v4+s23+$0x0], $0xffff;
	v4 =	vadd.s32 $0x680, v8  }
0x498: {  	v4 =	vor.u32 s29, v4;
	_ =	sdelay $0x3  }
0x499: {  	[tilespmem:v3+s25+$0x0] =	vst.idx.msk $0xffff, v0  }
0x49a: {  	v3 =	vor.u32 v53, v28;
	v0 =	vld.idx.msk [tilespmem:v4+s23+$0x0], $0xffff;
	v4 =	vadd.s32 $0x700, v8  }
0x49b: {  	v4 =	vor.u32 s29, v4;
	_ =	sdelay $0x3  }
0x49c: {  	[tilespmem:v3+s25+$0x0] =	vst.idx.msk $0xffff, v0  }
0x49d: {  	v3 =	vor.u32 v51, v28;
	v0 =	vld.idx.msk [tilespmem:v4+s23+$0x0], $0xffff;
	v4 =	vadd.s32 $0x780, v8  }
0x49e: {  	v4 =	vor.u32 s29, v4;
	_ =	sdelay $0x3  }
0x49f: {  	[tilespmem:v3+s25+$0x0] =	vst.idx.msk $0xffff, v0  }
0x4a0: {  	v3 =	vor.u32 v41, v28;
	v0 =	vld.idx.msk [tilespmem:v4+s23+$0x0], $0xffff;
	v4 =	vor.u32 $0x800, v8  }
0x4a1: {  	v4 =	vor.u32 s29, v4;
	_ =	sdelay $0x3  }
0x4a2: {  	[tilespmem:v3+s25+$0x0] =	vst.idx.msk $0xffff, v0  }
0x4a3: {  	v3 =	vor.u32 v49, v28;
	v0 =	vld.idx.msk [tilespmem:v4+s23+$0x0], $0xffff  }
0x4a4: {  	v4 =	vor.u32 s29, v31;
	_ =	sdelay $0x3  }
0x4a5: {  	[tilespmem:v3+s25+$0x0] =	vst.idx.msk $0xffff, v0  }
0x4a6: {  	v3 =	vor.u32 v20, v28;
	v0 =	vld.idx.msk [tilespmem:v4+s23+$0x0], $0xffff  }
0x4a7: {  	v4 =	vor.u32 s29, v45;
	_ =	sdelay $0x3  }
0x4a8: {  	[tilespmem:v3+s25+$0x0] =	vst.idx.msk $0xffff, v0  }
0x4a9: {  	v3 =	vor.u32 v1, v28;
	v0 =	vld.idx.msk [tilespmem:v4+s23+$0x0], $0xffff  }
0x4aa: {  	v4 =	vor.u32 s29, v39;
	_ =	sdelay $0x3  }
0x4ab: {  	[tilespmem:v3+s25+$0x0] =	vst.idx.msk $0xffff, v0  }
0x4ac: {  	v3 =	vor.u32 v27, v28;
	v0 =	vld.idx.msk [tilespmem:v4+s23+$0x0], $0xffff  }
0x4ad: {  	v4 =	vor.u32 s29, v43;
	_ =	sdelay $0x3  }
0x4ae: {  	[tilespmem:v3+s25+$0x0] =	vst.idx.msk $0xffff, v0  }
0x4af: {  	v0 =	vld.idx.msk [tilespmem:v4+s23+$0x0], $0xffff  }
0x4b0: {  	v4 =	vld [tilespmem:$0x1FDC0];
	_ =	sdelay $0x3  }
0x4b1: {  	v3 =	vor.u32 v47, v28  }
0x4b2: {  	v4 =	vor.u32 s29, v4;
	_ =	sdelay $0x3  }
0x4b3: {  	[tilespmem:v3+s25+$0x0] =	vst.idx.msk $0xffff, v0  }
0x4b4: {  	v3 =	vor.u32 v21, v28;
	v0 =	vld.idx.msk [tilespmem:v4+s23+$0x0], $0xffff  }
0x4b5: {  	v4 =	vor.u32 s29, v35;
	_ =	sdelay $0x3  }
0x4b6: {  	[tilespmem:v3+s25+$0x0] =	vst.idx.msk $0xffff, v0  }
0x4b7: {  	v0 =	vld.idx.msk [tilespmem:v4+s23+$0x0], $0xffff  }
0x4b8: {  	v4 =	vld [tilespmem:$0x1FDE0];
	_ =	sdelay $0x3  }
0x4b9: {  	v3 =	vor.u32 v10, v28  }
0x4ba: {  	v4 =	vor.u32 s29, v4;
	_ =	sdelay $0x3  }
0x4bb: {  	[tilespmem:v3+s25+$0x0] =	vst.idx.msk $0xffff, v0;
	v3 =	vld [tilespmem:$0x1FAC0]  }
0x4bc: {  	v0 =	vld.idx.msk [tilespmem:v4+s23+$0x0], $0xffff  }
0x4bd: {  	v4 =	vld [tilespmem:$0x1FDF0];
	_ =	sdelay $0x3  }
0x4be: {  	v3 =	vor.u32 v3, v28  }
0x4bf: {  	v4 =	vor.u32 s29, v4;
	_ =	sdelay $0x3  }
0x4c0: {  	[tilespmem:v3+s25+$0x0] =	vst.idx.msk $0xffff, v0  }
0x4c1: {  	v3 =	vor.u32 v55, v28;
	v0 =	vld.idx.msk [tilespmem:v4+s23+$0x0], $0xffff  }
0x4c2: {  	v4 =	vor.u32 s29, v18;
	_ =	sdelay $0x3  }
0x4c3: {  	[tilespmem:v3+s25+$0x0] =	vst.idx.msk $0xffff, v0  }
0x4c4: {  	v3 =	vor.u32 v25, v28;
	v0 =	vld.idx.msk [tilespmem:v4+s23+$0x0], $0xffff;
	_ =	sdelay $0x4  }
0x4c5: {  	v4 =	vor.u32 s29, v19;
	[tilespmem:v3+s25+$0x0] =	vst.idx.msk $0xffff, v0;
	v3 =	vld [tilespmem:$0x1FAE0];
	_ =	sdelay $0x4  }
0x4c6: {  	v0 =	vld.idx.msk [tilespmem:v4+s23+$0x0], $0xffff;
	v3 =	vor.u32 v3, v28  }
0x4c7: {  	v4 =	vor.u32 s29, v23;
	_ =	sdelay $0x3  }
0x4c8: {  	[tilespmem:v3+s25+$0x0] =	vst.idx.msk $0xffff, v0  }
0x4c9: {  	v3 =	vor.u32 v37, v28;
	v0 =	vld.idx.msk [tilespmem:v4+s23+$0x0], $0xffff  }
0x4ca: {  	v4 =	vor.u32 s29, v2;
	_ =	sdelay $0x3  }
0x4cb: {  	[tilespmem:v3+s25+$0x0] =	vst.idx.msk $0xffff, v0  }
0x4cc: {  	v3 =	vor.u32 v17, v28;
	v0 =	vld.idx.msk [tilespmem:v4+s23+$0x0], $0xffff  }
0x4cd: {  	v4 =	vor.u32 s29, v12;
	_ =	sdelay $0x3  }
0x4ce: {  	[tilespmem:v3+s25+$0x0] =	vst.idx.msk $0xffff, v0;
	v3 =	vld [tilespmem:$0x1FAF0]  }
0x4cf: {  	v0 =	vld.idx.msk [tilespmem:v4+s23+$0x0], $0xffff  }
0x4d0: {  	v4 =	vld [tilespmem:$0x1FF90];
	_ =	sdelay $0x3  }
0x4d1: {  	v3 =	vor.u32 v3, v28  }
0x4d2: {  	v4 =	vor.u32 s29, v4;
	_ =	sdelay $0x3  }
0x4d3: {  	[tilespmem:v3+s25+$0x0] =	vst.idx.msk $0xffff, v0;
	v3 =	vld [tilespmem:$0x1FB00]  }
0x4d4: {  	v0 =	vld.idx.msk [tilespmem:v4+s23+$0x0], $0xffff  }
0x4d5: {  	v4 =	vld [tilespmem:$0x1FFB0];
	_ =	sdelay $0x3  }
0x4d6: {  	v3 =	vor.u32 v3, v28  }
0x4d7: {  	p1 =	sne.s32 s30, $0x30;
	v4 =	vor.u32 s29, v4  }
.Ltmp9:
0x4d8: {  	_ = 	snop;
	(pc) =	sbr.rel @p1 .LBB2_11-.Ltmp9, $3  }
0x4d9: {  	_ =	sdelay $0x1  }
0x4da: {  	[tilespmem:v3+s25+$0x0] =	vst.idx.msk $0xffff, v0  }
0x4db: {  	s29 =	smov.u32 s30;
	s30 =	sadd.s32 $0x10, s30;
	v0 =	vld.idx.msk [tilespmem:v4+s23+$0x0], $0xffff  }
0x4dc: {  	v6 =	vld [tilespmem:$0x1F9A0];
	_ =	sdelay $0x2  }
0x4dd: {  	v3 =	vor.u32 v29, v28;
	v7 =	vmov s29  }
0x4de: {  	v4 =	vor.u32 s29, v8;
	v7 =	vshll.u32 v7, $0x5  }
0x4df: {  	v7 =	vor.u32 v6, v7;
	v6 =	vld [tilespmem:$0x1F9B0];
	_ =	sdelay $0x2  }
0x4e0: {  	[tilespmem:v3+s25+$0x0] =	vst.idx.msk $0xffff, v0;
	v0 =	vand.u32 $0x780, v7  }
0x4e1: {  	v3 =	vld.idx.msk [tilespmem:v4+s23+$0x0], $0xffff;
	v4 =	vor.u32 v16, v0  }
0x4e2: {  	v7 =	vor.u32 s29, v6  }
0x4e3: {  	v6 =	vld [tilespmem:$0x1F9C0];
	_ =	sdelay $0x2  }
0x4e4: {  	[tilespmem:v4+s25+$0x0] =	vst.idx.msk $0xffff, v3  }
0x4e5: {  	v4 =	vor.u32 v26, v0;
	v3 =	vld.idx.msk [tilespmem:v7+s23+$0x0], $0xffff  }
0x4e6: {  	v7 =	vor.u32 s29, v6  }
0x4e7: {  	v6 =	vld [tilespmem:$0x1F9D0];
	_ =	sdelay $0x2  }
0x4e8: {  	[tilespmem:v4+s25+$0x0] =	vst.idx.msk $0xffff, v3  }
0x4e9: {  	v4 =	vor.u32 v57, v0;
	v3 =	vld.idx.msk [tilespmem:v7+s23+$0x0], $0xffff  }
0x4ea: {  	v7 =	vor.u32 s29, v6  }
0x4eb: {  	v6 =	vld [tilespmem:$0x1F9E0];
	_ =	sdelay $0x2  }
0x4ec: {  	[tilespmem:v4+s25+$0x0] =	vst.idx.msk $0xffff, v3  }
0x4ed: {  	v4 =	vor.u32 v9, v0;
	v3 =	vld.idx.msk [tilespmem:v7+s23+$0x0], $0xffff  }
0x4ee: {  	v7 =	vor.u32 s29, v6  }
0x4ef: {  	v6 =	vld [tilespmem:$0x1F9F0];
	_ =	sdelay $0x2  }
0x4f0: {  	[tilespmem:v4+s25+$0x0] =	vst.idx.msk $0xffff, v3  }
0x4f1: {  	v4 =	vor.u32 v5, v0;
	v3 =	vld.idx.msk [tilespmem:v7+s23+$0x0], $0xffff  }
0x4f2: {  	v7 =	vor.u32 s29, v6  }
0x4f3: {  	v6 =	vld [tilespmem:$0x1FA00];
	_ =	sdelay $0x2  }
0x4f4: {  	[tilespmem:v4+s25+$0x0] =	vst.idx.msk $0xffff, v3  }
0x4f5: {  	v4 =	vor.u32 v11, v0;
	v3 =	vld.idx.msk [tilespmem:v7+s23+$0x0], $0xffff  }
0x4f6: {  	v7 =	vor.u32 s29, v6  }
0x4f7: {  	v6 =	vld [tilespmem:$0x1FA10];
	_ =	sdelay $0x2  }
0x4f8: {  	[tilespmem:v4+s25+$0x0] =	vst.idx.msk $0xffff, v3  }
0x4f9: {  	v4 =	vor.u32 v13, v0;
	v3 =	vld.idx.msk [tilespmem:v7+s23+$0x0], $0xffff  }
0x4fa: {  	v7 =	vor.u32 s29, v6  }
0x4fb: {  	v6 =	vld [tilespmem:$0x1FA20];
	_ =	sdelay $0x2  }
0x4fc: {  	[tilespmem:v4+s25+$0x0] =	vst.idx.msk $0xffff, v3  }
0x4fd: {  	v4 =	vor.u32 v14, v0;
	v3 =	vld.idx.msk [tilespmem:v7+s23+$0x0], $0xffff  }
0x4fe: {  	v7 =	vor.u32 s29, v6  }
0x4ff: {  	v6 =	vld [tilespmem:$0x1FA30];
	_ =	sdelay $0x2  }
0x500: {  	[tilespmem:v4+s25+$0x0] =	vst.idx.msk $0xffff, v3  }
0x501: {  	v4 =	vor.u32 v46, v0;
	v3 =	vld.idx.msk [tilespmem:v7+s23+$0x0], $0xffff  }
0x502: {  	v7 =	vor.u32 s29, v6  }
0x503: {  	v6 =	vld [tilespmem:$0x1FA40];
	_ =	sdelay $0x2  }
0x504: {  	[tilespmem:v4+s25+$0x0] =	vst.idx.msk $0xffff, v3  }
0x505: {  	v4 =	vor.u32 v50, v0;
	v3 =	vld.idx.msk [tilespmem:v7+s23+$0x0], $0xffff  }
0x506: {  	v7 =	vor.u32 s29, v6;
	_ =	sdelay $0x3  }
0x507: {  	v6 =	vld [tilespmem:$0x1FA50];
	[tilespmem:v4+s25+$0x0] =	vst.idx.msk $0xffff, v3  }
0x508: {  	v4 =	vor.u32 v15, v0;
	v3 =	vld.idx.msk [tilespmem:v7+s23+$0x0], $0xffff;
	_ =	sdelay $0x3  }
0x509: {  	v7 =	vor.u32 s29, v6  }
0x50a: {  	[tilespmem:v4+s25+$0x0] =	vst.idx.msk $0xffff, v3;
	v4 =	vor.u32 v33, v0;
	v33 =	vld [tilespmem:$0x1FA60];
	_ =	sdelay $0x3  }
0x50b: {  	v3 =	vld.idx.msk [tilespmem:v7+s23+$0x0], $0xffff  }
0x50c: {  	v33 =	vor.u32 s29, v33;
	_ =	sdelay $0x3  }
0x50d: {  	[tilespmem:v4+s25+$0x0] =	vst.idx.msk $0xffff, v3  }
0x50e: {  	v3 =	vld.idx.msk [tilespmem:v33+s23+$0x0], $0xffff  }
0x50f: {  	v33 =	vld [tilespmem:$0x1FA70]  }
0x510: {  	v4 =	vor.u32 v24, v0;
	_ =	sdelay $0x3  }
0x511: {  	v33 =	vor.u32 s29, v33  }
0x512: {  	[tilespmem:v4+s25+$0x0] =	vst.idx.msk $0xffff, v3;
	v4 =	vor.u32 v53, v0;
	v53 =	vld [tilespmem:$0x1FA80];
	_ =	sdelay $0x3  }
0x513: {  	v3 =	vld.idx.msk [tilespmem:v33+s23+$0x0], $0xffff  }
0x514: {  	v33 =	vor.u32 s29, v53  }
0x515: {  	v53 =	vld [tilespmem:$0x1FA90];
	_ =	sdelay $0x2  }
0x516: {  	[tilespmem:v4+s25+$0x0] =	vst.idx.msk $0xffff, v3  }
0x517: {  	v51 =	vor.u32 v51, v0;
	v3 =	vld.idx.msk [tilespmem:v33+s23+$0x0], $0xffff  }
0x518: {  	v33 =	vor.u32 s29, v53  }
0x519: {  	v53 =	vld [tilespmem:$0x1FAA0];
	_ =	sdelay $0x2  }
0x51a: {  	[tilespmem:v51+s25+$0x0] =	vst.idx.msk $0xffff, v3  }
0x51b: {  	v51 =	vor.u32 v41, v0;
	v3 =	vld.idx.msk [tilespmem:v33+s23+$0x0], $0xffff  }
0x51c: {  	v33 =	vor.u32 s29, v53;
	_ =	sdelay $0x3  }
0x51d: {  	[tilespmem:v51+s25+$0x0] =	vst.idx.msk $0xffff, v3  }
0x51e: {  	v41 =	vor.u32 v49, v0;
	v3 =	vld.idx.msk [tilespmem:v33+s23+$0x0], $0xffff  }
0x51f: {  	v49 =	vor.u32 s29, v31;
	_ =	sdelay $0x3  }
0x520: {  	[tilespmem:v41+s25+$0x0] =	vst.idx.msk $0xffff, v3  }
0x521: {  	v51 =	vor.u32 v20, v0;
	v3 =	vld.idx.msk [tilespmem:v49+s23+$0x0], $0xffff  }
0x522: {  	v53 =	vor.u32 s29, v45;
	_ =	sdelay $0x3  }
0x523: {  	[tilespmem:v51+s25+$0x0] =	vst.idx.msk $0xffff, v3  }
0x524: {  	v33 =	vor.u32 v1, v0;
	v3 =	vld.idx.msk [tilespmem:v53+s23+$0x0], $0xffff  }
0x525: {  	v39 =	vor.u32 s29, v39;
	_ =	sdelay $0x3  }
0x526: {  	[tilespmem:v33+s25+$0x0] =	vst.idx.msk $0xffff, v3  }
0x527: {  	v41 =	vor.u32 v27, v0;
	v3 =	vld.idx.msk [tilespmem:v39+s23+$0x0], $0xffff  }
0x528: {  	v45 =	vor.u32 s29, v43  }
0x529: {  	v51 =	vld [tilespmem:$0x1FDC0];
	_ =	sdelay $0x2  }
0x52a: {  	[tilespmem:v41+s25+$0x0] =	vst.idx.msk $0xffff, v3  }
0x52b: {  	v49 =	vor.u32 v47, v0;
	v3 =	vld.idx.msk [tilespmem:v45+s23+$0x0], $0xffff  }
0x52c: {  	v53 =	vor.u32 s29, v51;
	_ =	sdelay $0x3  }
0x52d: {  	[tilespmem:v49+s25+$0x0] =	vst.idx.msk $0xffff, v3  }
0x52e: {  	v1 =	vor.u32 v21, v0;
	v3 =	vld.idx.msk [tilespmem:v53+s23+$0x0], $0xffff  }
0x52f: {  	v33 =	vor.u32 s29, v35  }
0x530: {  	v39 =	vld [tilespmem:$0x1FDE0];
	_ =	sdelay $0x2  }
0x531: {  	[tilespmem:v1+s25+$0x0] =	vst.idx.msk $0xffff, v3  }
0x532: {  	v35 =	vor.u32 v10, v0;
	v3 =	vld.idx.msk [tilespmem:v33+s23+$0x0], $0xffff  }
0x533: {  	v43 =	vld [tilespmem:$0x1FAC0];
	v41 =	vor.u32 s29, v39  }
0x534: {  	v47 =	vld [tilespmem:$0x1FDF0];
	_ =	sdelay $0x2  }
0x535: {  	[tilespmem:v35+s25+$0x0] =	vst.idx.msk $0xffff, v3  }
0x536: {  	v45 =	vor.u32 v43, v0;
	v3 =	vld.idx.msk [tilespmem:v41+s23+$0x0], $0xffff  }
0x537: {  	v49 =	vor.u32 s29, v47;
	_ =	sdelay $0x3  }
0x538: {  	[tilespmem:v45+s25+$0x0] =	vst.idx.msk $0xffff, v3  }
0x539: {  	v51 =	vor.u32 v55, v0;
	v3 =	vld.idx.msk [tilespmem:v49+s23+$0x0], $0xffff  }
0x53a: {  	v53 =	vor.u32 s29, v18;
	_ =	sdelay $0x3  }
0x53b: {  	[tilespmem:v51+s25+$0x0] =	vst.idx.msk $0xffff, v3  }
0x53c: {  	v55 =	vor.u32 v25, v0;
	v3 =	vld.idx.msk [tilespmem:v53+s23+$0x0], $0xffff  }
0x53d: {  	v1 =	vor.u32 s29, v19;
	v33 =	vld [tilespmem:$0x1FAE0];
	_ =	sdelay $0x3  }
0x53e: {  	[tilespmem:v55+s25+$0x0] =	vst.idx.msk $0xffff, v3  }
0x53f: {  	v4 =	vor.u32 v33, v0;
	v3 =	vld.idx.msk [tilespmem:v1+s23+$0x0], $0xffff  }
0x540: {  	v35 =	vor.u32 s29, v23;
	_ =	sdelay $0x3  }
0x541: {  	[tilespmem:v4+s25+$0x0] =	vst.idx.msk $0xffff, v3  }
0x542: {  	v39 =	vor.u32 v37, v0;
	v3 =	vld.idx.msk [tilespmem:v35+s23+$0x0], $0xffff  }
0x543: {  	v41 =	vor.u32 s29, v2;
	_ =	sdelay $0x3  }
0x544: {  	[tilespmem:v39+s25+$0x0] =	vst.idx.msk $0xffff, v3  }
0x545: {  	v43 =	vor.u32 v17, v0;
	v3 =	vld.idx.msk [tilespmem:v41+s23+$0x0], $0xffff  }
0x546: {  	v47 =	vld [tilespmem:$0x1FAF0];
	v45 =	vor.u32 s29, v12  }
0x547: {  	v49 =	vld [tilespmem:$0x1FF90];
	_ =	sdelay $0x2  }
0x548: {  	[tilespmem:v43+s25+$0x0] =	vst.idx.msk $0xffff, v3  }
0x549: {  	v4 =	vor.u32 v47, v0;
	v3 =	vld.idx.msk [tilespmem:v45+s23+$0x0], $0xffff  }
0x54a: {  	v51 =	vor.u32 s29, v49;
	v53 =	vld [tilespmem:$0x1FB00]  }
0x54b: {  	v8 =	vld [tilespmem:$0x1FFB0];
	_ =	sdelay $0x2  }
0x54c: {  	[tilespmem:v4+s25+$0x0] =	vst.idx.msk $0xffff, v3  }
0x54d: {  	v4 =	vor.u32 v53, v0;
	v3 =	vld.idx.msk [tilespmem:v51+s23+$0x0], $0xffff  }
0x54e: {  	v55 =	vor.u32 s29, v8;
	_ =	sdelay $0x3  }
0x54f: {  	[tilespmem:v4+s25+$0x0] =	vst.idx.msk $0xffff, v3  }
0x550: {  	v0 =	vor.u32 v29, v0;
	v3 =	vld.idx.msk [tilespmem:v55+s23+$0x0], $0xffff;
	_ =	sdelay $0x4  }
0x551: {  	[tilespmem:v0+s25+$0x0] =	vst.idx.msk $0xffff, v3  }
0x552: {  	[hbm4b:s11+s5] =	stream.linear.scatter [tilespmem:s25], [sflag:$0x6], $0x800, $0x38;
	[tilespmem:$0x11800] =	vst v63  }
.Ltmp10:
0x553: {  	_ = 	snop;
	(pc) =	sbr.rel .LBB2_13-.Ltmp10, $4  }
0x554: {  	_ =	swait.ge [sflag:s26], $0x800  }
0x555: {  	v31 =	vld [tilespmem:$0x1FFE0]  }
0x556: {  	[sflag:s26] =	ssyncset.done $0x0;
	v15 =	vld [tilespmem:$0x1FFF0]  }
0x557: {  	v35 =	vmov v5;
	v28 =	vld [tilespmem:$0x1FE00];
	[sflag:s26] =	ssyncadd.s32 $0xFFFFF800  }
.LBB2_14:
0x558: {  	_ =	sfence.sel $0x180000  }
0x559: {  	[bflag:$0x0] =	sbarrier.arrive $0xFFFF  }
0x55a: {  	_ =	strace $0x90000047  }
0x55b: {  	s0 =	stileid.u32;
	[bflag:$0x2] =	sbarrier.arrive $0xFFFF  }
0x55c: {  	p0 =	sne.s32 s0, $0x0;
	s0 =	rddreg [dreg:$0x2]  }
0x55d: {  	s0 =	sadd.s32 @!p0 $0x100000, s0  }
0x55e: {  	[sflag:s0] =	ssyncadd.tile.s32 @!p0 $0x1;
	_ =	shalt  }
.Lfunc_end2:
_tile_overlayer_lowered:
.L_overlay_start_2:
0x55f: {  	(tag) =	ssettag $0x2  }
0x560: {  	s0 =	rddreg [dreg:$0x0];
	s2 =	stileid.u32  }
0x561: {  	s1 =	rddreg [dreg:$0x1];
	p0 =	sne.s32 s2, $0x0  }
0x562: {  	s3 =	rddreg [dreg:$0x2];
	[bflag:$0x3] =	sbarrier.arrive $0xFFFF;
	s2 =	simm.s32 @!p0 $0x1C07  }
0x563: {  	[timem:s3], [sflag:s2] =	dma.local @!p0 [hbm:s0], s1  }
0x564: {  	s0 =	simm.s32 @!p0 $0x7  }
0x565: {  	_ =	swait.ge @!p0 [sflag:s0], s1  }
0x566: {  	s1 =	ssub.s32 @!p0 $0x0, s1;
	[sflag:s0] =	ssyncset.done @!p0 $0x0  }
0x567: {  	[sflag:s0] =	ssyncadd.s32 @!p0 s1  }
0x568: {  	[bflag:$0x3] =	sbarrier.arrive $0xFFFF  }
0x569: {  	_ =	shalt  }

</sc_bundles>
